<compile_context>
chip_gen: v7x
topology: tpu7x:2x2x1
jax: 0.10.2.dev20260603
libtpu: 0.0.44.dev20260713+nightly
codegen_flags: <defaults>
</compile_context>

<pallas_src>
import functools

import jax
import jax.numpy as jnp
from jax import lax
from jax.experimental import pallas as pl
from jax.experimental.pallas import tpu as pltpu
from jax.experimental.pallas import tpu_sc as plsc

N_NODES = 100000
T = 2
U = 16
D = 128
B = 10000
E = 1600000

NC = 2
NS = 16
NW = NC * NS

ROWS_T = 12544
RC = 16
CHUNKS_T = ROWS_T // RC
CPW_HI = 25
CPW_LO = 24

B_ACC = 10240
ROWS_B = B_ACC // NS
G_FULL = B // 128
G_ROWS = G_FULL + 1
BG = G_ROWS * 128


def _sc_kernel(src_hbm, dst_hbm, nte_hbm, onodes_hbm, nemb_hbm,
               partial_hbm, gathered_hbm,
               src_v, dst_v, gidx_v, rows_v, zbuf_v, oidx_v, grows_v,
               acc0, acc1, sem):
    cid = lax.axis_index("c")
    sid = lax.axis_index("s")
    w = cid * NS + sid

    zero = jnp.zeros((16,), jnp.float32)

    def zbody(i, _):
        zbuf_v[i, :] = zero
        return 0

    lax.fori_loop(0, ROWS_B, zbody, 0)
    pltpu.sync_copy(zbuf_v, acc0.at[pl.ds(sid * ROWS_B, ROWS_B)])
    pltpu.sync_copy(zbuf_v, acc1.at[pl.ds(sid * ROWS_B, ROWS_B)])
    plsc.subcore_barrier()

    nchunks = jnp.where(w < 16, CPW_HI, CPW_LO)
    chunk0 = jnp.where(w < 16, w * CPW_HI,
                       16 * CPW_HI + (w - 16) * CPW_LO)

    for t in range(T):
        acc = acc0 if t == 0 else acc1

        def cbody(c, _, t=t, acc=acc):
            base = (chunk0 + c) * RC
            pltpu.sync_copy(src_hbm.at[t, pl.ds(base, RC)], src_v)
            pltpu.sync_copy(dst_hbm.at[t, pl.ds(base, RC)], dst_v)

            def ibody(j, _):
                for l in range(8):
                    gidx_v[j, pl.ds(l * 16, 16)] = (
                        src_v[j, pl.ds(l * 16, 16)] * T + t)
                return 0

            lax.fori_loop(0, RC, ibody, 0)

            def gfire(j, _):
                pltpu.make_async_copy(
                    nte_hbm.at[gidx_v.at[j]], rows_v.at[j], sem).start()
                return 0

            lax.fori_loop(0, RC, gfire, 0)

            def gdrain(j, _):
                pltpu.make_async_copy(
                    nte_hbm.at[gidx_v.at[j]], rows_v.at[j], sem).wait()
                return 0

            lax.fori_loop(0, RC, gdrain, 0)

            def sbody(j, _):
                pltpu.sync_copy(rows_v.at[j], acc.at[dst_v.at[j]], add=True)
                return 0

            lax.fori_loop(0, RC, sbody, 0)
            return 0

        lax.fori_loop(0, nchunks, cbody, 0)

    plsc.subcore_barrier()

    pltpu.sync_copy(acc0.at[pl.ds(sid * ROWS_B, ROWS_B)],
                    partial_hbm.at[cid, 0, pl.ds(sid * ROWS_B, ROWS_B)])
    pltpu.sync_copy(acc1.at[pl.ds(sid * ROWS_B, ROWS_B)],
                    partial_hbm.at[cid, 1, pl.ds(sid * ROWS_B, ROWS_B)])

    gstart = jnp.where(w < 15, 3 * w, 45 + 2 * (w - 15))
    gcnt = jnp.where(w < 15, 3, jnp.where(w < 31, 2, 1))

    def gbody(s3, _):
        r = gstart + s3
        pltpu.sync_copy(onodes_hbm.at[pl.ds(r * 128, 128)], oidx_v.at[s3])
        pltpu.async_copy(nemb_hbm.at[oidx_v.at[s3]], grows_v, sem).wait()
        pltpu.sync_copy(grows_v, gathered_hbm.at[pl.ds(r * 128, 128)])
        return 0

    lax.fori_loop(0, gcnt, gbody, 0)

    izero = jnp.zeros((16,), jnp.int32)

    def pbody(_, __):
        for l in range(8):
            oidx_v[1, pl.ds(l * 16, 16)] = izero
        pltpu.sync_copy(onodes_hbm.at[pl.ds(G_FULL * 128, B - G_FULL * 128)],
                        oidx_v.at[1, pl.ds(0, B - G_FULL * 128)])
        pltpu.async_copy(nemb_hbm.at[oidx_v.at[1]], grows_v, sem).wait()
        pltpu.sync_copy(grows_v, gathered_hbm.at[pl.ds(G_FULL * 128, 128)])
        return 0

    lax.fori_loop(0, jnp.where(w == 31, 1, 0), pbody, 0)


def _tc_body(partial_ref, gathered_ref, s1_ref, s2_ref, w_ref, out_ref):
    p = partial_ref[...]
    agg0 = p[0, 0] + p[1, 0]
    agg1 = p[0, 1] + p[1, 1]
    s1 = s1_ref[...]
    s2 = s2_ref[...]
    h0 = jnp.tanh(jnp.dot(agg0, s1[0], preferred_element_type=jnp.float32))
    h1 = jnp.tanh(jnp.dot(agg1, s1[1], preferred_element_type=jnp.float32))
    l0 = jnp.sum(h0 * s2[0][None, :], axis=1, keepdims=True)
    l1 = jnp.sum(h1 * s2[1][None, :], axis=1, keepdims=True)
    m = jnp.maximum(l0, l1)
    e0 = jnp.exp(l0 - m)
    e1 = jnp.exp(l1 - m)
    inv = 1.0 / (e0 + e1)
    mixed = (e0 * inv) * agg0 + (e1 * inv) * agg1
    g = gathered_ref[...]
    wts = w_ref[...]
    for t in range(T):
        v = g + jnp.dot(mixed, wts[t], preferred_element_type=jnp.float32)
        nrm = jnp.sqrt(jnp.sum(v * v, axis=1, keepdims=True))
        out_ref[:, t, :] = v / jnp.maximum(nrm, 1e-12)


def kernel(node_embeddings, node_type_embeddings, trans_weights,
           trans_weights_s1, trans_weights_s2, input_nodes, output_nodes,
           edge_src, edge_dst):
    nte = node_type_embeddings.reshape(N_NODES * T, U)

    pad = ROWS_T * 128 - E
    pad_src = jnp.arange(pad, dtype=jnp.int32) % 128
    pad_dst = B + (jnp.arange(pad, dtype=jnp.int32) % 128)
    src_p = jnp.concatenate(
        [edge_src, jnp.broadcast_to(pad_src, (T, pad))], axis=1
    ).reshape(T, ROWS_T, 128)
    dst_p = jnp.concatenate(
        [edge_dst, jnp.broadcast_to(pad_dst, (T, pad))], axis=1
    ).reshape(T, ROWS_T, 128)

    sc = functools.partial(
        pl.kernel,
        out_type=[
            jax.ShapeDtypeStruct((NC, T, B_ACC, U), jnp.float32),
            jax.ShapeDtypeStruct((BG, D), jnp.float32),
        ],
        mesh=plsc.VectorSubcoreMesh(core_axis_name="c", subcore_axis_name="s"),
        compiler_params=pltpu.CompilerParams(use_tc_tiling_on_sc=False),
        scratch_types=[
            pltpu.VMEM((RC, 128), jnp.int32),
            pltpu.VMEM((RC, 128), jnp.int32),
            pltpu.VMEM((RC, 128), jnp.int32),
            pltpu.VMEM((RC, 128, U), jnp.float32),
            pltpu.VMEM((ROWS_B, U), jnp.float32),
            pltpu.VMEM((3, 128), jnp.int32),
            pltpu.VMEM((128, D), jnp.float32),
            pltpu.VMEM_SHARED((B_ACC, U), jnp.float32),
            pltpu.VMEM_SHARED((B_ACC, U), jnp.float32),
            pltpu.SemaphoreType.DMA,
        ],
    )(_sc_kernel)
    partial, gathered = sc(src_p, dst_p, nte, output_nodes, node_embeddings)

    BB = 2000
    s2r = trans_weights_s2.reshape(T, 16)
    out = pl.pallas_call(
        _tc_body,
        grid=(B // BB,),
        in_specs=[
            pl.BlockSpec((NC, T, BB, U), lambda i: (0, 0, i, 0)),
            pl.BlockSpec((BB, D), lambda i: (i, 0)),
            pl.BlockSpec((T, U, 16), lambda i: (0, 0, 0)),
            pl.BlockSpec((T, 16), lambda i: (0, 0)),
            pl.BlockSpec((T, U, D), lambda i: (0, 0, 0)),
        ],
        out_specs=pl.BlockSpec((BB, T, D), lambda i: (i, 0, 0)),
        out_shape=jax.ShapeDtypeStruct((B, T, D), jnp.float32),
    )(partial, gathered, trans_weights_s1, s2r, trans_weights)
    return out

# --- scband reference (transcript-rebuilt; emitter-appended) ---
"""Pipeline reference for scband-dglgatne-6923487281349 (READ-ONLY COPY).

The authoritative reference and input builder live on the scoring server;
editing this copy changes nothing except your own understanding.
"""

import jax, jax.numpy as jnp
import numpy as np

NUM_NODES = 100000
EMB = 128
EMB_U = 16
T = 2
DIM_A = 16
B = 10000
E = 1600000


def setup_inputs(seed: int = 0):
    key = jax.random.key(seed)
    ks = jax.random.split(key, 9)
    node_embeddings = jax.random.uniform(ks[0], (NUM_NODES, EMB), jnp.float32, -1.0, 1.0)
    node_type_embeddings = jax.random.uniform(ks[1], (NUM_NODES, T, EMB_U), jnp.float32, -1.0, 1.0)
    std = 1.0 / np.sqrt(EMB)
    trans_weights = jax.random.normal(ks[2], (T, EMB_U, EMB), jnp.float32) * std
    trans_weights_s1 = jax.random.normal(ks[3], (T, EMB_U, DIM_A), jnp.float32) * std
    trans_weights_s2 = jax.random.normal(ks[4], (T, DIM_A, 1), jnp.float32) * std
    input_nodes = jnp.arange(NUM_NODES, dtype=jnp.int32)
    output_nodes = jax.random.randint(ks[5], (B,), 0, NUM_NODES, dtype=jnp.int32)
    edge_src = jax.random.randint(ks[6], (T, E), 0, NUM_NODES, dtype=jnp.int32)
    edge_dst = jax.random.randint(ks[7], (T, E), 0, B, dtype=jnp.int32)
    return {
        "node_embeddings": node_embeddings,
        "node_type_embeddings": node_type_embeddings,
        "trans_weights": trans_weights,
        "trans_weights_s1": trans_weights_s1,
        "trans_weights_s2": trans_weights_s2,
        "input_nodes": input_nodes,
        "output_nodes": output_nodes,
        "edge_src": edge_src,
        "edge_dst": edge_dst,
    }


def reference(node_embeddings, node_type_embeddings, trans_weights, trans_weights_s1, trans_weights_s2, input_nodes, output_nodes, edge_src, edge_dst):
    Tn = trans_weights.shape[0]
    u = trans_weights.shape[1]
    d = trans_weights.shape[2]
    Bn = output_nodes.shape[0]
    # per-edge-type message passing: copy_u + sum over edges into dst nodes
    aggs = []
    for i in range(Tn):
        src_feat = node_type_embeddings[input_nodes, i]          # [N_src, u] gather
        msgs = src_feat[edge_src[i]]                              # [E, u] gather
        aggs.append(jax.ops.segment_sum(msgs, edge_dst[i], num_segments=Bn))  # scatter-add
    node_type_embed = jnp.stack(aggs, 1)                          # [B, T, u]
    # attention over edge types (same math as torch repeat/view version, via batched matmul broadcast)
    tmp = node_type_embed.reshape(Bn, Tn, 1, u)
    att_logits = jnp.matmul(jnp.tanh(jnp.matmul(tmp, trans_weights_s1[None])), trans_weights_s2[None]).reshape(Bn, Tn)
    att = jax.nn.softmax(att_logits, axis=1)                      # [B, T]
    attention = jnp.broadcast_to(att[:, None, :], (Bn, Tn, Tn))   # repeat across edge types
    mixed = jnp.matmul(attention, node_type_embed)                # [B, T, u]
    delta = jnp.matmul(mixed.reshape(Bn, Tn, 1, u), trans_weights[None]).reshape(Bn, Tn, d)
    node_embed = node_embeddings[output_nodes][:, None, :] + delta  # broadcast == repeat over T
    norm = jnp.linalg.norm(node_embed, axis=2, keepdims=True)
    last_node_embed = node_embed / jnp.maximum(norm, 1e-12)       # F.normalize(dim=2)
    return last_node_embed

if __name__ == "__main__":
    import jax
    _d = setup_inputs()
    print(jax.jit(kernel)(*tuple(_d.values())))

</pallas_src>

<mosaic_0001>
#map = affine_map<(d0, d1) -> (0, 0, 0)>
#map1 = affine_map<(d0, d1) -> (0, 0)>
#map2 = affine_map<(d0, d1) -> (0)>
#map3 = affine_map<(d0, d1) -> (0, 0, 0, 0)>
module attributes {stable_mosaic.version = 14 : i64} {
  func.func @_sc_kernel(%arg0: i32, %arg1: i32, %arg2: memref<2x12544x128xi32, #tpu.memory_space<hbm>>, %arg3: memref<2x12544x128xi32, #tpu.memory_space<hbm>>, %arg4: memref<200000x16xf32, #tpu.memory_space<hbm>>, %arg5: memref<10000xi32, #tpu.memory_space<hbm>>, %arg6: memref<100000x128xf32, #tpu.memory_space<hbm>>, %arg7: memref<2x2x10240x16xf32, #tpu.memory_space<hbm>>, %arg8: memref<10112x128xf32, #tpu.memory_space<hbm>>, %arg9: memref<16x128xi32, #tpu.memory_space<vmem>>, %arg10: memref<16x128xi32, #tpu.memory_space<vmem>>, %arg11: memref<16x128xi32, #tpu.memory_space<vmem>>, %arg12: memref<16x128x16xf32, #tpu.memory_space<vmem>>, %arg13: memref<640x16xf32, #tpu.memory_space<vmem>>, %arg14: memref<3x128xi32, #tpu.memory_space<vmem>>, %arg15: memref<128x128xf32, #tpu.memory_space<vmem>>, %arg16: memref<10240x16xf32, #tpu.memory_space<vmem_shared>>, %arg17: memref<10240x16xf32, #tpu.memory_space<vmem_shared>>, %arg18: memref<!tpu.dma_semaphore, #tpu.memory_space<semaphore_mem>>) attributes {dimension_semantics = [#tpu.dimension_semantics<core_parallel>, #tpu.dimension_semantics<subcore_parallel>], iteration_bounds = array<i64: 2, 16>, scalar_prefetch = 0 : i64, scratch_operands = 10 : i64, tpu.core_type = #tpu.core_type<sc_vector_subcore>, window_params = [{transform_indices = #map}, {transform_indices = #map}, {transform_indices = #map1}, {transform_indices = #map2}, {transform_indices = #map1}, {transform_indices = #map3}, {transform_indices = #map1}]} {
    %mul3A = arith.constant 16 : i32
    %mul3A_0 = arith.muli %arg0, %mul3A : i32
    %add3A = arith.addi %mul3A_0, %arg1 : i32
    %broadcast_in_dim3A = arith.constant 0.000000e+00 : f32
    %broadcast_in_dim3A_1 = vector.broadcast %broadcast_in_dim3A : f32 to vector<16xf32>
    %scan3A = arith.constant 0 : i32
    %scan3A_2 = arith.constant 0 : i32
    %scan3A_3 = arith.constant 640 : i32
    %scan3A_4 = arith.addi %scan3A_2, %scan3A_3 : i32
    %scan3A_5 = arith.constant 1 : i32
    %scan3A_6 = scf.for %scan3A_107 = %scan3A_2 to %scan3A_4 step %scan3A_5 iter_args(%scan3A_108 = %scan3A) -> (i32)  : i32 {
      %swap3A = arith.index_cast %scan3A_107 : i32 to index
      %swap3A_109 = arith.constant 0 : index
      %swap3A_110 = tpu.vector_load %arg13[%swap3A, %swap3A_109] {strides = array<i32>} : memref<640x16xf32, #tpu.memory_space<vmem>>, vector<1x16xf32>,
      %swap3A_111 = vector.shape_cast %swap3A_110 : vector<1x16xf32> to vector<16xf32>
      %swap3A_112 = vector.shape_cast %broadcast_in_dim3A_1 : vector<16xf32> to vector<1x16xf32>
      tpu.vector_store %arg13[%swap3A, %swap3A_109], %swap3A_112 {strides = array<i32>} : memref<640x16xf32, #tpu.memory_space<vmem>>, vector<1x16xf32>,
      %scan3A_113 = arith.constant 0 : i32
      scf.yield %scan3A_113 : i32
    }
    %scan3A_7 = arith.constant 640 : i32
    %mul3A_8 = arith.constant 640 : i32
    %mul3A_9 = arith.muli %arg1, %mul3A_8 : i32
    "tpu.region"() ({
      %run_scoped3A_107 = tpu.sem_alloc : memref<!tpu.dma_semaphore, #tpu.memory_space<semaphore_mem>>
      %dma_start3A = arith.constant 0 : i32
      %dma_start3A_108 = tpu.memref_slice %arg16[%mul3A_9, %dma_start3A] : memref<10240x16xf32, #tpu.memory_space<vmem_shared>> -> memref<640x16xf32, #tpu.memory_space<vmem_shared>>
      %dma_start3A_109 = arith.constant 0 : i32
      %dma_start3A_110 = tpu.memref_slice %arg16[%mul3A_9, %dma_start3A_109] : memref<10240x16xf32, #tpu.memory_space<vmem_shared>> -> memref<640x16xf32, #tpu.memory_space<vmem_shared>>
      tpu.enqueue_dma source(%arg13 : memref<640x16xf32, #tpu.memory_space<vmem>>) target(%dma_start3A_110 : memref<640x16xf32, #tpu.memory_space<vmem_shared>>) target_semaphore(%run_scoped3A_107 : memref<!tpu.dma_semaphore, #tpu.memory_space<semaphore_mem>>)
      %dma_wait3A = arith.constant 0 : i32
      %dma_wait3A_111 = tpu.memref_slice %arg16[%mul3A_9, %dma_wait3A] : memref<10240x16xf32, #tpu.memory_space<vmem_shared>> -> memref<640x16xf32, #tpu.memory_space<vmem_shared>>
      %dma_wait3A_112 = arith.constant 0 : i32
      %dma_wait3A_113 = tpu.memref_slice %arg16[%mul3A_9, %dma_wait3A_112] : memref<10240x16xf32, #tpu.memory_space<vmem_shared>> -> memref<640x16xf32, #tpu.memory_space<vmem_shared>>
      tpu.wait_dma2 semaphore(%run_scoped3A_107 : memref<!tpu.dma_semaphore, #tpu.memory_space<semaphore_mem>>) src(%arg13 : memref<640x16xf32, #tpu.memory_space<vmem>>) dst(%dma_wait3A_113 : memref<640x16xf32, #tpu.memory_space<vmem_shared>>)
      tpu.yield
    }) : () -> ()
    %mul3A_10 = arith.constant 640 : i32
    %mul3A_11 = arith.muli %arg1, %mul3A_10 : i32
    "tpu.region"() ({
      %run_scoped3A_107 = tpu.sem_alloc : memref<!tpu.dma_semaphore, #tpu.memory_space<semaphore_mem>>
      %dma_start3A = arith.constant 0 : i32
      %dma_start3A_108 = tpu.memref_slice %arg17[%mul3A_11, %dma_start3A] : memref<10240x16xf32, #tpu.memory_space<vmem_shared>> -> memref<640x16xf32, #tpu.memory_space<vmem_shared>>
      %dma_start3A_109 = arith.constant 0 : i32
      %dma_start3A_110 = tpu.memref_slice %arg17[%mul3A_11, %dma_start3A_109] : memref<10240x16xf32, #tpu.memory_space<vmem_shared>> -> memref<640x16xf32, #tpu.memory_space<vmem_shared>>
      tpu.enqueue_dma source(%arg13 : memref<640x16xf32, #tpu.memory_space<vmem>>) target(%dma_start3A_110 : memref<640x16xf32, #tpu.memory_space<vmem_shared>>) target_semaphore(%run_scoped3A_107 : memref<!tpu.dma_semaphore, #tpu.memory_space<semaphore_mem>>)
      %dma_wait3A = arith.constant 0 : i32
      %dma_wait3A_111 = tpu.memref_slice %arg17[%mul3A_11, %dma_wait3A] : memref<10240x16xf32, #tpu.memory_space<vmem_shared>> -> memref<640x16xf32, #tpu.memory_space<vmem_shared>>
      %dma_wait3A_112 = arith.constant 0 : i32
      %dma_wait3A_113 = tpu.memref_slice %arg17[%mul3A_11, %dma_wait3A_112] : memref<10240x16xf32, #tpu.memory_space<vmem_shared>> -> memref<640x16xf32, #tpu.memory_space<vmem_shared>>
      tpu.wait_dma2 semaphore(%run_scoped3A_107 : memref<!tpu.dma_semaphore, #tpu.memory_space<semaphore_mem>>) src(%arg13 : memref<640x16xf32, #tpu.memory_space<vmem>>) dst(%dma_wait3A_113 : memref<640x16xf32, #tpu.memory_space<vmem_shared>>)
      tpu.yield
    }) : () -> ()
    %barrier3A = arith.constant 0 : index
    tpu.barrier barrier_id(%barrier3A)
    %lt3A = arith.constant 16 : i32
    %lt3A_12 = arith.cmpi slt, %add3A, %lt3A : i32
    %jit3A = arith.constant 25 : i32
    %jit3A_13 = arith.constant 24 : i32
    %select_n3A = arith.select %lt3A_12, %jit3A, %jit3A_13 : i32
    %lt3A_14 = arith.constant 16 : i32
    %lt3A_15 = arith.cmpi slt, %add3A, %lt3A_14 : i32
    %mul3A_16 = arith.constant 25 : i32
    %mul3A_17 = arith.muli %add3A, %mul3A_16 : i32
    %sub3A = arith.constant 16 : i32
    %sub3A_18 = arith.subi %add3A, %sub3A : i32
    %mul3A_19 = arith.constant 24 : i32
    %mul3A_20 = arith.muli %sub3A_18, %mul3A_19 : i32
    %add3A_21 = arith.constant 400 : i32
    %add3A_22 = arith.addi %add3A_21, %mul3A_20 : i32
    %select_n3A_23 = arith.select %lt3A_15, %mul3A_17, %add3A_22 : i32
    %while3A = arith.constant 0 : i32
    %while3A_24 = arith.constant 0 : i32
    %while3A_25 = arith.subi %select_n3A, %while3A : i32
    %while3A_26 = arith.addi %while3A, %while3A_25 : i32
    %while3A_27 = arith.constant 1 : i32
    %while3A_28 = arith.divsi %while3A_25, %while3A_27 : i32
    %while3A_29 = arith.muli %while3A_28, %while3A_27 : i32
    %while3A_30 = arith.addi %while3A, %while3A_29 : i32
    %while3A_31 = arith.constant 1 : i32
    %while3A_32 = scf.for %while3A_107 = %while3A to %while3A_30 step %while3A_31 iter_args(%while3A_108 = %while3A_24) -> (i32)  : i32 {
      %add3A_109 = arith.addi %select_n3A_23, %while3A_107 : i32
      %mul3A_110 = arith.constant 16 : i32
      %mul3A_111 = arith.muli %add3A_109, %mul3A_110 : i32
      %run_scoped3A_112 = arith.constant 0 : i32
      "tpu.region"() ({
        %run_scoped3A_143 = tpu.sem_alloc : memref<!tpu.dma_semaphore, #tpu.memory_space<semaphore_mem>>
        %dma_start3A = arith.constant 0 : i32
        %dma_start3A_144 = tpu.memref_slice %arg2[%run_scoped3A_112, %mul3A_111, %dma_start3A] : memref<2x12544x128xi32, #tpu.memory_space<hbm>> -> memref<1x16x128xi32, #tpu.memory_space<hbm>>
        %dma_start3A_145 = tpu.memref_squeeze %dma_start3A_144 : memref<1x16x128xi32, #tpu.memory_space<hbm>> -> memref<16x128xi32, #tpu.memory_space<hbm>>
        %dma_start3A_146 = arith.constant 0 : i32
        %dma_start3A_147 = tpu.memref_slice %arg2[%run_scoped3A_112, %mul3A_111, %dma_start3A_146] : memref<2x12544x128xi32, #tpu.memory_space<hbm>> -> memref<1x16x128xi32, #tpu.memory_space<hbm>>
        %dma_start3A_148 = tpu.memref_squeeze %dma_start3A_147 : memref<1x16x128xi32, #tpu.memory_space<hbm>> -> memref<16x128xi32, #tpu.memory_space<hbm>>
        tpu.enqueue_dma source(%dma_start3A_148 : memref<16x128xi32, #tpu.memory_space<hbm>>) target(%arg9 : memref<16x128xi32, #tpu.memory_space<vmem>>) target_semaphore(%run_scoped3A_143 : memref<!tpu.dma_semaphore, #tpu.memory_space<semaphore_mem>>)
        %dma_wait3A = arith.constant 0 : i32
        %dma_wait3A_149 = tpu.memref_slice %arg2[%run_scoped3A_112, %mul3A_111, %dma_wait3A] : memref<2x12544x128xi32, #tpu.memory_space<hbm>> -> memref<1x16x128xi32, #tpu.memory_space<hbm>>
        %dma_wait3A_150 = tpu.memref_squeeze %dma_wait3A_149 : memref<1x16x128xi32, #tpu.memory_space<hbm>> -> memref<16x128xi32, #tpu.memory_space<hbm>>
        %dma_wait3A_151 = arith.constant 0 : i32
        %dma_wait3A_152 = tpu.memref_slice %arg2[%run_scoped3A_112, %mul3A_111, %dma_wait3A_151] : memref<2x12544x128xi32, #tpu.memory_space<hbm>> -> memref<1x16x128xi32, #tpu.memory_space<hbm>>
        %dma_wait3A_153 = tpu.memref_squeeze %dma_wait3A_152 : memref<1x16x128xi32, #tpu.memory_space<hbm>> -> memref<16x128xi32, #tpu.memory_space<hbm>>
        tpu.wait_dma2 semaphore(%run_scoped3A_143 : memref<!tpu.dma_semaphore, #tpu.memory_space<semaphore_mem>>) src(%dma_wait3A_153 : memref<16x128xi32, #tpu.memory_space<hbm>>) dst(%arg9 : memref<16x128xi32, #tpu.memory_space<vmem>>)
        tpu.yield
      }) : () -> ()
      %run_scoped3A_113 = arith.constant 0 : i32
      "tpu.region"() ({
        %run_scoped3A_143 = tpu.sem_alloc : memref<!tpu.dma_semaphore, #tpu.memory_space<semaphore_mem>>
        %dma_start3A = arith.constant 0 : i32
        %dma_start3A_144 = tpu.memref_slice %arg3[%run_scoped3A_113, %mul3A_111, %dma_start3A] : memref<2x12544x128xi32, #tpu.memory_space<hbm>> -> memref<1x16x128xi32, #tpu.memory_space<hbm>>
        %dma_start3A_145 = tpu.memref_squeeze %dma_start3A_144 : memref<1x16x128xi32, #tpu.memory_space<hbm>> -> memref<16x128xi32, #tpu.memory_space<hbm>>
        %dma_start3A_146 = arith.constant 0 : i32
        %dma_start3A_147 = tpu.memref_slice %arg3[%run_scoped3A_113, %mul3A_111, %dma_start3A_146] : memref<2x12544x128xi32, #tpu.memory_space<hbm>> -> memref<1x16x128xi32, #tpu.memory_space<hbm>>
        %dma_start3A_148 = tpu.memref_squeeze %dma_start3A_147 : memref<1x16x128xi32, #tpu.memory_space<hbm>> -> memref<16x128xi32, #tpu.memory_space<hbm>>
        tpu.enqueue_dma source(%dma_start3A_148 : memref<16x128xi32, #tpu.memory_space<hbm>>) target(%arg10 : memref<16x128xi32, #tpu.memory_space<vmem>>) target_semaphore(%run_scoped3A_143 : memref<!tpu.dma_semaphore, #tpu.memory_space<semaphore_mem>>)
        %dma_wait3A = arith.constant 0 : i32
        %dma_wait3A_149 = tpu.memref_slice %arg3[%run_scoped3A_113, %mul3A_111, %dma_wait3A] : memref<2x12544x128xi32, #tpu.memory_space<hbm>> -> memref<1x16x128xi32, #tpu.memory_space<hbm>>
        %dma_wait3A_150 = tpu.memref_squeeze %dma_wait3A_149 : memref<1x16x128xi32, #tpu.memory_space<hbm>> -> memref<16x128xi32, #tpu.memory_space<hbm>>
        %dma_wait3A_151 = arith.constant 0 : i32
        %dma_wait3A_152 = tpu.memref_slice %arg3[%run_scoped3A_113, %mul3A_111, %dma_wait3A_151] : memref<2x12544x128xi32, #tpu.memory_space<hbm>> -> memref<1x16x128xi32, #tpu.memory_space<hbm>>
        %dma_wait3A_153 = tpu.memref_squeeze %dma_wait3A_152 : memref<1x16x128xi32, #tpu.memory_space<hbm>> -> memref<16x128xi32, #tpu.memory_space<hbm>>
        tpu.wait_dma2 semaphore(%run_scoped3A_143 : memref<!tpu.dma_semaphore, #tpu.memory_space<semaphore_mem>>) src(%dma_wait3A_153 : memref<16x128xi32, #tpu.memory_space<hbm>>) dst(%arg10 : memref<16x128xi32, #tpu.memory_space<vmem>>)
        tpu.yield
      }) : () -> ()
      %scan3A_114 = arith.constant 0 : i32
      %scan3A_115 = arith.constant 0 : i32
      %scan3A_116 = arith.constant 16 : i32
      %scan3A_117 = arith.addi %scan3A_115, %scan3A_116 : i32
      %scan3A_118 = arith.constant 1 : i32
      %scan3A_119 = scf.for %scan3A_143 = %scan3A_115 to %scan3A_117 step %scan3A_118 iter_args(%scan3A_144 = %scan3A_114) -> (i32)  : i32 {
        %get3A = arith.index_cast %scan3A_143 : i32 to index
        %get3A_145 = arith.constant 0 : index
        %get3A_146 = tpu.vector_load %arg9[%get3A, %get3A_145] {strides = array<i32>} : memref<16x128xi32, #tpu.memory_space<vmem>>, vector<1x16xi32>,
        %get3A_147 = vector.shape_cast %get3A_146 : vector<1x16xi32> to vector<16xi32>
        %mul3A_148 = arith.constant 2 : i32
        %mul3A_149 = vector.broadcast %mul3A_148 : i32 to vector<16xi32>
        %mul3A_150 = arith.muli %get3A_147, %mul3A_149 : vector<16xi32>
        %add3A_151 = arith.constant 0 : i32
        %add3A_152 = vector.broadcast %add3A_151 : i32 to vector<16xi32>
        %add3A_153 = arith.addi %mul3A_150, %add3A_152 : vector<16xi32>
        %swap3A = arith.index_cast %scan3A_143 : i32 to index
        %swap3A_154 = arith.constant 0 : index
        %swap3A_155 = tpu.vector_load %arg11[%swap3A, %swap3A_154] {strides = array<i32>} : memref<16x128xi32, #tpu.memory_space<vmem>>, vector<1x16xi32>,
        %swap3A_156 = vector.shape_cast %swap3A_155 : vector<1x16xi32> to vector<16xi32>
        %swap3A_157 = vector.shape_cast %add3A_153 : vector<16xi32> to vector<1x16xi32>
        tpu.vector_store %arg11[%swap3A, %swap3A_154], %swap3A_157 {strides = array<i32>} : memref<16x128xi32, #tpu.memory_space<vmem>>, vector<1x16xi32>,
        %get3A_158 = arith.index_cast %scan3A_143 : i32 to index
        %get3A_159 = arith.constant 16 : index
        %get3A_160 = tpu.vector_load %arg9[%get3A_158, %get3A_159] {strides = array<i32>} : memref<16x128xi32, #tpu.memory_space<vmem>>, vector<1x16xi32>,
        %get3A_161 = vector.shape_cast %get3A_160 : vector<1x16xi32> to vector<16xi32>
        %mul3A_162 = arith.constant 2 : i32
        %mul3A_163 = vector.broadcast %mul3A_162 : i32 to vector<16xi32>
        %mul3A_164 = arith.muli %get3A_161, %mul3A_163 : vector<16xi32>
        %add3A_165 = arith.constant 0 : i32
        %add3A_166 = vector.broadcast %add3A_165 : i32 to vector<16xi32>
        %add3A_167 = arith.addi %mul3A_164, %add3A_166 : vector<16xi32>
        %swap3A_168 = arith.index_cast %scan3A_143 : i32 to index
        %swap3A_169 = arith.constant 16 : index
        %swap3A_170 = tpu.vector_load %arg11[%swap3A_168, %swap3A_169] {strides = array<i32>} : memref<16x128xi32, #tpu.memory_space<vmem>>, vector<1x16xi32>,
        %swap3A_171 = vector.shape_cast %swap3A_170 : vector<1x16xi32> to vector<16xi32>
        %swap3A_172 = vector.shape_cast %add3A_167 : vector<16xi32> to vector<1x16xi32>
        tpu.vector_store %arg11[%swap3A_168, %swap3A_169], %swap3A_172 {strides = array<i32>} : memref<16x128xi32, #tpu.memory_space<vmem>>, vector<1x16xi32>,
        %get3A_173 = arith.index_cast %scan3A_143 : i32 to index
        %get3A_174 = arith.constant 32 : index
        %get3A_175 = tpu.vector_load %arg9[%get3A_173, %get3A_174] {strides = array<i32>} : memref<16x128xi32, #tpu.memory_space<vmem>>, vector<1x16xi32>,
        %get3A_176 = vector.shape_cast %get3A_175 : vector<1x16xi32> to vector<16xi32>
        %mul3A_177 = arith.constant 2 : i32
        %mul3A_178 = vector.broadcast %mul3A_177 : i32 to vector<16xi32>
        %mul3A_179 = arith.muli %get3A_176, %mul3A_178 : vector<16xi32>
        %add3A_180 = arith.constant 0 : i32
        %add3A_181 = vector.broadcast %add3A_180 : i32 to vector<16xi32>
        %add3A_182 = arith.addi %mul3A_179, %add3A_181 : vector<16xi32>
        %swap3A_183 = arith.index_cast %scan3A_143 : i32 to index
        %swap3A_184 = arith.constant 32 : index
        %swap3A_185 = tpu.vector_load %arg11[%swap3A_183, %swap3A_184] {strides = array<i32>} : memref<16x128xi32, #tpu.memory_space<vmem>>, vector<1x16xi32>,
        %swap3A_186 = vector.shape_cast %swap3A_185 : vector<1x16xi32> to vector<16xi32>
        %swap3A_187 = vector.shape_cast %add3A_182 : vector<16xi32> to vector<1x16xi32>
        tpu.vector_store %arg11[%swap3A_183, %swap3A_184], %swap3A_187 {strides = array<i32>} : memref<16x128xi32, #tpu.memory_space<vmem>>, vector<1x16xi32>,
        %get3A_188 = arith.index_cast %scan3A_143 : i32 to index
        %get3A_189 = arith.constant 48 : index
        %get3A_190 = tpu.vector_load %arg9[%get3A_188, %get3A_189] {strides = array<i32>} : memref<16x128xi32, #tpu.memory_space<vmem>>, vector<1x16xi32>,
        %get3A_191 = vector.shape_cast %get3A_190 : vector<1x16xi32> to vector<16xi32>
        %mul3A_192 = arith.constant 2 : i32
        %mul3A_193 = vector.broadcast %mul3A_192 : i32 to vector<16xi32>
        %mul3A_194 = arith.muli %get3A_191, %mul3A_193 : vector<16xi32>
        %add3A_195 = arith.constant 0 : i32
        %add3A_196 = vector.broadcast %add3A_195 : i32 to vector<16xi32>
        %add3A_197 = arith.addi %mul3A_194, %add3A_196 : vector<16xi32>
        %swap3A_198 = arith.index_cast %scan3A_143 : i32 to index
        %swap3A_199 = arith.constant 48 : index
        %swap3A_200 = tpu.vector_load %arg11[%swap3A_198, %swap3A_199] {strides = array<i32>} : memref<16x128xi32, #tpu.memory_space<vmem>>, vector<1x16xi32>,
        %swap3A_201 = vector.shape_cast %swap3A_200 : vector<1x16xi32> to vector<16xi32>
        %swap3A_202 = vector.shape_cast %add3A_197 : vector<16xi32> to vector<1x16xi32>
        tpu.vector_store %arg11[%swap3A_198, %swap3A_199], %swap3A_202 {strides = array<i32>} : memref<16x128xi32, #tpu.memory_space<vmem>>, vector<1x16xi32>,
        %get3A_203 = arith.index_cast %scan3A_143 : i32 to index
        %get3A_204 = arith.constant 64 : index
        %get3A_205 = tpu.vector_load %arg9[%get3A_203, %get3A_204] {strides = array<i32>} : memref<16x128xi32, #tpu.memory_space<vmem>>, vector<1x16xi32>,
        %get3A_206 = vector.shape_cast %get3A_205 : vector<1x16xi32> to vector<16xi32>
        %mul3A_207 = arith.constant 2 : i32
        %mul3A_208 = vector.broadcast %mul3A_207 : i32 to vector<16xi32>
        %mul3A_209 = arith.muli %get3A_206, %mul3A_208 : vector<16xi32>
        %add3A_210 = arith.constant 0 : i32
        %add3A_211 = vector.broadcast %add3A_210 : i32 to vector<16xi32>
        %add3A_212 = arith.addi %mul3A_209, %add3A_211 : vector<16xi32>
        %swap3A_213 = arith.index_cast %scan3A_143 : i32 to index
        %swap3A_214 = arith.constant 64 : index
        %swap3A_215 = tpu.vector_load %arg11[%swap3A_213, %swap3A_214] {strides = array<i32>} : memref<16x128xi32, #tpu.memory_space<vmem>>, vector<1x16xi32>,
        %swap3A_216 = vector.shape_cast %swap3A_215 : vector<1x16xi32> to vector<16xi32>
        %swap3A_217 = vector.shape_cast %add3A_212 : vector<16xi32> to vector<1x16xi32>
        tpu.vector_store %arg11[%swap3A_213, %swap3A_214], %swap3A_217 {strides = array<i32>} : memref<16x128xi32, #tpu.memory_space<vmem>>, vector<1x16xi32>,
        %get3A_218 = arith.index_cast %scan3A_143 : i32 to index
        %get3A_219 = arith.constant 80 : index
        %get3A_220 = tpu.vector_load %arg9[%get3A_218, %get3A_219] {strides = array<i32>} : memref<16x128xi32, #tpu.memory_space<vmem>>, vector<1x16xi32>,
        %get3A_221 = vector.shape_cast %get3A_220 : vector<1x16xi32> to vector<16xi32>
        %mul3A_222 = arith.constant 2 : i32
        %mul3A_223 = vector.broadcast %mul3A_222 : i32 to vector<16xi32>
        %mul3A_224 = arith.muli %get3A_221, %mul3A_223 : vector<16xi32>
        %add3A_225 = arith.constant 0 : i32
        %add3A_226 = vector.broadcast %add3A_225 : i32 to vector<16xi32>
        %add3A_227 = arith.addi %mul3A_224, %add3A_226 : vector<16xi32>
        %swap3A_228 = arith.index_cast %scan3A_143 : i32 to index
        %swap3A_229 = arith.constant 80 : index
        %swap3A_230 = tpu.vector_load %arg11[%swap3A_228, %swap3A_229] {strides = array<i32>} : memref<16x128xi32, #tpu.memory_space<vmem>>, vector<1x16xi32>,
        %swap3A_231 = vector.shape_cast %swap3A_230 : vector<1x16xi32> to vector<16xi32>
        %swap3A_232 = vector.shape_cast %add3A_227 : vector<16xi32> to vector<1x16xi32>
        tpu.vector_store %arg11[%swap3A_228, %swap3A_229], %swap3A_232 {strides = array<i32>} : memref<16x128xi32, #tpu.memory_space<vmem>>, vector<1x16xi32>,
        %get3A_233 = arith.index_cast %scan3A_143 : i32 to index
        %get3A_234 = arith.constant 96 : index
        %get3A_235 = tpu.vector_load %arg9[%get3A_233, %get3A_234] {strides = array<i32>} : memref<16x128xi32, #tpu.memory_space<vmem>>, vector<1x16xi32>,
        %get3A_236 = vector.shape_cast %get3A_235 : vector<1x16xi32> to vector<16xi32>
        %mul3A_237 = arith.constant 2 : i32
        %mul3A_238 = vector.broadcast %mul3A_237 : i32 to vector<16xi32>
        %mul3A_239 = arith.muli %get3A_236, %mul3A_238 : vector<16xi32>
        %add3A_240 = arith.constant 0 : i32
        %add3A_241 = vector.broadcast %add3A_240 : i32 to vector<16xi32>
        %add3A_242 = arith.addi %mul3A_239, %add3A_241 : vector<16xi32>
        %swap3A_243 = arith.index_cast %scan3A_143 : i32 to index
        %swap3A_244 = arith.constant 96 : index
        %swap3A_245 = tpu.vector_load %arg11[%swap3A_243, %swap3A_244] {strides = array<i32>} : memref<16x128xi32, #tpu.memory_space<vmem>>, vector<1x16xi32>,
        %swap3A_246 = vector.shape_cast %swap3A_245 : vector<1x16xi32> to vector<16xi32>
        %swap3A_247 = vector.shape_cast %add3A_242 : vector<16xi32> to vector<1x16xi32>
        tpu.vector_store %arg11[%swap3A_243, %swap3A_244], %swap3A_247 {strides = array<i32>} : memref<16x128xi32, #tpu.memory_space<vmem>>, vector<1x16xi32>,
        %get3A_248 = arith.index_cast %scan3A_143 : i32 to index
        %get3A_249 = arith.constant 112 : index
        %get3A_250 = tpu.vector_load %arg9[%get3A_248, %get3A_249] {strides = array<i32>} : memref<16x128xi32, #tpu.memory_space<vmem>>, vector<1x16xi32>,
        %get3A_251 = vector.shape_cast %get3A_250 : vector<1x16xi32> to vector<16xi32>
        %mul3A_252 = arith.constant 2 : i32
        %mul3A_253 = vector.broadcast %mul3A_252 : i32 to vector<16xi32>
        %mul3A_254 = arith.muli %get3A_251, %mul3A_253 : vector<16xi32>
        %add3A_255 = arith.constant 0 : i32
        %add3A_256 = vector.broadcast %add3A_255 : i32 to vector<16xi32>
        %add3A_257 = arith.addi %mul3A_254, %add3A_256 : vector<16xi32>
        %swap3A_258 = arith.index_cast %scan3A_143 : i32 to index
        %swap3A_259 = arith.constant 112 : index
        %swap3A_260 = tpu.vector_load %arg11[%swap3A_258, %swap3A_259] {strides = array<i32>} : memref<16x128xi32, #tpu.memory_space<vmem>>, vector<1x16xi32>,
        %swap3A_261 = vector.shape_cast %swap3A_260 : vector<1x16xi32> to vector<16xi32>
        %swap3A_262 = vector.shape_cast %add3A_257 : vector<16xi32> to vector<1x16xi32>
        tpu.vector_store %arg11[%swap3A_258, %swap3A_259], %swap3A_262 {strides = array<i32>} : memref<16x128xi32, #tpu.memory_space<vmem>>, vector<1x16xi32>,
        %scan3A_263 = arith.constant 0 : i32
        scf.yield %scan3A_263 : i32
      }
      %scan3A_120 = arith.constant 16 : i32
      %scan3A_121 = arith.constant 0 : i32
      %scan3A_122 = arith.constant 0 : i32
      %scan3A_123 = arith.constant 16 : i32
      %scan3A_124 = arith.addi %scan3A_122, %scan3A_123 : i32
      %scan3A_125 = arith.constant 1 : i32
      %scan3A_126 = scf.for %scan3A_143 = %scan3A_122 to %scan3A_124 step %scan3A_125 iter_args(%scan3A_144 = %scan3A_121) -> (i32)  : i32 {
        %dma_start3A = arith.constant 0 : i32
        %dma_start3A_145 = arith.constant 0 : i32
        %dma_start3A_146 = tpu.memref_slice %arg12[%scan3A_143, %dma_start3A, %dma_start3A_145] : memref<16x128x16xf32, #tpu.memory_space<vmem>> -> memref<1x128x16xf32, #tpu.memory_space<vmem>>
        %dma_start3A_147 = tpu.memref_squeeze %dma_start3A_146 : memref<1x128x16xf32, #tpu.memory_space<vmem>> -> memref<128x16xf32, #tpu.memory_space<vmem>>
        %dma_start3A_148 = arith.constant 0 : i32
        %dma_start3A_149 = tpu.memref_slice %arg11[%scan3A_143, %dma_start3A_148] : memref<16x128xi32, #tpu.memory_space<vmem>> -> memref<1x128xi32, #tpu.memory_space<vmem>>
        %dma_start3A_150 = tpu.memref_squeeze %dma_start3A_149 : memref<1x128xi32, #tpu.memory_space<vmem>> -> memref<128xi32, #tpu.memory_space<vmem>>
        %dma_start3A_151 = arith.constant 0 : i32
        %dma_start3A_152 = arith.constant 0 : i32
        %dma_start3A_153 = tpu.memref_slice %arg4[%dma_start3A_151, %dma_start3A_152] : memref<200000x16xf32, #tpu.memory_space<hbm>> -> memref<200000x16xf32, #tpu.memory_space<hbm>>
        tpu.enqueue_indirect_dma source(%dma_start3A_153 : memref<200000x16xf32, #tpu.memory_space<hbm>>) target(%dma_start3A_147 : memref<128x16xf32, #tpu.memory_space<vmem>>) offsets(%dma_start3A_150 : memref<128xi32, #tpu.memory_space<vmem>>) semaphore(%arg18 : memref<!tpu.dma_semaphore, #tpu.memory_space<semaphore_mem>>)
        %scan3A_154 = arith.constant 0 : i32
        scf.yield %scan3A_154 : i32
      }
      %scan3A_127 = arith.constant 16 : i32
      %scan3A_128 = arith.constant 0 : i32
      %scan3A_129 = arith.constant 0 : i32
      %scan3A_130 = arith.constant 16 : i32
      %scan3A_131 = arith.addi %scan3A_129, %scan3A_130 : i32
      %scan3A_132 = arith.constant 1 : i32
      %scan3A_133 = scf.for %scan3A_143 = %scan3A_129 to %scan3A_131 step %scan3A_132 iter_args(%scan3A_144 = %scan3A_128) -> (i32)  : i32 {
        %dma_wait3A = arith.constant 0 : i32
        %dma_wait3A_145 = arith.constant 0 : i32
        %dma_wait3A_146 = tpu.memref_slice %arg12[%scan3A_143, %dma_wait3A, %dma_wait3A_145] : memref<16x128x16xf32, #tpu.memory_space<vmem>> -> memref<1x128x16xf32, #tpu.memory_space<vmem>>
        %dma_wait3A_147 = tpu.memref_squeeze %dma_wait3A_146 : memref<1x128x16xf32, #tpu.memory_space<vmem>> -> memref<128x16xf32, #tpu.memory_space<vmem>>
        %dma_wait3A_148 = arith.constant 0 : i32
        %dma_wait3A_149 = tpu.memref_slice %arg11[%scan3A_143, %dma_wait3A_148] : memref<16x128xi32, #tpu.memory_space<vmem>> -> memref<1x128xi32, #tpu.memory_space<vmem>>
        %dma_wait3A_150 = tpu.memref_squeeze %dma_wait3A_149 : memref<1x128xi32, #tpu.memory_space<vmem>> -> memref<128xi32, #tpu.memory_space<vmem>>
        %dma_wait3A_151 = arith.constant 0 : i32
        %dma_wait3A_152 = arith.constant 0 : i32
        %dma_wait3A_153 = tpu.memref_slice %arg4[%dma_wait3A_151, %dma_wait3A_152] : memref<200000x16xf32, #tpu.memory_space<hbm>> -> memref<200000x16xf32, #tpu.memory_space<hbm>>
        tpu.wait_indirect_dma semaphore(%arg18 : memref<!tpu.dma_semaphore, #tpu.memory_space<semaphore_mem>>) src(%dma_wait3A_153 : memref<200000x16xf32, #tpu.memory_space<hbm>>) dst(%dma_wait3A_147 : memref<128x16xf32, #tpu.memory_space<vmem>>)
        %scan3A_154 = arith.constant 0 : i32
        scf.yield %scan3A_154 : i32
      }
      %scan3A_134 = arith.constant 16 : i32
      %scan3A_135 = arith.constant 0 : i32
      %scan3A_136 = arith.constant 0 : i32
      %scan3A_137 = arith.constant 16 : i32
      %scan3A_138 = arith.addi %scan3A_136, %scan3A_137 : i32
      %scan3A_139 = arith.constant 1 : i32
      %scan3A_140 = scf.for %scan3A_143 = %scan3A_136 to %scan3A_138 step %scan3A_139 iter_args(%scan3A_144 = %scan3A_135) -> (i32)  : i32 {
        "tpu.region"() ({
          %run_scoped3A_146 = tpu.sem_alloc : memref<!tpu.dma_semaphore, #tpu.memory_space<semaphore_mem>>
          %dma_start3A = arith.constant 0 : i32
          %dma_start3A_147 = arith.constant 0 : i32
          %dma_start3A_148 = tpu.memref_slice %arg12[%scan3A_143, %dma_start3A, %dma_start3A_147] : memref<16x128x16xf32, #tpu.memory_space<vmem>> -> memref<1x128x16xf32, #tpu.memory_space<vmem>>
          %dma_start3A_149 = tpu.memref_squeeze %dma_start3A_148 : memref<1x128x16xf32, #tpu.memory_space<vmem>> -> memref<128x16xf32, #tpu.memory_space<vmem>>
          %dma_start3A_150 = arith.constant 0 : i32
          %dma_start3A_151 = tpu.memref_slice %arg10[%scan3A_143, %dma_start3A_150] : memref<16x128xi32, #tpu.memory_space<vmem>> -> memref<1x128xi32, #tpu.memory_space<vmem>>
          %dma_start3A_152 = tpu.memref_squeeze %dma_start3A_151 : memref<1x128xi32, #tpu.memory_space<vmem>> -> memref<128xi32, #tpu.memory_space<vmem>>
          %dma_start3A_153 = arith.constant 0 : i32
          %dma_start3A_154 = arith.constant 0 : i32
          %dma_start3A_155 = tpu.memref_slice %arg16[%dma_start3A_153, %dma_start3A_154] : memref<10240x16xf32, #tpu.memory_space<vmem_shared>> -> memref<10240x16xf32, #tpu.memory_space<vmem_shared>>
          tpu.enqueue_indirect_dma source(%dma_start3A_149 : memref<128x16xf32, #tpu.memory_space<vmem>>) target(%dma_start3A_155 : memref<10240x16xf32, #tpu.memory_space<vmem_shared>>) offsets(%dma_start3A_152 : memref<128xi32, #tpu.memory_space<vmem>>) semaphore(%run_scoped3A_146 : memref<!tpu.dma_semaphore, #tpu.memory_space<semaphore_mem>>) {add = true}
          %dma_wait3A = arith.constant 0 : i32
          %dma_wait3A_156 = arith.constant 0 : i32
          %dma_wait3A_157 = tpu.memref_slice %arg12[%scan3A_143, %dma_wait3A, %dma_wait3A_156] : memref<16x128x16xf32, #tpu.memory_space<vmem>> -> memref<1x128x16xf32, #tpu.memory_space<vmem>>
          %dma_wait3A_158 = tpu.memref_squeeze %dma_wait3A_157 : memref<1x128x16xf32, #tpu.memory_space<vmem>> -> memref<128x16xf32, #tpu.memory_space<vmem>>
          %dma_wait3A_159 = arith.constant 0 : i32
          %dma_wait3A_160 = tpu.memref_slice %arg10[%scan3A_143, %dma_wait3A_159] : memref<16x128xi32, #tpu.memory_space<vmem>> -> memref<1x128xi32, #tpu.memory_space<vmem>>
          %dma_wait3A_161 = tpu.memref_squeeze %dma_wait3A_160 : memref<1x128xi32, #tpu.memory_space<vmem>> -> memref<128xi32, #tpu.memory_space<vmem>>
          %dma_wait3A_162 = arith.constant 0 : i32
          %dma_wait3A_163 = arith.constant 0 : i32
          %dma_wait3A_164 = tpu.memref_slice %arg16[%dma_wait3A_162, %dma_wait3A_163] : memref<10240x16xf32, #tpu.memory_space<vmem_shared>> -> memref<10240x16xf32, #tpu.memory_space<vmem_shared>>
          tpu.wait_indirect_dma semaphore(%run_scoped3A_146 : memref<!tpu.dma_semaphore, #tpu.memory_space<semaphore_mem>>) src(%dma_wait3A_158 : memref<128x16xf32, #tpu.memory_space<vmem>>) dst(%dma_wait3A_164 : memref<10240x16xf32, #tpu.memory_space<vmem_shared>>)
          tpu.yield
        }) : () -> ()
        %scan3A_145 = arith.constant 0 : i32
        scf.yield %scan3A_145 : i32
      }
      %scan3A_141 = arith.constant 16 : i32
      %while3A_142 = arith.constant 0 : i32
      scf.yield %while3A_142 : i32
    }
    %while3A_33 = arith.constant 1 : i32
    %while3A_34 = scf.for %while3A_107 = %while3A_30 to %while3A_26 step %while3A_33 iter_args(%while3A_108 = %while3A_32) -> (i32)  : i32 {
      %add3A_109 = arith.addi %select_n3A_23, %while3A_107 : i32
      %mul3A_110 = arith.constant 16 : i32
      %mul3A_111 = arith.muli %add3A_109, %mul3A_110 : i32
      %run_scoped3A_112 = arith.constant 0 : i32
      "tpu.region"() ({
        %run_scoped3A_143 = tpu.sem_alloc : memref<!tpu.dma_semaphore, #tpu.memory_space<semaphore_mem>>
        %dma_start3A = arith.constant 0 : i32
        %dma_start3A_144 = tpu.memref_slice %arg2[%run_scoped3A_112, %mul3A_111, %dma_start3A] : memref<2x12544x128xi32, #tpu.memory_space<hbm>> -> memref<1x16x128xi32, #tpu.memory_space<hbm>>
        %dma_start3A_145 = tpu.memref_squeeze %dma_start3A_144 : memref<1x16x128xi32, #tpu.memory_space<hbm>> -> memref<16x128xi32, #tpu.memory_space<hbm>>
        %dma_start3A_146 = arith.constant 0 : i32
        %dma_start3A_147 = tpu.memref_slice %arg2[%run_scoped3A_112, %mul3A_111, %dma_start3A_146] : memref<2x12544x128xi32, #tpu.memory_space<hbm>> -> memref<1x16x128xi32, #tpu.memory_space<hbm>>
        %dma_start3A_148 = tpu.memref_squeeze %dma_start3A_147 : memref<1x16x128xi32, #tpu.memory_space<hbm>> -> memref<16x128xi32, #tpu.memory_space<hbm>>
        tpu.enqueue_dma source(%dma_start3A_148 : memref<16x128xi32, #tpu.memory_space<hbm>>) target(%arg9 : memref<16x128xi32, #tpu.memory_space<vmem>>) target_semaphore(%run_scoped3A_143 : memref<!tpu.dma_semaphore, #tpu.memory_space<semaphore_mem>>)
        %dma_wait3A = arith.constant 0 : i32
        %dma_wait3A_149 = tpu.memref_slice %arg2[%run_scoped3A_112, %mul3A_111, %dma_wait3A] : memref<2x12544x128xi32, #tpu.memory_space<hbm>> -> memref<1x16x128xi32, #tpu.memory_space<hbm>>
        %dma_wait3A_150 = tpu.memref_squeeze %dma_wait3A_149 : memref<1x16x128xi32, #tpu.memory_space<hbm>> -> memref<16x128xi32, #tpu.memory_space<hbm>>
        %dma_wait3A_151 = arith.constant 0 : i32
        %dma_wait3A_152 = tpu.memref_slice %arg2[%run_scoped3A_112, %mul3A_111, %dma_wait3A_151] : memref<2x12544x128xi32, #tpu.memory_space<hbm>> -> memref<1x16x128xi32, #tpu.memory_space<hbm>>
        %dma_wait3A_153 = tpu.memref_squeeze %dma_wait3A_152 : memref<1x16x128xi32, #tpu.memory_space<hbm>> -> memref<16x128xi32, #tpu.memory_space<hbm>>
        tpu.wait_dma2 semaphore(%run_scoped3A_143 : memref<!tpu.dma_semaphore, #tpu.memory_space<semaphore_mem>>) src(%dma_wait3A_153 : memref<16x128xi32, #tpu.memory_space<hbm>>) dst(%arg9 : memref<16x128xi32, #tpu.memory_space<vmem>>)
        tpu.yield
      }) : () -> ()
      %run_scoped3A_113 = arith.constant 0 : i32
      "tpu.region"() ({
        %run_scoped3A_143 = tpu.sem_alloc : memref<!tpu.dma_semaphore, #tpu.memory_space<semaphore_mem>>
        %dma_start3A = arith.constant 0 : i32
        %dma_start3A_144 = tpu.memref_slice %arg3[%run_scoped3A_113, %mul3A_111, %dma_start3A] : memref<2x12544x128xi32, #tpu.memory_space<hbm>> -> memref<1x16x128xi32, #tpu.memory_space<hbm>>
        %dma_start3A_145 = tpu.memref_squeeze %dma_start3A_144 : memref<1x16x128xi32, #tpu.memory_space<hbm>> -> memref<16x128xi32, #tpu.memory_space<hbm>>
        %dma_start3A_146 = arith.constant 0 : i32
        %dma_start3A_147 = tpu.memref_slice %arg3[%run_scoped3A_113, %mul3A_111, %dma_start3A_146] : memref<2x12544x128xi32, #tpu.memory_space<hbm>> -> memref<1x16x128xi32, #tpu.memory_space<hbm>>
        %dma_start3A_148 = tpu.memref_squeeze %dma_start3A_147 : memref<1x16x128xi32, #tpu.memory_space<hbm>> -> memref<16x128xi32, #tpu.memory_space<hbm>>
        tpu.enqueue_dma source(%dma_start3A_148 : memref<16x128xi32, #tpu.memory_space<hbm>>) target(%arg10 : memref<16x128xi32, #tpu.memory_space<vmem>>) target_semaphore(%run_scoped3A_143 : memref<!tpu.dma_semaphore, #tpu.memory_space<semaphore_mem>>)
        %dma_wait3A = arith.constant 0 : i32
        %dma_wait3A_149 = tpu.memref_slice %arg3[%run_scoped3A_113, %mul3A_111, %dma_wait3A] : memref<2x12544x128xi32, #tpu.memory_space<hbm>> -> memref<1x16x128xi32, #tpu.memory_space<hbm>>
        %dma_wait3A_150 = tpu.memref_squeeze %dma_wait3A_149 : memref<1x16x128xi32, #tpu.memory_space<hbm>> -> memref<16x128xi32, #tpu.memory_space<hbm>>
        %dma_wait3A_151 = arith.constant 0 : i32
        %dma_wait3A_152 = tpu.memref_slice %arg3[%run_scoped3A_113, %mul3A_111, %dma_wait3A_151] : memref<2x12544x128xi32, #tpu.memory_space<hbm>> -> memref<1x16x128xi32, #tpu.memory_space<hbm>>
        %dma_wait3A_153 = tpu.memref_squeeze %dma_wait3A_152 : memref<1x16x128xi32, #tpu.memory_space<hbm>> -> memref<16x128xi32, #tpu.memory_space<hbm>>
        tpu.wait_dma2 semaphore(%run_scoped3A_143 : memref<!tpu.dma_semaphore, #tpu.memory_space<semaphore_mem>>) src(%dma_wait3A_153 : memref<16x128xi32, #tpu.memory_space<hbm>>) dst(%arg10 : memref<16x128xi32, #tpu.memory_space<vmem>>)
        tpu.yield
      }) : () -> ()
      %scan3A_114 = arith.constant 0 : i32
      %scan3A_115 = arith.constant 0 : i32
      %scan3A_116 = arith.constant 16 : i32
      %scan3A_117 = arith.addi %scan3A_115, %scan3A_116 : i32
      %scan3A_118 = arith.constant 1 : i32
      %scan3A_119 = scf.for %scan3A_143 = %scan3A_115 to %scan3A_117 step %scan3A_118 iter_args(%scan3A_144 = %scan3A_114) -> (i32)  : i32 {
        %get3A = arith.index_cast %scan3A_143 : i32 to index
        %get3A_145 = arith.constant 0 : index
        %get3A_146 = tpu.vector_load %arg9[%get3A, %get3A_145] {strides = array<i32>} : memref<16x128xi32, #tpu.memory_space<vmem>>, vector<1x16xi32>,
        %get3A_147 = vector.shape_cast %get3A_146 : vector<1x16xi32> to vector<16xi32>
        %mul3A_148 = arith.constant 2 : i32
        %mul3A_149 = vector.broadcast %mul3A_148 : i32 to vector<16xi32>
        %mul3A_150 = arith.muli %get3A_147, %mul3A_149 : vector<16xi32>
        %add3A_151 = arith.constant 0 : i32
        %add3A_152 = vector.broadcast %add3A_151 : i32 to vector<16xi32>
        %add3A_153 = arith.addi %mul3A_150, %add3A_152 : vector<16xi32>
        %swap3A = arith.index_cast %scan3A_143 : i32 to index
        %swap3A_154 = arith.constant 0 : index
        %swap3A_155 = tpu.vector_load %arg11[%swap3A, %swap3A_154] {strides = array<i32>} : memref<16x128xi32, #tpu.memory_space<vmem>>, vector<1x16xi32>,
        %swap3A_156 = vector.shape_cast %swap3A_155 : vector<1x16xi32> to vector<16xi32>
        %swap3A_157 = vector.shape_cast %add3A_153 : vector<16xi32> to vector<1x16xi32>
        tpu.vector_store %arg11[%swap3A, %swap3A_154], %swap3A_157 {strides = array<i32>} : memref<16x128xi32, #tpu.memory_space<vmem>>, vector<1x16xi32>,
        %get3A_158 = arith.index_cast %scan3A_143 : i32 to index
        %get3A_159 = arith.constant 16 : index
        %get3A_160 = tpu.vector_load %arg9[%get3A_158, %get3A_159] {strides = array<i32>} : memref<16x128xi32, #tpu.memory_space<vmem>>, vector<1x16xi32>,
        %get3A_161 = vector.shape_cast %get3A_160 : vector<1x16xi32> to vector<16xi32>
        %mul3A_162 = arith.constant 2 : i32
        %mul3A_163 = vector.broadcast %mul3A_162 : i32 to vector<16xi32>
        %mul3A_164 = arith.muli %get3A_161, %mul3A_163 : vector<16xi32>
        %add3A_165 = arith.constant 0 : i32
        %add3A_166 = vector.broadcast %add3A_165 : i32 to vector<16xi32>
        %add3A_167 = arith.addi %mul3A_164, %add3A_166 : vector<16xi32>
        %swap3A_168 = arith.index_cast %scan3A_143 : i32 to index
        %swap3A_169 = arith.constant 16 : index
        %swap3A_170 = tpu.vector_load %arg11[%swap3A_168, %swap3A_169] {strides = array<i32>} : memref<16x128xi32, #tpu.memory_space<vmem>>, vector<1x16xi32>,
        %swap3A_171 = vector.shape_cast %swap3A_170 : vector<1x16xi32> to vector<16xi32>
        %swap3A_172 = vector.shape_cast %add3A_167 : vector<16xi32> to vector<1x16xi32>
        tpu.vector_store %arg11[%swap3A_168, %swap3A_169], %swap3A_172 {strides = array<i32>} : memref<16x128xi32, #tpu.memory_space<vmem>>, vector<1x16xi32>,
        %get3A_173 = arith.index_cast %scan3A_143 : i32 to index
        %get3A_174 = arith.constant 32 : index
        %get3A_175 = tpu.vector_load %arg9[%get3A_173, %get3A_174] {strides = array<i32>} : memref<16x128xi32, #tpu.memory_space<vmem>>, vector<1x16xi32>,
        %get3A_176 = vector.shape_cast %get3A_175 : vector<1x16xi32> to vector<16xi32>
        %mul3A_177 = arith.constant 2 : i32
        %mul3A_178 = vector.broadcast %mul3A_177 : i32 to vector<16xi32>
        %mul3A_179 = arith.muli %get3A_176, %mul3A_178 : vector<16xi32>
        %add3A_180 = arith.constant 0 : i32
        %add3A_181 = vector.broadcast %add3A_180 : i32 to vector<16xi32>
        %add3A_182 = arith.addi %mul3A_179, %add3A_181 : vector<16xi32>
        %swap3A_183 = arith.index_cast %scan3A_143 : i32 to index
        %swap3A_184 = arith.constant 32 : index
        %swap3A_185 = tpu.vector_load %arg11[%swap3A_183, %swap3A_184] {strides = array<i32>} : memref<16x128xi32, #tpu.memory_space<vmem>>, vector<1x16xi32>,
        %swap3A_186 = vector.shape_cast %swap3A_185 : vector<1x16xi32> to vector<16xi32>
        %swap3A_187 = vector.shape_cast %add3A_182 : vector<16xi32> to vector<1x16xi32>
        tpu.vector_store %arg11[%swap3A_183, %swap3A_184], %swap3A_187 {strides = array<i32>} : memref<16x128xi32, #tpu.memory_space<vmem>>, vector<1x16xi32>,
        %get3A_188 = arith.index_cast %scan3A_143 : i32 to index
        %get3A_189 = arith.constant 48 : index
        %get3A_190 = tpu.vector_load %arg9[%get3A_188, %get3A_189] {strides = array<i32>} : memref<16x128xi32, #tpu.memory_space<vmem>>, vector<1x16xi32>,
        %get3A_191 = vector.shape_cast %get3A_190 : vector<1x16xi32> to vector<16xi32>
        %mul3A_192 = arith.constant 2 : i32
        %mul3A_193 = vector.broadcast %mul3A_192 : i32 to vector<16xi32>
        %mul3A_194 = arith.muli %get3A_191, %mul3A_193 : vector<16xi32>
        %add3A_195 = arith.constant 0 : i32
        %add3A_196 = vector.broadcast %add3A_195 : i32 to vector<16xi32>
        %add3A_197 = arith.addi %mul3A_194, %add3A_196 : vector<16xi32>
        %swap3A_198 = arith.index_cast %scan3A_143 : i32 to index
        %swap3A_199 = arith.constant 48 : index
        %swap3A_200 = tpu.vector_load %arg11[%swap3A_198, %swap3A_199] {strides = array<i32>} : memref<16x128xi32, #tpu.memory_space<vmem>>, vector<1x16xi32>,
        %swap3A_201 = vector.shape_cast %swap3A_200 : vector<1x16xi32> to vector<16xi32>
        %swap3A_202 = vector.shape_cast %add3A_197 : vector<16xi32> to vector<1x16xi32>
        tpu.vector_store %arg11[%swap3A_198, %swap3A_199], %swap3A_202 {strides = array<i32>} : memref<16x128xi32, #tpu.memory_space<vmem>>, vector<1x16xi32>,
        %get3A_203 = arith.index_cast %scan3A_143 : i32 to index
        %get3A_204 = arith.constant 64 : index
        %get3A_205 = tpu.vector_load %arg9[%get3A_203, %get3A_204] {strides = array<i32>} : memref<16x128xi32, #tpu.memory_space<vmem>>, vector<1x16xi32>,
        %get3A_206 = vector.shape_cast %get3A_205 : vector<1x16xi32> to vector<16xi32>
        %mul3A_207 = arith.constant 2 : i32
        %mul3A_208 = vector.broadcast %mul3A_207 : i32 to vector<16xi32>
        %mul3A_209 = arith.muli %get3A_206, %mul3A_208 : vector<16xi32>
        %add3A_210 = arith.constant 0 : i32
        %add3A_211 = vector.broadcast %add3A_210 : i32 to vector<16xi32>
        %add3A_212 = arith.addi %mul3A_209, %add3A_211 : vector<16xi32>
        %swap3A_213 = arith.index_cast %scan3A_143 : i32 to index
        %swap3A_214 = arith.constant 64 : index
        %swap3A_215 = tpu.vector_load %arg11[%swap3A_213, %swap3A_214] {strides = array<i32>} : memref<16x128xi32, #tpu.memory_space<vmem>>, vector<1x16xi32>,
        %swap3A_216 = vector.shape_cast %swap3A_215 : vector<1x16xi32> to vector<16xi32>
        %swap3A_217 = vector.shape_cast %add3A_212 : vector<16xi32> to vector<1x16xi32>
        tpu.vector_store %arg11[%swap3A_213, %swap3A_214], %swap3A_217 {strides = array<i32>} : memref<16x128xi32, #tpu.memory_space<vmem>>, vector<1x16xi32>,
        %get3A_218 = arith.index_cast %scan3A_143 : i32 to index
        %get3A_219 = arith.constant 80 : index
        %get3A_220 = tpu.vector_load %arg9[%get3A_218, %get3A_219] {strides = array<i32>} : memref<16x128xi32, #tpu.memory_space<vmem>>, vector<1x16xi32>,
        %get3A_221 = vector.shape_cast %get3A_220 : vector<1x16xi32> to vector<16xi32>
        %mul3A_222 = arith.constant 2 : i32
        %mul3A_223 = vector.broadcast %mul3A_222 : i32 to vector<16xi32>
        %mul3A_224 = arith.muli %get3A_221, %mul3A_223 : vector<16xi32>
        %add3A_225 = arith.constant 0 : i32
        %add3A_226 = vector.broadcast %add3A_225 : i32 to vector<16xi32>
        %add3A_227 = arith.addi %mul3A_224, %add3A_226 : vector<16xi32>
        %swap3A_228 = arith.index_cast %scan3A_143 : i32 to index
        %swap3A_229 = arith.constant 80 : index
        %swap3A_230 = tpu.vector_load %arg11[%swap3A_228, %swap3A_229] {strides = array<i32>} : memref<16x128xi32, #tpu.memory_space<vmem>>, vector<1x16xi32>,
        %swap3A_231 = vector.shape_cast %swap3A_230 : vector<1x16xi32> to vector<16xi32>
        %swap3A_232 = vector.shape_cast %add3A_227 : vector<16xi32> to vector<1x16xi32>
        tpu.vector_store %arg11[%swap3A_228, %swap3A_229], %swap3A_232 {strides = array<i32>} : memref<16x128xi32, #tpu.memory_space<vmem>>, vector<1x16xi32>,
        %get3A_233 = arith.index_cast %scan3A_143 : i32 to index
        %get3A_234 = arith.constant 96 : index
        %get3A_235 = tpu.vector_load %arg9[%get3A_233, %get3A_234] {strides = array<i32>} : memref<16x128xi32, #tpu.memory_space<vmem>>, vector<1x16xi32>,
        %get3A_236 = vector.shape_cast %get3A_235 : vector<1x16xi32> to vector<16xi32>
        %mul3A_237 = arith.constant 2 : i32
        %mul3A_238 = vector.broadcast %mul3A_237 : i32 to vector<16xi32>
        %mul3A_239 = arith.muli %get3A_236, %mul3A_238 : vector<16xi32>
        %add3A_240 = arith.constant 0 : i32
        %add3A_241 = vector.broadcast %add3A_240 : i32 to vector<16xi32>
        %add3A_242 = arith.addi %mul3A_239, %add3A_241 : vector<16xi32>
        %swap3A_243 = arith.index_cast %scan3A_143 : i32 to index
        %swap3A_244 = arith.constant 96 : index
        %swap3A_245 = tpu.vector_load %arg11[%swap3A_243, %swap3A_244] {strides = array<i32>} : memref<16x128xi32, #tpu.memory_space<vmem>>, vector<1x16xi32>,
        %swap3A_246 = vector.shape_cast %swap3A_245 : vector<1x16xi32> to vector<16xi32>
        %swap3A_247 = vector.shape_cast %add3A_242 : vector<16xi32> to vector<1x16xi32>
        tpu.vector_store %arg11[%swap3A_243, %swap3A_244], %swap3A_247 {strides = array<i32>} : memref<16x128xi32, #tpu.memory_space<vmem>>, vector<1x16xi32>,
        %get3A_248 = arith.index_cast %scan3A_143 : i32 to index
        %get3A_249 = arith.constant 112 : index
        %get3A_250 = tpu.vector_load %arg9[%get3A_248, %get3A_249] {strides = array<i32>} : memref<16x128xi32, #tpu.memory_space<vmem>>, vector<1x16xi32>,
        %get3A_251 = vector.shape_cast %get3A_250 : vector<1x16xi32> to vector<16xi32>
        %mul3A_252 = arith.constant 2 : i32
        %mul3A_253 = vector.broadcast %mul3A_252 : i32 to vector<16xi32>
        %mul3A_254 = arith.muli %get3A_251, %mul3A_253 : vector<16xi32>
        %add3A_255 = arith.constant 0 : i32
        %add3A_256 = vector.broadcast %add3A_255 : i32 to vector<16xi32>
        %add3A_257 = arith.addi %mul3A_254, %add3A_256 : vector<16xi32>
        %swap3A_258 = arith.index_cast %scan3A_143 : i32 to index
        %swap3A_259 = arith.constant 112 : index
        %swap3A_260 = tpu.vector_load %arg11[%swap3A_258, %swap3A_259] {strides = array<i32>} : memref<16x128xi32, #tpu.memory_space<vmem>>, vector<1x16xi32>,
        %swap3A_261 = vector.shape_cast %swap3A_260 : vector<1x16xi32> to vector<16xi32>
        %swap3A_262 = vector.shape_cast %add3A_257 : vector<16xi32> to vector<1x16xi32>
        tpu.vector_store %arg11[%swap3A_258, %swap3A_259], %swap3A_262 {strides = array<i32>} : memref<16x128xi32, #tpu.memory_space<vmem>>, vector<1x16xi32>,
        %scan3A_263 = arith.constant 0 : i32
        scf.yield %scan3A_263 : i32
      }
      %scan3A_120 = arith.constant 16 : i32
      %scan3A_121 = arith.constant 0 : i32
      %scan3A_122 = arith.constant 0 : i32
      %scan3A_123 = arith.constant 16 : i32
      %scan3A_124 = arith.addi %scan3A_122, %scan3A_123 : i32
      %scan3A_125 = arith.constant 1 : i32
      %scan3A_126 = scf.for %scan3A_143 = %scan3A_122 to %scan3A_124 step %scan3A_125 iter_args(%scan3A_144 = %scan3A_121) -> (i32)  : i32 {
        %dma_start3A = arith.constant 0 : i32
        %dma_start3A_145 = arith.constant 0 : i32
        %dma_start3A_146 = tpu.memref_slice %arg12[%scan3A_143, %dma_start3A, %dma_start3A_145] : memref<16x128x16xf32, #tpu.memory_space<vmem>> -> memref<1x128x16xf32, #tpu.memory_space<vmem>>
        %dma_start3A_147 = tpu.memref_squeeze %dma_start3A_146 : memref<1x128x16xf32, #tpu.memory_space<vmem>> -> memref<128x16xf32, #tpu.memory_space<vmem>>
        %dma_start3A_148 = arith.constant 0 : i32
        %dma_start3A_149 = tpu.memref_slice %arg11[%scan3A_143, %dma_start3A_148] : memref<16x128xi32, #tpu.memory_space<vmem>> -> memref<1x128xi32, #tpu.memory_space<vmem>>
        %dma_start3A_150 = tpu.memref_squeeze %dma_start3A_149 : memref<1x128xi32, #tpu.memory_space<vmem>> -> memref<128xi32, #tpu.memory_space<vmem>>
        %dma_start3A_151 = arith.constant 0 : i32
        %dma_start3A_152 = arith.constant 0 : i32
        %dma_start3A_153 = tpu.memref_slice %arg4[%dma_start3A_151, %dma_start3A_152] : memref<200000x16xf32, #tpu.memory_space<hbm>> -> memref<200000x16xf32, #tpu.memory_space<hbm>>
        tpu.enqueue_indirect_dma source(%dma_start3A_153 : memref<200000x16xf32, #tpu.memory_space<hbm>>) target(%dma_start3A_147 : memref<128x16xf32, #tpu.memory_space<vmem>>) offsets(%dma_start3A_150 : memref<128xi32, #tpu.memory_space<vmem>>) semaphore(%arg18 : memref<!tpu.dma_semaphore, #tpu.memory_space<semaphore_mem>>)
        %scan3A_154 = arith.constant 0 : i32
        scf.yield %scan3A_154 : i32
      }
      %scan3A_127 = arith.constant 16 : i32
      %scan3A_128 = arith.constant 0 : i32
      %scan3A_129 = arith.constant 0 : i32
      %scan3A_130 = arith.constant 16 : i32
      %scan3A_131 = arith.addi %scan3A_129, %scan3A_130 : i32
      %scan3A_132 = arith.constant 1 : i32
      %scan3A_133 = scf.for %scan3A_143 = %scan3A_129 to %scan3A_131 step %scan3A_132 iter_args(%scan3A_144 = %scan3A_128) -> (i32)  : i32 {
        %dma_wait3A = arith.constant 0 : i32
        %dma_wait3A_145 = arith.constant 0 : i32
        %dma_wait3A_146 = tpu.memref_slice %arg12[%scan3A_143, %dma_wait3A, %dma_wait3A_145] : memref<16x128x16xf32, #tpu.memory_space<vmem>> -> memref<1x128x16xf32, #tpu.memory_space<vmem>>
        %dma_wait3A_147 = tpu.memref_squeeze %dma_wait3A_146 : memref<1x128x16xf32, #tpu.memory_space<vmem>> -> memref<128x16xf32, #tpu.memory_space<vmem>>
        %dma_wait3A_148 = arith.constant 0 : i32
        %dma_wait3A_149 = tpu.memref_slice %arg11[%scan3A_143, %dma_wait3A_148] : memref<16x128xi32, #tpu.memory_space<vmem>> -> memref<1x128xi32, #tpu.memory_space<vmem>>
        %dma_wait3A_150 = tpu.memref_squeeze %dma_wait3A_149 : memref<1x128xi32, #tpu.memory_space<vmem>> -> memref<128xi32, #tpu.memory_space<vmem>>
        %dma_wait3A_151 = arith.constant 0 : i32
        %dma_wait3A_152 = arith.constant 0 : i32
        %dma_wait3A_153 = tpu.memref_slice %arg4[%dma_wait3A_151, %dma_wait3A_152] : memref<200000x16xf32, #tpu.memory_space<hbm>> -> memref<200000x16xf32, #tpu.memory_space<hbm>>
        tpu.wait_indirect_dma semaphore(%arg18 : memref<!tpu.dma_semaphore, #tpu.memory_space<semaphore_mem>>) src(%dma_wait3A_153 : memref<200000x16xf32, #tpu.memory_space<hbm>>) dst(%dma_wait3A_147 : memref<128x16xf32, #tpu.memory_space<vmem>>)
        %scan3A_154 = arith.constant 0 : i32
        scf.yield %scan3A_154 : i32
      }
      %scan3A_134 = arith.constant 16 : i32
      %scan3A_135 = arith.constant 0 : i32
      %scan3A_136 = arith.constant 0 : i32
      %scan3A_137 = arith.constant 16 : i32
      %scan3A_138 = arith.addi %scan3A_136, %scan3A_137 : i32
      %scan3A_139 = arith.constant 1 : i32
      %scan3A_140 = scf.for %scan3A_143 = %scan3A_136 to %scan3A_138 step %scan3A_139 iter_args(%scan3A_144 = %scan3A_135) -> (i32)  : i32 {
        "tpu.region"() ({
          %run_scoped3A_146 = tpu.sem_alloc : memref<!tpu.dma_semaphore, #tpu.memory_space<semaphore_mem>>
          %dma_start3A = arith.constant 0 : i32
          %dma_start3A_147 = arith.constant 0 : i32
          %dma_start3A_148 = tpu.memref_slice %arg12[%scan3A_143, %dma_start3A, %dma_start3A_147] : memref<16x128x16xf32, #tpu.memory_space<vmem>> -> memref<1x128x16xf32, #tpu.memory_space<vmem>>
          %dma_start3A_149 = tpu.memref_squeeze %dma_start3A_148 : memref<1x128x16xf32, #tpu.memory_space<vmem>> -> memref<128x16xf32, #tpu.memory_space<vmem>>
          %dma_start3A_150 = arith.constant 0 : i32
          %dma_start3A_151 = tpu.memref_slice %arg10[%scan3A_143, %dma_start3A_150] : memref<16x128xi32, #tpu.memory_space<vmem>> -> memref<1x128xi32, #tpu.memory_space<vmem>>
          %dma_start3A_152 = tpu.memref_squeeze %dma_start3A_151 : memref<1x128xi32, #tpu.memory_space<vmem>> -> memref<128xi32, #tpu.memory_space<vmem>>
          %dma_start3A_153 = arith.constant 0 : i32
          %dma_start3A_154 = arith.constant 0 : i32
          %dma_start3A_155 = tpu.memref_slice %arg16[%dma_start3A_153, %dma_start3A_154] : memref<10240x16xf32, #tpu.memory_space<vmem_shared>> -> memref<10240x16xf32, #tpu.memory_space<vmem_shared>>
          tpu.enqueue_indirect_dma source(%dma_start3A_149 : memref<128x16xf32, #tpu.memory_space<vmem>>) target(%dma_start3A_155 : memref<10240x16xf32, #tpu.memory_space<vmem_shared>>) offsets(%dma_start3A_152 : memref<128xi32, #tpu.memory_space<vmem>>) semaphore(%run_scoped3A_146 : memref<!tpu.dma_semaphore, #tpu.memory_space<semaphore_mem>>) {add = true}
          %dma_wait3A = arith.constant 0 : i32
          %dma_wait3A_156 = arith.constant 0 : i32
          %dma_wait3A_157 = tpu.memref_slice %arg12[%scan3A_143, %dma_wait3A, %dma_wait3A_156] : memref<16x128x16xf32, #tpu.memory_space<vmem>> -> memref<1x128x16xf32, #tpu.memory_space<vmem>>
          %dma_wait3A_158 = tpu.memref_squeeze %dma_wait3A_157 : memref<1x128x16xf32, #tpu.memory_space<vmem>> -> memref<128x16xf32, #tpu.memory_space<vmem>>
          %dma_wait3A_159 = arith.constant 0 : i32
          %dma_wait3A_160 = tpu.memref_slice %arg10[%scan3A_143, %dma_wait3A_159] : memref<16x128xi32, #tpu.memory_space<vmem>> -> memref<1x128xi32, #tpu.memory_space<vmem>>
          %dma_wait3A_161 = tpu.memref_squeeze %dma_wait3A_160 : memref<1x128xi32, #tpu.memory_space<vmem>> -> memref<128xi32, #tpu.memory_space<vmem>>
          %dma_wait3A_162 = arith.constant 0 : i32
          %dma_wait3A_163 = arith.constant 0 : i32
          %dma_wait3A_164 = tpu.memref_slice %arg16[%dma_wait3A_162, %dma_wait3A_163] : memref<10240x16xf32, #tpu.memory_space<vmem_shared>> -> memref<10240x16xf32, #tpu.memory_space<vmem_shared>>
          tpu.wait_indirect_dma semaphore(%run_scoped3A_146 : memref<!tpu.dma_semaphore, #tpu.memory_space<semaphore_mem>>) src(%dma_wait3A_158 : memref<128x16xf32, #tpu.memory_space<vmem>>) dst(%dma_wait3A_164 : memref<10240x16xf32, #tpu.memory_space<vmem_shared>>)
          tpu.yield
        }) : () -> ()
        %scan3A_145 = arith.constant 0 : i32
        scf.yield %scan3A_145 : i32
      }
      %scan3A_141 = arith.constant 16 : i32
      %while3A_142 = arith.constant 0 : i32
      scf.yield %while3A_142 : i32
    }
    %while3A_35 = arith.constant 0 : i32
    %while3A_36 = arith.constant 0 : i32
    %while3A_37 = arith.subi %select_n3A, %while3A_35 : i32
    %while3A_38 = arith.addi %while3A_35, %while3A_37 : i32
    %while3A_39 = arith.constant 1 : i32
    %while3A_40 = arith.divsi %while3A_37, %while3A_39 : i32
    %while3A_41 = arith.muli %while3A_40, %while3A_39 : i32
    %while3A_42 = arith.addi %while3A_35, %while3A_41 : i32
    %while3A_43 = arith.constant 1 : i32
    %while3A_44 = scf.for %while3A_107 = %while3A_35 to %while3A_42 step %while3A_43 iter_args(%while3A_108 = %while3A_36) -> (i32)  : i32 {
      %add3A_109 = arith.addi %select_n3A_23, %while3A_107 : i32
      %mul3A_110 = arith.constant 16 : i32
      %mul3A_111 = arith.muli %add3A_109, %mul3A_110 : i32
      %run_scoped3A_112 = arith.constant 1 : i32
      "tpu.region"() ({
        %run_scoped3A_143 = tpu.sem_alloc : memref<!tpu.dma_semaphore, #tpu.memory_space<semaphore_mem>>
        %dma_start3A = arith.constant 0 : i32
        %dma_start3A_144 = tpu.memref_slice %arg2[%run_scoped3A_112, %mul3A_111, %dma_start3A] : memref<2x12544x128xi32, #tpu.memory_space<hbm>> -> memref<1x16x128xi32, #tpu.memory_space<hbm>>
        %dma_start3A_145 = tpu.memref_squeeze %dma_start3A_144 : memref<1x16x128xi32, #tpu.memory_space<hbm>> -> memref<16x128xi32, #tpu.memory_space<hbm>>
        %dma_start3A_146 = arith.constant 0 : i32
        %dma_start3A_147 = tpu.memref_slice %arg2[%run_scoped3A_112, %mul3A_111, %dma_start3A_146] : memref<2x12544x128xi32, #tpu.memory_space<hbm>> -> memref<1x16x128xi32, #tpu.memory_space<hbm>>
        %dma_start3A_148 = tpu.memref_squeeze %dma_start3A_147 : memref<1x16x128xi32, #tpu.memory_space<hbm>> -> memref<16x128xi32, #tpu.memory_space<hbm>>
        tpu.enqueue_dma source(%dma_start3A_148 : memref<16x128xi32, #tpu.memory_space<hbm>>) target(%arg9 : memref<16x128xi32, #tpu.memory_space<vmem>>) target_semaphore(%run_scoped3A_143 : memref<!tpu.dma_semaphore, #tpu.memory_space<semaphore_mem>>)
        %dma_wait3A = arith.constant 0 : i32
        %dma_wait3A_149 = tpu.memref_slice %arg2[%run_scoped3A_112, %mul3A_111, %dma_wait3A] : memref<2x12544x128xi32, #tpu.memory_space<hbm>> -> memref<1x16x128xi32, #tpu.memory_space<hbm>>
        %dma_wait3A_150 = tpu.memref_squeeze %dma_wait3A_149 : memref<1x16x128xi32, #tpu.memory_space<hbm>> -> memref<16x128xi32, #tpu.memory_space<hbm>>
        %dma_wait3A_151 = arith.constant 0 : i32
        %dma_wait3A_152 = tpu.memref_slice %arg2[%run_scoped3A_112, %mul3A_111, %dma_wait3A_151] : memref<2x12544x128xi32, #tpu.memory_space<hbm>> -> memref<1x16x128xi32, #tpu.memory_space<hbm>>
        %dma_wait3A_153 = tpu.memref_squeeze %dma_wait3A_152 : memref<1x16x128xi32, #tpu.memory_space<hbm>> -> memref<16x128xi32, #tpu.memory_space<hbm>>
        tpu.wait_dma2 semaphore(%run_scoped3A_143 : memref<!tpu.dma_semaphore, #tpu.memory_space<semaphore_mem>>) src(%dma_wait3A_153 : memref<16x128xi32, #tpu.memory_space<hbm>>) dst(%arg9 : memref<16x128xi32, #tpu.memory_space<vmem>>)
        tpu.yield
      }) : () -> ()
      %run_scoped3A_113 = arith.constant 1 : i32
      "tpu.region"() ({
        %run_scoped3A_143 = tpu.sem_alloc : memref<!tpu.dma_semaphore, #tpu.memory_space<semaphore_mem>>
        %dma_start3A = arith.constant 0 : i32
        %dma_start3A_144 = tpu.memref_slice %arg3[%run_scoped3A_113, %mul3A_111, %dma_start3A] : memref<2x12544x128xi32, #tpu.memory_space<hbm>> -> memref<1x16x128xi32, #tpu.memory_space<hbm>>
        %dma_start3A_145 = tpu.memref_squeeze %dma_start3A_144 : memref<1x16x128xi32, #tpu.memory_space<hbm>> -> memref<16x128xi32, #tpu.memory_space<hbm>>
        %dma_start3A_146 = arith.constant 0 : i32
        %dma_start3A_147 = tpu.memref_slice %arg3[%run_scoped3A_113, %mul3A_111, %dma_start3A_146] : memref<2x12544x128xi32, #tpu.memory_space<hbm>> -> memref<1x16x128xi32, #tpu.memory_space<hbm>>
        %dma_start3A_148 = tpu.memref_squeeze %dma_start3A_147 : memref<1x16x128xi32, #tpu.memory_space<hbm>> -> memref<16x128xi32, #tpu.memory_space<hbm>>
        tpu.enqueue_dma source(%dma_start3A_148 : memref<16x128xi32, #tpu.memory_space<hbm>>) target(%arg10 : memref<16x128xi32, #tpu.memory_space<vmem>>) target_semaphore(%run_scoped3A_143 : memref<!tpu.dma_semaphore, #tpu.memory_space<semaphore_mem>>)
        %dma_wait3A = arith.constant 0 : i32
        %dma_wait3A_149 = tpu.memref_slice %arg3[%run_scoped3A_113, %mul3A_111, %dma_wait3A] : memref<2x12544x128xi32, #tpu.memory_space<hbm>> -> memref<1x16x128xi32, #tpu.memory_space<hbm>>
        %dma_wait3A_150 = tpu.memref_squeeze %dma_wait3A_149 : memref<1x16x128xi32, #tpu.memory_space<hbm>> -> memref<16x128xi32, #tpu.memory_space<hbm>>
        %dma_wait3A_151 = arith.constant 0 : i32
        %dma_wait3A_152 = tpu.memref_slice %arg3[%run_scoped3A_113, %mul3A_111, %dma_wait3A_151] : memref<2x12544x128xi32, #tpu.memory_space<hbm>> -> memref<1x16x128xi32, #tpu.memory_space<hbm>>
        %dma_wait3A_153 = tpu.memref_squeeze %dma_wait3A_152 : memref<1x16x128xi32, #tpu.memory_space<hbm>> -> memref<16x128xi32, #tpu.memory_space<hbm>>
        tpu.wait_dma2 semaphore(%run_scoped3A_143 : memref<!tpu.dma_semaphore, #tpu.memory_space<semaphore_mem>>) src(%dma_wait3A_153 : memref<16x128xi32, #tpu.memory_space<hbm>>) dst(%arg10 : memref<16x128xi32, #tpu.memory_space<vmem>>)
        tpu.yield
      }) : () -> ()
      %scan3A_114 = arith.constant 0 : i32
      %scan3A_115 = arith.constant 0 : i32
      %scan3A_116 = arith.constant 16 : i32
      %scan3A_117 = arith.addi %scan3A_115, %scan3A_116 : i32
      %scan3A_118 = arith.constant 1 : i32
      %scan3A_119 = scf.for %scan3A_143 = %scan3A_115 to %scan3A_117 step %scan3A_118 iter_args(%scan3A_144 = %scan3A_114) -> (i32)  : i32 {
        %get3A = arith.index_cast %scan3A_143 : i32 to index
        %get3A_145 = arith.constant 0 : index
        %get3A_146 = tpu.vector_load %arg9[%get3A, %get3A_145] {strides = array<i32>} : memref<16x128xi32, #tpu.memory_space<vmem>>, vector<1x16xi32>,
        %get3A_147 = vector.shape_cast %get3A_146 : vector<1x16xi32> to vector<16xi32>
        %mul3A_148 = arith.constant 2 : i32
        %mul3A_149 = vector.broadcast %mul3A_148 : i32 to vector<16xi32>
        %mul3A_150 = arith.muli %get3A_147, %mul3A_149 : vector<16xi32>
        %add3A_151 = arith.constant 1 : i32
        %add3A_152 = vector.broadcast %add3A_151 : i32 to vector<16xi32>
        %add3A_153 = arith.addi %mul3A_150, %add3A_152 : vector<16xi32>
        %swap3A = arith.index_cast %scan3A_143 : i32 to index
        %swap3A_154 = arith.constant 0 : index
        %swap3A_155 = tpu.vector_load %arg11[%swap3A, %swap3A_154] {strides = array<i32>} : memref<16x128xi32, #tpu.memory_space<vmem>>, vector<1x16xi32>,
        %swap3A_156 = vector.shape_cast %swap3A_155 : vector<1x16xi32> to vector<16xi32>
        %swap3A_157 = vector.shape_cast %add3A_153 : vector<16xi32> to vector<1x16xi32>
        tpu.vector_store %arg11[%swap3A, %swap3A_154], %swap3A_157 {strides = array<i32>} : memref<16x128xi32, #tpu.memory_space<vmem>>, vector<1x16xi32>,
        %get3A_158 = arith.index_cast %scan3A_143 : i32 to index
        %get3A_159 = arith.constant 16 : index
        %get3A_160 = tpu.vector_load %arg9[%get3A_158, %get3A_159] {strides = array<i32>} : memref<16x128xi32, #tpu.memory_space<vmem>>, vector<1x16xi32>,
        %get3A_161 = vector.shape_cast %get3A_160 : vector<1x16xi32> to vector<16xi32>
        %mul3A_162 = arith.constant 2 : i32
        %mul3A_163 = vector.broadcast %mul3A_162 : i32 to vector<16xi32>
        %mul3A_164 = arith.muli %get3A_161, %mul3A_163 : vector<16xi32>
        %add3A_165 = arith.constant 1 : i32
        %add3A_166 = vector.broadcast %add3A_165 : i32 to vector<16xi32>
        %add3A_167 = arith.addi %mul3A_164, %add3A_166 : vector<16xi32>
        %swap3A_168 = arith.index_cast %scan3A_143 : i32 to index
        %swap3A_169 = arith.constant 16 : index
        %swap3A_170 = tpu.vector_load %arg11[%swap3A_168, %swap3A_169] {strides = array<i32>} : memref<16x128xi32, #tpu.memory_space<vmem>>, vector<1x16xi32>,
        %swap3A_171 = vector.shape_cast %swap3A_170 : vector<1x16xi32> to vector<16xi32>
        %swap3A_172 = vector.shape_cast %add3A_167 : vector<16xi32> to vector<1x16xi32>
        tpu.vector_store %arg11[%swap3A_168, %swap3A_169], %swap3A_172 {strides = array<i32>} : memref<16x128xi32, #tpu.memory_space<vmem>>, vector<1x16xi32>,
        %get3A_173 = arith.index_cast %scan3A_143 : i32 to index
        %get3A_174 = arith.constant 32 : index
        %get3A_175 = tpu.vector_load %arg9[%get3A_173, %get3A_174] {strides = array<i32>} : memref<16x128xi32, #tpu.memory_space<vmem>>, vector<1x16xi32>,
        %get3A_176 = vector.shape_cast %get3A_175 : vector<1x16xi32> to vector<16xi32>
        %mul3A_177 = arith.constant 2 : i32
        %mul3A_178 = vector.broadcast %mul3A_177 : i32 to vector<16xi32>
        %mul3A_179 = arith.muli %get3A_176, %mul3A_178 : vector<16xi32>
        %add3A_180 = arith.constant 1 : i32
        %add3A_181 = vector.broadcast %add3A_180 : i32 to vector<16xi32>
        %add3A_182 = arith.addi %mul3A_179, %add3A_181 : vector<16xi32>
        %swap3A_183 = arith.index_cast %scan3A_143 : i32 to index
        %swap3A_184 = arith.constant 32 : index
        %swap3A_185 = tpu.vector_load %arg11[%swap3A_183, %swap3A_184] {strides = array<i32>} : memref<16x128xi32, #tpu.memory_space<vmem>>, vector<1x16xi32>,
        %swap3A_186 = vector.shape_cast %swap3A_185 : vector<1x16xi32> to vector<16xi32>
        %swap3A_187 = vector.shape_cast %add3A_182 : vector<16xi32> to vector<1x16xi32>
        tpu.vector_store %arg11[%swap3A_183, %swap3A_184], %swap3A_187 {strides = array<i32>} : memref<16x128xi32, #tpu.memory_space<vmem>>, vector<1x16xi32>,
        %get3A_188 = arith.index_cast %scan3A_143 : i32 to index
        %get3A_189 = arith.constant 48 : index
        %get3A_190 = tpu.vector_load %arg9[%get3A_188, %get3A_189] {strides = array<i32>} : memref<16x128xi32, #tpu.memory_space<vmem>>, vector<1x16xi32>,
        %get3A_191 = vector.shape_cast %get3A_190 : vector<1x16xi32> to vector<16xi32>
        %mul3A_192 = arith.constant 2 : i32
        %mul3A_193 = vector.broadcast %mul3A_192 : i32 to vector<16xi32>
        %mul3A_194 = arith.muli %get3A_191, %mul3A_193 : vector<16xi32>
        %add3A_195 = arith.constant 1 : i32
        %add3A_196 = vector.broadcast %add3A_195 : i32 to vector<16xi32>
        %add3A_197 = arith.addi %mul3A_194, %add3A_196 : vector<16xi32>
        %swap3A_198 = arith.index_cast %scan3A_143 : i32 to index
        %swap3A_199 = arith.constant 48 : index
        %swap3A_200 = tpu.vector_load %arg11[%swap3A_198, %swap3A_199] {strides = array<i32>} : memref<16x128xi32, #tpu.memory_space<vmem>>, vector<1x16xi32>,
        %swap3A_201 = vector.shape_cast %swap3A_200 : vector<1x16xi32> to vector<16xi32>
        %swap3A_202 = vector.shape_cast %add3A_197 : vector<16xi32> to vector<1x16xi32>
        tpu.vector_store %arg11[%swap3A_198, %swap3A_199], %swap3A_202 {strides = array<i32>} : memref<16x128xi32, #tpu.memory_space<vmem>>, vector<1x16xi32>,
        %get3A_203 = arith.index_cast %scan3A_143 : i32 to index
        %get3A_204 = arith.constant 64 : index
        %get3A_205 = tpu.vector_load %arg9[%get3A_203, %get3A_204] {strides = array<i32>} : memref<16x128xi32, #tpu.memory_space<vmem>>, vector<1x16xi32>,
        %get3A_206 = vector.shape_cast %get3A_205 : vector<1x16xi32> to vector<16xi32>
        %mul3A_207 = arith.constant 2 : i32
        %mul3A_208 = vector.broadcast %mul3A_207 : i32 to vector<16xi32>
        %mul3A_209 = arith.muli %get3A_206, %mul3A_208 : vector<16xi32>
        %add3A_210 = arith.constant 1 : i32
        %add3A_211 = vector.broadcast %add3A_210 : i32 to vector<16xi32>
        %add3A_212 = arith.addi %mul3A_209, %add3A_211 : vector<16xi32>
        %swap3A_213 = arith.index_cast %scan3A_143 : i32 to index
        %swap3A_214 = arith.constant 64 : index
        %swap3A_215 = tpu.vector_load %arg11[%swap3A_213, %swap3A_214] {strides = array<i32>} : memref<16x128xi32, #tpu.memory_space<vmem>>, vector<1x16xi32>,
        %swap3A_216 = vector.shape_cast %swap3A_215 : vector<1x16xi32> to vector<16xi32>
        %swap3A_217 = vector.shape_cast %add3A_212 : vector<16xi32> to vector<1x16xi32>
        tpu.vector_store %arg11[%swap3A_213, %swap3A_214], %swap3A_217 {strides = array<i32>} : memref<16x128xi32, #tpu.memory_space<vmem>>, vector<1x16xi32>,
        %get3A_218 = arith.index_cast %scan3A_143 : i32 to index
        %get3A_219 = arith.constant 80 : index
        %get3A_220 = tpu.vector_load %arg9[%get3A_218, %get3A_219] {strides = array<i32>} : memref<16x128xi32, #tpu.memory_space<vmem>>, vector<1x16xi32>,
        %get3A_221 = vector.shape_cast %get3A_220 : vector<1x16xi32> to vector<16xi32>
        %mul3A_222 = arith.constant 2 : i32
        %mul3A_223 = vector.broadcast %mul3A_222 : i32 to vector<16xi32>
        %mul3A_224 = arith.muli %get3A_221, %mul3A_223 : vector<16xi32>
        %add3A_225 = arith.constant 1 : i32
        %add3A_226 = vector.broadcast %add3A_225 : i32 to vector<16xi32>
        %add3A_227 = arith.addi %mul3A_224, %add3A_226 : vector<16xi32>
        %swap3A_228 = arith.index_cast %scan3A_143 : i32 to index
        %swap3A_229 = arith.constant 80 : index
        %swap3A_230 = tpu.vector_load %arg11[%swap3A_228, %swap3A_229] {strides = array<i32>} : memref<16x128xi32, #tpu.memory_space<vmem>>, vector<1x16xi32>,
        %swap3A_231 = vector.shape_cast %swap3A_230 : vector<1x16xi32> to vector<16xi32>
        %swap3A_232 = vector.shape_cast %add3A_227 : vector<16xi32> to vector<1x16xi32>
        tpu.vector_store %arg11[%swap3A_228, %swap3A_229], %swap3A_232 {strides = array<i32>} : memref<16x128xi32, #tpu.memory_space<vmem>>, vector<1x16xi32>,
        %get3A_233 = arith.index_cast %scan3A_143 : i32 to index
        %get3A_234 = arith.constant 96 : index
        %get3A_235 = tpu.vector_load %arg9[%get3A_233, %get3A_234] {strides = array<i32>} : memref<16x128xi32, #tpu.memory_space<vmem>>, vector<1x16xi32>,
        %get3A_236 = vector.shape_cast %get3A_235 : vector<1x16xi32> to vector<16xi32>
        %mul3A_237 = arith.constant 2 : i32
        %mul3A_238 = vector.broadcast %mul3A_237 : i32 to vector<16xi32>
        %mul3A_239 = arith.muli %get3A_236, %mul3A_238 : vector<16xi32>
        %add3A_240 = arith.constant 1 : i32
        %add3A_241 = vector.broadcast %add3A_240 : i32 to vector<16xi32>
        %add3A_242 = arith.addi %mul3A_239, %add3A_241 : vector<16xi32>
        %swap3A_243 = arith.index_cast %scan3A_143 : i32 to index
        %swap3A_244 = arith.constant 96 : index
        %swap3A_245 = tpu.vector_load %arg11[%swap3A_243, %swap3A_244] {strides = array<i32>} : memref<16x128xi32, #tpu.memory_space<vmem>>, vector<1x16xi32>,
        %swap3A_246 = vector.shape_cast %swap3A_245 : vector<1x16xi32> to vector<16xi32>
        %swap3A_247 = vector.shape_cast %add3A_242 : vector<16xi32> to vector<1x16xi32>
        tpu.vector_store %arg11[%swap3A_243, %swap3A_244], %swap3A_247 {strides = array<i32>} : memref<16x128xi32, #tpu.memory_space<vmem>>, vector<1x16xi32>,
        %get3A_248 = arith.index_cast %scan3A_143 : i32 to index
        %get3A_249 = arith.constant 112 : index
        %get3A_250 = tpu.vector_load %arg9[%get3A_248, %get3A_249] {strides = array<i32>} : memref<16x128xi32, #tpu.memory_space<vmem>>, vector<1x16xi32>,
        %get3A_251 = vector.shape_cast %get3A_250 : vector<1x16xi32> to vector<16xi32>
        %mul3A_252 = arith.constant 2 : i32
        %mul3A_253 = vector.broadcast %mul3A_252 : i32 to vector<16xi32>
        %mul3A_254 = arith.muli %get3A_251, %mul3A_253 : vector<16xi32>
        %add3A_255 = arith.constant 1 : i32
        %add3A_256 = vector.broadcast %add3A_255 : i32 to vector<16xi32>
        %add3A_257 = arith.addi %mul3A_254, %add3A_256 : vector<16xi32>
        %swap3A_258 = arith.index_cast %scan3A_143 : i32 to index
        %swap3A_259 = arith.constant 112 : index
        %swap3A_260 = tpu.vector_load %arg11[%swap3A_258, %swap3A_259] {strides = array<i32>} : memref<16x128xi32, #tpu.memory_space<vmem>>, vector<1x16xi32>,
        %swap3A_261 = vector.shape_cast %swap3A_260 : vector<1x16xi32> to vector<16xi32>
        %swap3A_262 = vector.shape_cast %add3A_257 : vector<16xi32> to vector<1x16xi32>
        tpu.vector_store %arg11[%swap3A_258, %swap3A_259], %swap3A_262 {strides = array<i32>} : memref<16x128xi32, #tpu.memory_space<vmem>>, vector<1x16xi32>,
        %scan3A_263 = arith.constant 0 : i32
        scf.yield %scan3A_263 : i32
      }
      %scan3A_120 = arith.constant 16 : i32
      %scan3A_121 = arith.constant 0 : i32
      %scan3A_122 = arith.constant 0 : i32
      %scan3A_123 = arith.constant 16 : i32
      %scan3A_124 = arith.addi %scan3A_122, %scan3A_123 : i32
      %scan3A_125 = arith.constant 1 : i32
      %scan3A_126 = scf.for %scan3A_143 = %scan3A_122 to %scan3A_124 step %scan3A_125 iter_args(%scan3A_144 = %scan3A_121) -> (i32)  : i32 {
        %dma_start3A = arith.constant 0 : i32
        %dma_start3A_145 = arith.constant 0 : i32
        %dma_start3A_146 = tpu.memref_slice %arg12[%scan3A_143, %dma_start3A, %dma_start3A_145] : memref<16x128x16xf32, #tpu.memory_space<vmem>> -> memref<1x128x16xf32, #tpu.memory_space<vmem>>
        %dma_start3A_147 = tpu.memref_squeeze %dma_start3A_146 : memref<1x128x16xf32, #tpu.memory_space<vmem>> -> memref<128x16xf32, #tpu.memory_space<vmem>>
        %dma_start3A_148 = arith.constant 0 : i32
        %dma_start3A_149 = tpu.memref_slice %arg11[%scan3A_143, %dma_start3A_148] : memref<16x128xi32, #tpu.memory_space<vmem>> -> memref<1x128xi32, #tpu.memory_space<vmem>>
        %dma_start3A_150 = tpu.memref_squeeze %dma_start3A_149 : memref<1x128xi32, #tpu.memory_space<vmem>> -> memref<128xi32, #tpu.memory_space<vmem>>
        %dma_start3A_151 = arith.constant 0 : i32
        %dma_start3A_152 = arith.constant 0 : i32
        %dma_start3A_153 = tpu.memref_slice %arg4[%dma_start3A_151, %dma_start3A_152] : memref<200000x16xf32, #tpu.memory_space<hbm>> -> memref<200000x16xf32, #tpu.memory_space<hbm>>
        tpu.enqueue_indirect_dma source(%dma_start3A_153 : memref<200000x16xf32, #tpu.memory_space<hbm>>) target(%dma_start3A_147 : memref<128x16xf32, #tpu.memory_space<vmem>>) offsets(%dma_start3A_150 : memref<128xi32, #tpu.memory_space<vmem>>) semaphore(%arg18 : memref<!tpu.dma_semaphore, #tpu.memory_space<semaphore_mem>>)
        %scan3A_154 = arith.constant 0 : i32
        scf.yield %scan3A_154 : i32
      }
      %scan3A_127 = arith.constant 16 : i32
      %scan3A_128 = arith.constant 0 : i32
      %scan3A_129 = arith.constant 0 : i32
      %scan3A_130 = arith.constant 16 : i32
      %scan3A_131 = arith.addi %scan3A_129, %scan3A_130 : i32
      %scan3A_132 = arith.constant 1 : i32
      %scan3A_133 = scf.for %scan3A_143 = %scan3A_129 to %scan3A_131 step %scan3A_132 iter_args(%scan3A_144 = %scan3A_128) -> (i32)  : i32 {
        %dma_wait3A = arith.constant 0 : i32
        %dma_wait3A_145 = arith.constant 0 : i32
        %dma_wait3A_146 = tpu.memref_slice %arg12[%scan3A_143, %dma_wait3A, %dma_wait3A_145] : memref<16x128x16xf32, #tpu.memory_space<vmem>> -> memref<1x128x16xf32, #tpu.memory_space<vmem>>
        %dma_wait3A_147 = tpu.memref_squeeze %dma_wait3A_146 : memref<1x128x16xf32, #tpu.memory_space<vmem>> -> memref<128x16xf32, #tpu.memory_space<vmem>>
        %dma_wait3A_148 = arith.constant 0 : i32
        %dma_wait3A_149 = tpu.memref_slice %arg11[%scan3A_143, %dma_wait3A_148] : memref<16x128xi32, #tpu.memory_space<vmem>> -> memref<1x128xi32, #tpu.memory_space<vmem>>
        %dma_wait3A_150 = tpu.memref_squeeze %dma_wait3A_149 : memref<1x128xi32, #tpu.memory_space<vmem>> -> memref<128xi32, #tpu.memory_space<vmem>>
        %dma_wait3A_151 = arith.constant 0 : i32
        %dma_wait3A_152 = arith.constant 0 : i32
        %dma_wait3A_153 = tpu.memref_slice %arg4[%dma_wait3A_151, %dma_wait3A_152] : memref<200000x16xf32, #tpu.memory_space<hbm>> -> memref<200000x16xf32, #tpu.memory_space<hbm>>
        tpu.wait_indirect_dma semaphore(%arg18 : memref<!tpu.dma_semaphore, #tpu.memory_space<semaphore_mem>>) src(%dma_wait3A_153 : memref<200000x16xf32, #tpu.memory_space<hbm>>) dst(%dma_wait3A_147 : memref<128x16xf32, #tpu.memory_space<vmem>>)
        %scan3A_154 = arith.constant 0 : i32
        scf.yield %scan3A_154 : i32
      }
      %scan3A_134 = arith.constant 16 : i32
      %scan3A_135 = arith.constant 0 : i32
      %scan3A_136 = arith.constant 0 : i32
      %scan3A_137 = arith.constant 16 : i32
      %scan3A_138 = arith.addi %scan3A_136, %scan3A_137 : i32
      %scan3A_139 = arith.constant 1 : i32
      %scan3A_140 = scf.for %scan3A_143 = %scan3A_136 to %scan3A_138 step %scan3A_139 iter_args(%scan3A_144 = %scan3A_135) -> (i32)  : i32 {
        "tpu.region"() ({
          %run_scoped3A_146 = tpu.sem_alloc : memref<!tpu.dma_semaphore, #tpu.memory_space<semaphore_mem>>
          %dma_start3A = arith.constant 0 : i32
          %dma_start3A_147 = arith.constant 0 : i32
          %dma_start3A_148 = tpu.memref_slice %arg12[%scan3A_143, %dma_start3A, %dma_start3A_147] : memref<16x128x16xf32, #tpu.memory_space<vmem>> -> memref<1x128x16xf32, #tpu.memory_space<vmem>>
          %dma_start3A_149 = tpu.memref_squeeze %dma_start3A_148 : memref<1x128x16xf32, #tpu.memory_space<vmem>> -> memref<128x16xf32, #tpu.memory_space<vmem>>
          %dma_start3A_150 = arith.constant 0 : i32
          %dma_start3A_151 = tpu.memref_slice %arg10[%scan3A_143, %dma_start3A_150] : memref<16x128xi32, #tpu.memory_space<vmem>> -> memref<1x128xi32, #tpu.memory_space<vmem>>
          %dma_start3A_152 = tpu.memref_squeeze %dma_start3A_151 : memref<1x128xi32, #tpu.memory_space<vmem>> -> memref<128xi32, #tpu.memory_space<vmem>>
          %dma_start3A_153 = arith.constant 0 : i32
          %dma_start3A_154 = arith.constant 0 : i32
          %dma_start3A_155 = tpu.memref_slice %arg17[%dma_start3A_153, %dma_start3A_154] : memref<10240x16xf32, #tpu.memory_space<vmem_shared>> -> memref<10240x16xf32, #tpu.memory_space<vmem_shared>>
          tpu.enqueue_indirect_dma source(%dma_start3A_149 : memref<128x16xf32, #tpu.memory_space<vmem>>) target(%dma_start3A_155 : memref<10240x16xf32, #tpu.memory_space<vmem_shared>>) offsets(%dma_start3A_152 : memref<128xi32, #tpu.memory_space<vmem>>) semaphore(%run_scoped3A_146 : memref<!tpu.dma_semaphore, #tpu.memory_space<semaphore_mem>>) {add = true}
          %dma_wait3A = arith.constant 0 : i32
          %dma_wait3A_156 = arith.constant 0 : i32
          %dma_wait3A_157 = tpu.memref_slice %arg12[%scan3A_143, %dma_wait3A, %dma_wait3A_156] : memref<16x128x16xf32, #tpu.memory_space<vmem>> -> memref<1x128x16xf32, #tpu.memory_space<vmem>>
          %dma_wait3A_158 = tpu.memref_squeeze %dma_wait3A_157 : memref<1x128x16xf32, #tpu.memory_space<vmem>> -> memref<128x16xf32, #tpu.memory_space<vmem>>
          %dma_wait3A_159 = arith.constant 0 : i32
          %dma_wait3A_160 = tpu.memref_slice %arg10[%scan3A_143, %dma_wait3A_159] : memref<16x128xi32, #tpu.memory_space<vmem>> -> memref<1x128xi32, #tpu.memory_space<vmem>>
          %dma_wait3A_161 = tpu.memref_squeeze %dma_wait3A_160 : memref<1x128xi32, #tpu.memory_space<vmem>> -> memref<128xi32, #tpu.memory_space<vmem>>
          %dma_wait3A_162 = arith.constant 0 : i32
          %dma_wait3A_163 = arith.constant 0 : i32
          %dma_wait3A_164 = tpu.memref_slice %arg17[%dma_wait3A_162, %dma_wait3A_163] : memref<10240x16xf32, #tpu.memory_space<vmem_shared>> -> memref<10240x16xf32, #tpu.memory_space<vmem_shared>>
          tpu.wait_indirect_dma semaphore(%run_scoped3A_146 : memref<!tpu.dma_semaphore, #tpu.memory_space<semaphore_mem>>) src(%dma_wait3A_158 : memref<128x16xf32, #tpu.memory_space<vmem>>) dst(%dma_wait3A_164 : memref<10240x16xf32, #tpu.memory_space<vmem_shared>>)
          tpu.yield
        }) : () -> ()
        %scan3A_145 = arith.constant 0 : i32
        scf.yield %scan3A_145 : i32
      }
      %scan3A_141 = arith.constant 16 : i32
      %while3A_142 = arith.constant 0 : i32
      scf.yield %while3A_142 : i32
    }
    %while3A_45 = arith.constant 1 : i32
    %while3A_46 = scf.for %while3A_107 = %while3A_42 to %while3A_38 step %while3A_45 iter_args(%while3A_108 = %while3A_44) -> (i32)  : i32 {
      %add3A_109 = arith.addi %select_n3A_23, %while3A_107 : i32
      %mul3A_110 = arith.constant 16 : i32
      %mul3A_111 = arith.muli %add3A_109, %mul3A_110 : i32
      %run_scoped3A_112 = arith.constant 1 : i32
      "tpu.region"() ({
        %run_scoped3A_143 = tpu.sem_alloc : memref<!tpu.dma_semaphore, #tpu.memory_space<semaphore_mem>>
        %dma_start3A = arith.constant 0 : i32
        %dma_start3A_144 = tpu.memref_slice %arg2[%run_scoped3A_112, %mul3A_111, %dma_start3A] : memref<2x12544x128xi32, #tpu.memory_space<hbm>> -> memref<1x16x128xi32, #tpu.memory_space<hbm>>
        %dma_start3A_145 = tpu.memref_squeeze %dma_start3A_144 : memref<1x16x128xi32, #tpu.memory_space<hbm>> -> memref<16x128xi32, #tpu.memory_space<hbm>>
        %dma_start3A_146 = arith.constant 0 : i32
        %dma_start3A_147 = tpu.memref_slice %arg2[%run_scoped3A_112, %mul3A_111, %dma_start3A_146] : memref<2x12544x128xi32, #tpu.memory_space<hbm>> -> memref<1x16x128xi32, #tpu.memory_space<hbm>>
        %dma_start3A_148 = tpu.memref_squeeze %dma_start3A_147 : memref<1x16x128xi32, #tpu.memory_space<hbm>> -> memref<16x128xi32, #tpu.memory_space<hbm>>
        tpu.enqueue_dma source(%dma_start3A_148 : memref<16x128xi32, #tpu.memory_space<hbm>>) target(%arg9 : memref<16x128xi32, #tpu.memory_space<vmem>>) target_semaphore(%run_scoped3A_143 : memref<!tpu.dma_semaphore, #tpu.memory_space<semaphore_mem>>)
        %dma_wait3A = arith.constant 0 : i32
        %dma_wait3A_149 = tpu.memref_slice %arg2[%run_scoped3A_112, %mul3A_111, %dma_wait3A] : memref<2x12544x128xi32, #tpu.memory_space<hbm>> -> memref<1x16x128xi32, #tpu.memory_space<hbm>>
        %dma_wait3A_150 = tpu.memref_squeeze %dma_wait3A_149 : memref<1x16x128xi32, #tpu.memory_space<hbm>> -> memref<16x128xi32, #tpu.memory_space<hbm>>
        %dma_wait3A_151 = arith.constant 0 : i32
        %dma_wait3A_152 = tpu.memref_slice %arg2[%run_scoped3A_112, %mul3A_111, %dma_wait3A_151] : memref<2x12544x128xi32, #tpu.memory_space<hbm>> -> memref<1x16x128xi32, #tpu.memory_space<hbm>>
        %dma_wait3A_153 = tpu.memref_squeeze %dma_wait3A_152 : memref<1x16x128xi32, #tpu.memory_space<hbm>> -> memref<16x128xi32, #tpu.memory_space<hbm>>
        tpu.wait_dma2 semaphore(%run_scoped3A_143 : memref<!tpu.dma_semaphore, #tpu.memory_space<semaphore_mem>>) src(%dma_wait3A_153 : memref<16x128xi32, #tpu.memory_space<hbm>>) dst(%arg9 : memref<16x128xi32, #tpu.memory_space<vmem>>)
        tpu.yield
      }) : () -> ()
      %run_scoped3A_113 = arith.constant 1 : i32
      "tpu.region"() ({
        %run_scoped3A_143 = tpu.sem_alloc : memref<!tpu.dma_semaphore, #tpu.memory_space<semaphore_mem>>
        %dma_start3A = arith.constant 0 : i32
        %dma_start3A_144 = tpu.memref_slice %arg3[%run_scoped3A_113, %mul3A_111, %dma_start3A] : memref<2x12544x128xi32, #tpu.memory_space<hbm>> -> memref<1x16x128xi32, #tpu.memory_space<hbm>>
        %dma_start3A_145 = tpu.memref_squeeze %dma_start3A_144 : memref<1x16x128xi32, #tpu.memory_space<hbm>> -> memref<16x128xi32, #tpu.memory_space<hbm>>
        %dma_start3A_146 = arith.constant 0 : i32
        %dma_start3A_147 = tpu.memref_slice %arg3[%run_scoped3A_113, %mul3A_111, %dma_start3A_146] : memref<2x12544x128xi32, #tpu.memory_space<hbm>> -> memref<1x16x128xi32, #tpu.memory_space<hbm>>
        %dma_start3A_148 = tpu.memref_squeeze %dma_start3A_147 : memref<1x16x128xi32, #tpu.memory_space<hbm>> -> memref<16x128xi32, #tpu.memory_space<hbm>>
        tpu.enqueue_dma source(%dma_start3A_148 : memref<16x128xi32, #tpu.memory_space<hbm>>) target(%arg10 : memref<16x128xi32, #tpu.memory_space<vmem>>) target_semaphore(%run_scoped3A_143 : memref<!tpu.dma_semaphore, #tpu.memory_space<semaphore_mem>>)
        %dma_wait3A = arith.constant 0 : i32
        %dma_wait3A_149 = tpu.memref_slice %arg3[%run_scoped3A_113, %mul3A_111, %dma_wait3A] : memref<2x12544x128xi32, #tpu.memory_space<hbm>> -> memref<1x16x128xi32, #tpu.memory_space<hbm>>
        %dma_wait3A_150 = tpu.memref_squeeze %dma_wait3A_149 : memref<1x16x128xi32, #tpu.memory_space<hbm>> -> memref<16x128xi32, #tpu.memory_space<hbm>>
        %dma_wait3A_151 = arith.constant 0 : i32
        %dma_wait3A_152 = tpu.memref_slice %arg3[%run_scoped3A_113, %mul3A_111, %dma_wait3A_151] : memref<2x12544x128xi32, #tpu.memory_space<hbm>> -> memref<1x16x128xi32, #tpu.memory_space<hbm>>
        %dma_wait3A_153 = tpu.memref_squeeze %dma_wait3A_152 : memref<1x16x128xi32, #tpu.memory_space<hbm>> -> memref<16x128xi32, #tpu.memory_space<hbm>>
        tpu.wait_dma2 semaphore(%run_scoped3A_143 : memref<!tpu.dma_semaphore, #tpu.memory_space<semaphore_mem>>) src(%dma_wait3A_153 : memref<16x128xi32, #tpu.memory_space<hbm>>) dst(%arg10 : memref<16x128xi32, #tpu.memory_space<vmem>>)
        tpu.yield
      }) : () -> ()
      %scan3A_114 = arith.constant 0 : i32
      %scan3A_115 = arith.constant 0 : i32
      %scan3A_116 = arith.constant 16 : i32
      %scan3A_117 = arith.addi %scan3A_115, %scan3A_116 : i32
      %scan3A_118 = arith.constant 1 : i32
      %scan3A_119 = scf.for %scan3A_143 = %scan3A_115 to %scan3A_117 step %scan3A_118 iter_args(%scan3A_144 = %scan3A_114) -> (i32)  : i32 {
        %get3A = arith.index_cast %scan3A_143 : i32 to index
        %get3A_145 = arith.constant 0 : index
        %get3A_146 = tpu.vector_load %arg9[%get3A, %get3A_145] {strides = array<i32>} : memref<16x128xi32, #tpu.memory_space<vmem>>, vector<1x16xi32>,
        %get3A_147 = vector.shape_cast %get3A_146 : vector<1x16xi32> to vector<16xi32>
        %mul3A_148 = arith.constant 2 : i32
        %mul3A_149 = vector.broadcast %mul3A_148 : i32 to vector<16xi32>
        %mul3A_150 = arith.muli %get3A_147, %mul3A_149 : vector<16xi32>
        %add3A_151 = arith.constant 1 : i32
        %add3A_152 = vector.broadcast %add3A_151 : i32 to vector<16xi32>
        %add3A_153 = arith.addi %mul3A_150, %add3A_152 : vector<16xi32>
        %swap3A = arith.index_cast %scan3A_143 : i32 to index
        %swap3A_154 = arith.constant 0 : index
        %swap3A_155 = tpu.vector_load %arg11[%swap3A, %swap3A_154] {strides = array<i32>} : memref<16x128xi32, #tpu.memory_space<vmem>>, vector<1x16xi32>,
        %swap3A_156 = vector.shape_cast %swap3A_155 : vector<1x16xi32> to vector<16xi32>
        %swap3A_157 = vector.shape_cast %add3A_153 : vector<16xi32> to vector<1x16xi32>
        tpu.vector_store %arg11[%swap3A, %swap3A_154], %swap3A_157 {strides = array<i32>} : memref<16x128xi32, #tpu.memory_space<vmem>>, vector<1x16xi32>,
        %get3A_158 = arith.index_cast %scan3A_143 : i32 to index
        %get3A_159 = arith.constant 16 : index
        %get3A_160 = tpu.vector_load %arg9[%get3A_158, %get3A_159] {strides = array<i32>} : memref<16x128xi32, #tpu.memory_space<vmem>>, vector<1x16xi32>,
        %get3A_161 = vector.shape_cast %get3A_160 : vector<1x16xi32> to vector<16xi32>
        %mul3A_162 = arith.constant 2 : i32
        %mul3A_163 = vector.broadcast %mul3A_162 : i32 to vector<16xi32>
        %mul3A_164 = arith.muli %get3A_161, %mul3A_163 : vector<16xi32>
        %add3A_165 = arith.constant 1 : i32
        %add3A_166 = vector.broadcast %add3A_165 : i32 to vector<16xi32>
        %add3A_167 = arith.addi %mul3A_164, %add3A_166 : vector<16xi32>
        %swap3A_168 = arith.index_cast %scan3A_143 : i32 to index
        %swap3A_169 = arith.constant 16 : index
        %swap3A_170 = tpu.vector_load %arg11[%swap3A_168, %swap3A_169] {strides = array<i32>} : memref<16x128xi32, #tpu.memory_space<vmem>>, vector<1x16xi32>,
        %swap3A_171 = vector.shape_cast %swap3A_170 : vector<1x16xi32> to vector<16xi32>
        %swap3A_172 = vector.shape_cast %add3A_167 : vector<16xi32> to vector<1x16xi32>
        tpu.vector_store %arg11[%swap3A_168, %swap3A_169], %swap3A_172 {strides = array<i32>} : memref<16x128xi32, #tpu.memory_space<vmem>>, vector<1x16xi32>,
        %get3A_173 = arith.index_cast %scan3A_143 : i32 to index
        %get3A_174 = arith.constant 32 : index
        %get3A_175 = tpu.vector_load %arg9[%get3A_173, %get3A_174] {strides = array<i32>} : memref<16x128xi32, #tpu.memory_space<vmem>>, vector<1x16xi32>,
        %get3A_176 = vector.shape_cast %get3A_175 : vector<1x16xi32> to vector<16xi32>
        %mul3A_177 = arith.constant 2 : i32
        %mul3A_178 = vector.broadcast %mul3A_177 : i32 to vector<16xi32>
        %mul3A_179 = arith.muli %get3A_176, %mul3A_178 : vector<16xi32>
        %add3A_180 = arith.constant 1 : i32
        %add3A_181 = vector.broadcast %add3A_180 : i32 to vector<16xi32>
        %add3A_182 = arith.addi %mul3A_179, %add3A_181 : vector<16xi32>
        %swap3A_183 = arith.index_cast %scan3A_143 : i32 to index
        %swap3A_184 = arith.constant 32 : index
        %swap3A_185 = tpu.vector_load %arg11[%swap3A_183, %swap3A_184] {strides = array<i32>} : memref<16x128xi32, #tpu.memory_space<vmem>>, vector<1x16xi32>,
        %swap3A_186 = vector.shape_cast %swap3A_185 : vector<1x16xi32> to vector<16xi32>
        %swap3A_187 = vector.shape_cast %add3A_182 : vector<16xi32> to vector<1x16xi32>
        tpu.vector_store %arg11[%swap3A_183, %swap3A_184], %swap3A_187 {strides = array<i32>} : memref<16x128xi32, #tpu.memory_space<vmem>>, vector<1x16xi32>,
        %get3A_188 = arith.index_cast %scan3A_143 : i32 to index
        %get3A_189 = arith.constant 48 : index
        %get3A_190 = tpu.vector_load %arg9[%get3A_188, %get3A_189] {strides = array<i32>} : memref<16x128xi32, #tpu.memory_space<vmem>>, vector<1x16xi32>,
        %get3A_191 = vector.shape_cast %get3A_190 : vector<1x16xi32> to vector<16xi32>
        %mul3A_192 = arith.constant 2 : i32
        %mul3A_193 = vector.broadcast %mul3A_192 : i32 to vector<16xi32>
        %mul3A_194 = arith.muli %get3A_191, %mul3A_193 : vector<16xi32>
        %add3A_195 = arith.constant 1 : i32
        %add3A_196 = vector.broadcast %add3A_195 : i32 to vector<16xi32>
        %add3A_197 = arith.addi %mul3A_194, %add3A_196 : vector<16xi32>
        %swap3A_198 = arith.index_cast %scan3A_143 : i32 to index
        %swap3A_199 = arith.constant 48 : index
        %swap3A_200 = tpu.vector_load %arg11[%swap3A_198, %swap3A_199] {strides = array<i32>} : memref<16x128xi32, #tpu.memory_space<vmem>>, vector<1x16xi32>,
        %swap3A_201 = vector.shape_cast %swap3A_200 : vector<1x16xi32> to vector<16xi32>
        %swap3A_202 = vector.shape_cast %add3A_197 : vector<16xi32> to vector<1x16xi32>
        tpu.vector_store %arg11[%swap3A_198, %swap3A_199], %swap3A_202 {strides = array<i32>} : memref<16x128xi32, #tpu.memory_space<vmem>>, vector<1x16xi32>,
        %get3A_203 = arith.index_cast %scan3A_143 : i32 to index
        %get3A_204 = arith.constant 64 : index
        %get3A_205 = tpu.vector_load %arg9[%get3A_203, %get3A_204] {strides = array<i32>} : memref<16x128xi32, #tpu.memory_space<vmem>>, vector<1x16xi32>,
        %get3A_206 = vector.shape_cast %get3A_205 : vector<1x16xi32> to vector<16xi32>
        %mul3A_207 = arith.constant 2 : i32
        %mul3A_208 = vector.broadcast %mul3A_207 : i32 to vector<16xi32>
        %mul3A_209 = arith.muli %get3A_206, %mul3A_208 : vector<16xi32>
        %add3A_210 = arith.constant 1 : i32
        %add3A_211 = vector.broadcast %add3A_210 : i32 to vector<16xi32>
        %add3A_212 = arith.addi %mul3A_209, %add3A_211 : vector<16xi32>
        %swap3A_213 = arith.index_cast %scan3A_143 : i32 to index
        %swap3A_214 = arith.constant 64 : index
        %swap3A_215 = tpu.vector_load %arg11[%swap3A_213, %swap3A_214] {strides = array<i32>} : memref<16x128xi32, #tpu.memory_space<vmem>>, vector<1x16xi32>,
        %swap3A_216 = vector.shape_cast %swap3A_215 : vector<1x16xi32> to vector<16xi32>
        %swap3A_217 = vector.shape_cast %add3A_212 : vector<16xi32> to vector<1x16xi32>
        tpu.vector_store %arg11[%swap3A_213, %swap3A_214], %swap3A_217 {strides = array<i32>} : memref<16x128xi32, #tpu.memory_space<vmem>>, vector<1x16xi32>,
        %get3A_218 = arith.index_cast %scan3A_143 : i32 to index
        %get3A_219 = arith.constant 80 : index
        %get3A_220 = tpu.vector_load %arg9[%get3A_218, %get3A_219] {strides = array<i32>} : memref<16x128xi32, #tpu.memory_space<vmem>>, vector<1x16xi32>,
        %get3A_221 = vector.shape_cast %get3A_220 : vector<1x16xi32> to vector<16xi32>
        %mul3A_222 = arith.constant 2 : i32
        %mul3A_223 = vector.broadcast %mul3A_222 : i32 to vector<16xi32>
        %mul3A_224 = arith.muli %get3A_221, %mul3A_223 : vector<16xi32>
        %add3A_225 = arith.constant 1 : i32
        %add3A_226 = vector.broadcast %add3A_225 : i32 to vector<16xi32>
        %add3A_227 = arith.addi %mul3A_224, %add3A_226 : vector<16xi32>
        %swap3A_228 = arith.index_cast %scan3A_143 : i32 to index
        %swap3A_229 = arith.constant 80 : index
        %swap3A_230 = tpu.vector_load %arg11[%swap3A_228, %swap3A_229] {strides = array<i32>} : memref<16x128xi32, #tpu.memory_space<vmem>>, vector<1x16xi32>,
        %swap3A_231 = vector.shape_cast %swap3A_230 : vector<1x16xi32> to vector<16xi32>
        %swap3A_232 = vector.shape_cast %add3A_227 : vector<16xi32> to vector<1x16xi32>
        tpu.vector_store %arg11[%swap3A_228, %swap3A_229], %swap3A_232 {strides = array<i32>} : memref<16x128xi32, #tpu.memory_space<vmem>>, vector<1x16xi32>,
        %get3A_233 = arith.index_cast %scan3A_143 : i32 to index
        %get3A_234 = arith.constant 96 : index
        %get3A_235 = tpu.vector_load %arg9[%get3A_233, %get3A_234] {strides = array<i32>} : memref<16x128xi32, #tpu.memory_space<vmem>>, vector<1x16xi32>,
        %get3A_236 = vector.shape_cast %get3A_235 : vector<1x16xi32> to vector<16xi32>
        %mul3A_237 = arith.constant 2 : i32
        %mul3A_238 = vector.broadcast %mul3A_237 : i32 to vector<16xi32>
        %mul3A_239 = arith.muli %get3A_236, %mul3A_238 : vector<16xi32>
        %add3A_240 = arith.constant 1 : i32
        %add3A_241 = vector.broadcast %add3A_240 : i32 to vector<16xi32>
        %add3A_242 = arith.addi %mul3A_239, %add3A_241 : vector<16xi32>
        %swap3A_243 = arith.index_cast %scan3A_143 : i32 to index
        %swap3A_244 = arith.constant 96 : index
        %swap3A_245 = tpu.vector_load %arg11[%swap3A_243, %swap3A_244] {strides = array<i32>} : memref<16x128xi32, #tpu.memory_space<vmem>>, vector<1x16xi32>,
        %swap3A_246 = vector.shape_cast %swap3A_245 : vector<1x16xi32> to vector<16xi32>
        %swap3A_247 = vector.shape_cast %add3A_242 : vector<16xi32> to vector<1x16xi32>
        tpu.vector_store %arg11[%swap3A_243, %swap3A_244], %swap3A_247 {strides = array<i32>} : memref<16x128xi32, #tpu.memory_space<vmem>>, vector<1x16xi32>,
        %get3A_248 = arith.index_cast %scan3A_143 : i32 to index
        %get3A_249 = arith.constant 112 : index
        %get3A_250 = tpu.vector_load %arg9[%get3A_248, %get3A_249] {strides = array<i32>} : memref<16x128xi32, #tpu.memory_space<vmem>>, vector<1x16xi32>,
        %get3A_251 = vector.shape_cast %get3A_250 : vector<1x16xi32> to vector<16xi32>
        %mul3A_252 = arith.constant 2 : i32
        %mul3A_253 = vector.broadcast %mul3A_252 : i32 to vector<16xi32>
        %mul3A_254 = arith.muli %get3A_251, %mul3A_253 : vector<16xi32>
        %add3A_255 = arith.constant 1 : i32
        %add3A_256 = vector.broadcast %add3A_255 : i32 to vector<16xi32>
        %add3A_257 = arith.addi %mul3A_254, %add3A_256 : vector<16xi32>
        %swap3A_258 = arith.index_cast %scan3A_143 : i32 to index
        %swap3A_259 = arith.constant 112 : index
        %swap3A_260 = tpu.vector_load %arg11[%swap3A_258, %swap3A_259] {strides = array<i32>} : memref<16x128xi32, #tpu.memory_space<vmem>>, vector<1x16xi32>,
        %swap3A_261 = vector.shape_cast %swap3A_260 : vector<1x16xi32> to vector<16xi32>
        %swap3A_262 = vector.shape_cast %add3A_257 : vector<16xi32> to vector<1x16xi32>
        tpu.vector_store %arg11[%swap3A_258, %swap3A_259], %swap3A_262 {strides = array<i32>} : memref<16x128xi32, #tpu.memory_space<vmem>>, vector<1x16xi32>,
        %scan3A_263 = arith.constant 0 : i32
        scf.yield %scan3A_263 : i32
      }
      %scan3A_120 = arith.constant 16 : i32
      %scan3A_121 = arith.constant 0 : i32
      %scan3A_122 = arith.constant 0 : i32
      %scan3A_123 = arith.constant 16 : i32
      %scan3A_124 = arith.addi %scan3A_122, %scan3A_123 : i32
      %scan3A_125 = arith.constant 1 : i32
      %scan3A_126 = scf.for %scan3A_143 = %scan3A_122 to %scan3A_124 step %scan3A_125 iter_args(%scan3A_144 = %scan3A_121) -> (i32)  : i32 {
        %dma_start3A = arith.constant 0 : i32
        %dma_start3A_145 = arith.constant 0 : i32
        %dma_start3A_146 = tpu.memref_slice %arg12[%scan3A_143, %dma_start3A, %dma_start3A_145] : memref<16x128x16xf32, #tpu.memory_space<vmem>> -> memref<1x128x16xf32, #tpu.memory_space<vmem>>
        %dma_start3A_147 = tpu.memref_squeeze %dma_start3A_146 : memref<1x128x16xf32, #tpu.memory_space<vmem>> -> memref<128x16xf32, #tpu.memory_space<vmem>>
        %dma_start3A_148 = arith.constant 0 : i32
        %dma_start3A_149 = tpu.memref_slice %arg11[%scan3A_143, %dma_start3A_148] : memref<16x128xi32, #tpu.memory_space<vmem>> -> memref<1x128xi32, #tpu.memory_space<vmem>>
        %dma_start3A_150 = tpu.memref_squeeze %dma_start3A_149 : memref<1x128xi32, #tpu.memory_space<vmem>> -> memref<128xi32, #tpu.memory_space<vmem>>
        %dma_start3A_151 = arith.constant 0 : i32
        %dma_start3A_152 = arith.constant 0 : i32
        %dma_start3A_153 = tpu.memref_slice %arg4[%dma_start3A_151, %dma_start3A_152] : memref<200000x16xf32, #tpu.memory_space<hbm>> -> memref<200000x16xf32, #tpu.memory_space<hbm>>
        tpu.enqueue_indirect_dma source(%dma_start3A_153 : memref<200000x16xf32, #tpu.memory_space<hbm>>) target(%dma_start3A_147 : memref<128x16xf32, #tpu.memory_space<vmem>>) offsets(%dma_start3A_150 : memref<128xi32, #tpu.memory_space<vmem>>) semaphore(%arg18 : memref<!tpu.dma_semaphore, #tpu.memory_space<semaphore_mem>>)
        %scan3A_154 = arith.constant 0 : i32
        scf.yield %scan3A_154 : i32
      }
      %scan3A_127 = arith.constant 16 : i32
      %scan3A_128 = arith.constant 0 : i32
      %scan3A_129 = arith.constant 0 : i32
      %scan3A_130 = arith.constant 16 : i32
      %scan3A_131 = arith.addi %scan3A_129, %scan3A_130 : i32
      %scan3A_132 = arith.constant 1 : i32
      %scan3A_133 = scf.for %scan3A_143 = %scan3A_129 to %scan3A_131 step %scan3A_132 iter_args(%scan3A_144 = %scan3A_128) -> (i32)  : i32 {
        %dma_wait3A = arith.constant 0 : i32
        %dma_wait3A_145 = arith.constant 0 : i32
        %dma_wait3A_146 = tpu.memref_slice %arg12[%scan3A_143, %dma_wait3A, %dma_wait3A_145] : memref<16x128x16xf32, #tpu.memory_space<vmem>> -> memref<1x128x16xf32, #tpu.memory_space<vmem>>
        %dma_wait3A_147 = tpu.memref_squeeze %dma_wait3A_146 : memref<1x128x16xf32, #tpu.memory_space<vmem>> -> memref<128x16xf32, #tpu.memory_space<vmem>>
        %dma_wait3A_148 = arith.constant 0 : i32
        %dma_wait3A_149 = tpu.memref_slice %arg11[%scan3A_143, %dma_wait3A_148] : memref<16x128xi32, #tpu.memory_space<vmem>> -> memref<1x128xi32, #tpu.memory_space<vmem>>
        %dma_wait3A_150 = tpu.memref_squeeze %dma_wait3A_149 : memref<1x128xi32, #tpu.memory_space<vmem>> -> memref<128xi32, #tpu.memory_space<vmem>>
        %dma_wait3A_151 = arith.constant 0 : i32
        %dma_wait3A_152 = arith.constant 0 : i32
        %dma_wait3A_153 = tpu.memref_slice %arg4[%dma_wait3A_151, %dma_wait3A_152] : memref<200000x16xf32, #tpu.memory_space<hbm>> -> memref<200000x16xf32, #tpu.memory_space<hbm>>
        tpu.wait_indirect_dma semaphore(%arg18 : memref<!tpu.dma_semaphore, #tpu.memory_space<semaphore_mem>>) src(%dma_wait3A_153 : memref<200000x16xf32, #tpu.memory_space<hbm>>) dst(%dma_wait3A_147 : memref<128x16xf32, #tpu.memory_space<vmem>>)
        %scan3A_154 = arith.constant 0 : i32
        scf.yield %scan3A_154 : i32
      }
      %scan3A_134 = arith.constant 16 : i32
      %scan3A_135 = arith.constant 0 : i32
      %scan3A_136 = arith.constant 0 : i32
      %scan3A_137 = arith.constant 16 : i32
      %scan3A_138 = arith.addi %scan3A_136, %scan3A_137 : i32
      %scan3A_139 = arith.constant 1 : i32
      %scan3A_140 = scf.for %scan3A_143 = %scan3A_136 to %scan3A_138 step %scan3A_139 iter_args(%scan3A_144 = %scan3A_135) -> (i32)  : i32 {
        "tpu.region"() ({
          %run_scoped3A_146 = tpu.sem_alloc : memref<!tpu.dma_semaphore, #tpu.memory_space<semaphore_mem>>
          %dma_start3A = arith.constant 0 : i32
          %dma_start3A_147 = arith.constant 0 : i32
          %dma_start3A_148 = tpu.memref_slice %arg12[%scan3A_143, %dma_start3A, %dma_start3A_147] : memref<16x128x16xf32, #tpu.memory_space<vmem>> -> memref<1x128x16xf32, #tpu.memory_space<vmem>>
          %dma_start3A_149 = tpu.memref_squeeze %dma_start3A_148 : memref<1x128x16xf32, #tpu.memory_space<vmem>> -> memref<128x16xf32, #tpu.memory_space<vmem>>
          %dma_start3A_150 = arith.constant 0 : i32
          %dma_start3A_151 = tpu.memref_slice %arg10[%scan3A_143, %dma_start3A_150] : memref<16x128xi32, #tpu.memory_space<vmem>> -> memref<1x128xi32, #tpu.memory_space<vmem>>
          %dma_start3A_152 = tpu.memref_squeeze %dma_start3A_151 : memref<1x128xi32, #tpu.memory_space<vmem>> -> memref<128xi32, #tpu.memory_space<vmem>>
          %dma_start3A_153 = arith.constant 0 : i32
          %dma_start3A_154 = arith.constant 0 : i32
          %dma_start3A_155 = tpu.memref_slice %arg17[%dma_start3A_153, %dma_start3A_154] : memref<10240x16xf32, #tpu.memory_space<vmem_shared>> -> memref<10240x16xf32, #tpu.memory_space<vmem_shared>>
          tpu.enqueue_indirect_dma source(%dma_start3A_149 : memref<128x16xf32, #tpu.memory_space<vmem>>) target(%dma_start3A_155 : memref<10240x16xf32, #tpu.memory_space<vmem_shared>>) offsets(%dma_start3A_152 : memref<128xi32, #tpu.memory_space<vmem>>) semaphore(%run_scoped3A_146 : memref<!tpu.dma_semaphore, #tpu.memory_space<semaphore_mem>>) {add = true}
          %dma_wait3A = arith.constant 0 : i32
          %dma_wait3A_156 = arith.constant 0 : i32
          %dma_wait3A_157 = tpu.memref_slice %arg12[%scan3A_143, %dma_wait3A, %dma_wait3A_156] : memref<16x128x16xf32, #tpu.memory_space<vmem>> -> memref<1x128x16xf32, #tpu.memory_space<vmem>>
          %dma_wait3A_158 = tpu.memref_squeeze %dma_wait3A_157 : memref<1x128x16xf32, #tpu.memory_space<vmem>> -> memref<128x16xf32, #tpu.memory_space<vmem>>
          %dma_wait3A_159 = arith.constant 0 : i32
          %dma_wait3A_160 = tpu.memref_slice %arg10[%scan3A_143, %dma_wait3A_159] : memref<16x128xi32, #tpu.memory_space<vmem>> -> memref<1x128xi32, #tpu.memory_space<vmem>>
          %dma_wait3A_161 = tpu.memref_squeeze %dma_wait3A_160 : memref<1x128xi32, #tpu.memory_space<vmem>> -> memref<128xi32, #tpu.memory_space<vmem>>
          %dma_wait3A_162 = arith.constant 0 : i32
          %dma_wait3A_163 = arith.constant 0 : i32
          %dma_wait3A_164 = tpu.memref_slice %arg17[%dma_wait3A_162, %dma_wait3A_163] : memref<10240x16xf32, #tpu.memory_space<vmem_shared>> -> memref<10240x16xf32, #tpu.memory_space<vmem_shared>>
          tpu.wait_indirect_dma semaphore(%run_scoped3A_146 : memref<!tpu.dma_semaphore, #tpu.memory_space<semaphore_mem>>) src(%dma_wait3A_158 : memref<128x16xf32, #tpu.memory_space<vmem>>) dst(%dma_wait3A_164 : memref<10240x16xf32, #tpu.memory_space<vmem_shared>>)
          tpu.yield
        }) : () -> ()
        %scan3A_145 = arith.constant 0 : i32
        scf.yield %scan3A_145 : i32
      }
      %scan3A_141 = arith.constant 16 : i32
      %while3A_142 = arith.constant 0 : i32
      scf.yield %while3A_142 : i32
    }
    %barrier3A_47 = arith.constant 0 : index
    tpu.barrier barrier_id(%barrier3A_47)
    %mul3A_48 = arith.constant 640 : i32
    %mul3A_49 = arith.muli %arg1, %mul3A_48 : i32
    %mul3A_50 = arith.constant 640 : i32
    %mul3A_51 = arith.muli %arg1, %mul3A_50 : i32
    %run_scoped3A = arith.constant 0 : i32
    "tpu.region"() ({
      %run_scoped3A_107 = tpu.sem_alloc : memref<!tpu.dma_semaphore, #tpu.memory_space<semaphore_mem>>
      %dma_start3A = arith.constant 0 : i32
      %dma_start3A_108 = tpu.memref_slice %arg7[%arg0, %run_scoped3A, %mul3A_51, %dma_start3A] : memref<2x2x10240x16xf32, #tpu.memory_space<hbm>> -> memref<1x1x640x16xf32, #tpu.memory_space<hbm>>
      %dma_start3A_109 = tpu.memref_squeeze %dma_start3A_108 : memref<1x1x640x16xf32, #tpu.memory_space<hbm>> -> memref<640x16xf32, #tpu.memory_space<hbm>>
      %dma_start3A_110 = arith.constant 0 : i32
      %dma_start3A_111 = tpu.memref_slice %arg16[%mul3A_49, %dma_start3A_110] : memref<10240x16xf32, #tpu.memory_space<vmem_shared>> -> memref<640x16xf32, #tpu.memory_space<vmem_shared>>
      tpu.enqueue_dma source(%dma_start3A_111 : memref<640x16xf32, #tpu.memory_space<vmem_shared>>) target(%dma_start3A_109 : memref<640x16xf32, #tpu.memory_space<hbm>>) target_semaphore(%run_scoped3A_107 : memref<!tpu.dma_semaphore, #tpu.memory_space<semaphore_mem>>)
      %dma_wait3A = arith.constant 0 : i32
      %dma_wait3A_112 = tpu.memref_slice %arg7[%arg0, %run_scoped3A, %mul3A_51, %dma_wait3A] : memref<2x2x10240x16xf32, #tpu.memory_space<hbm>> -> memref<1x1x640x16xf32, #tpu.memory_space<hbm>>
      %dma_wait3A_113 = tpu.memref_squeeze %dma_wait3A_112 : memref<1x1x640x16xf32, #tpu.memory_space<hbm>> -> memref<640x16xf32, #tpu.memory_space<hbm>>
      %dma_wait3A_114 = arith.constant 0 : i32
      %dma_wait3A_115 = tpu.memref_slice %arg16[%mul3A_49, %dma_wait3A_114] : memref<10240x16xf32, #tpu.memory_space<vmem_shared>> -> memref<640x16xf32, #tpu.memory_space<vmem_shared>>
      tpu.wait_dma2 semaphore(%run_scoped3A_107 : memref<!tpu.dma_semaphore, #tpu.memory_space<semaphore_mem>>) src(%dma_wait3A_115 : memref<640x16xf32, #tpu.memory_space<vmem_shared>>) dst(%dma_wait3A_113 : memref<640x16xf32, #tpu.memory_space<hbm>>)
      tpu.yield
    }) : () -> ()
    %mul3A_52 = arith.constant 640 : i32
    %mul3A_53 = arith.muli %arg1, %mul3A_52 : i32
    %mul3A_54 = arith.constant 640 : i32
    %mul3A_55 = arith.muli %arg1, %mul3A_54 : i32
    %run_scoped3A_56 = arith.constant 1 : i32
    "tpu.region"() ({
      %run_scoped3A_107 = tpu.sem_alloc : memref<!tpu.dma_semaphore, #tpu.memory_space<semaphore_mem>>
      %dma_start3A = arith.constant 0 : i32
      %dma_start3A_108 = tpu.memref_slice %arg7[%arg0, %run_scoped3A_56, %mul3A_55, %dma_start3A] : memref<2x2x10240x16xf32, #tpu.memory_space<hbm>> -> memref<1x1x640x16xf32, #tpu.memory_space<hbm>>
      %dma_start3A_109 = tpu.memref_squeeze %dma_start3A_108 : memref<1x1x640x16xf32, #tpu.memory_space<hbm>> -> memref<640x16xf32, #tpu.memory_space<hbm>>
      %dma_start3A_110 = arith.constant 0 : i32
      %dma_start3A_111 = tpu.memref_slice %arg17[%mul3A_53, %dma_start3A_110] : memref<10240x16xf32, #tpu.memory_space<vmem_shared>> -> memref<640x16xf32, #tpu.memory_space<vmem_shared>>
      tpu.enqueue_dma source(%dma_start3A_111 : memref<640x16xf32, #tpu.memory_space<vmem_shared>>) target(%dma_start3A_109 : memref<640x16xf32, #tpu.memory_space<hbm>>) target_semaphore(%run_scoped3A_107 : memref<!tpu.dma_semaphore, #tpu.memory_space<semaphore_mem>>)
      %dma_wait3A = arith.constant 0 : i32
      %dma_wait3A_112 = tpu.memref_slice %arg7[%arg0, %run_scoped3A_56, %mul3A_55, %dma_wait3A] : memref<2x2x10240x16xf32, #tpu.memory_space<hbm>> -> memref<1x1x640x16xf32, #tpu.memory_space<hbm>>
      %dma_wait3A_113 = tpu.memref_squeeze %dma_wait3A_112 : memref<1x1x640x16xf32, #tpu.memory_space<hbm>> -> memref<640x16xf32, #tpu.memory_space<hbm>>
      %dma_wait3A_114 = arith.constant 0 : i32
      %dma_wait3A_115 = tpu.memref_slice %arg17[%mul3A_53, %dma_wait3A_114] : memref<10240x16xf32, #tpu.memory_space<vmem_shared>> -> memref<640x16xf32, #tpu.memory_space<vmem_shared>>
      tpu.wait_dma2 semaphore(%run_scoped3A_107 : memref<!tpu.dma_semaphore, #tpu.memory_space<semaphore_mem>>) src(%dma_wait3A_115 : memref<640x16xf32, #tpu.memory_space<vmem_shared>>) dst(%dma_wait3A_113 : memref<640x16xf32, #tpu.memory_space<hbm>>)
      tpu.yield
    }) : () -> ()
    %lt3A_57 = arith.constant 15 : i32
    %lt3A_58 = arith.cmpi slt, %add3A, %lt3A_57 : i32
    %mul3A_59 = arith.constant 3 : i32
    %mul3A_60 = arith.muli %mul3A_59, %add3A : i32
    %sub3A_61 = arith.constant 15 : i32
    %sub3A_62 = arith.subi %add3A, %sub3A_61 : i32
    %mul3A_63 = arith.constant 2 : i32
    %mul3A_64 = arith.muli %mul3A_63, %sub3A_62 : i32
    %add3A_65 = arith.constant 45 : i32
    %add3A_66 = arith.addi %add3A_65, %mul3A_64 : i32
    %select_n3A_67 = arith.select %lt3A_58, %mul3A_60, %add3A_66 : i32
    %lt3A_68 = arith.constant 15 : i32
    %lt3A_69 = arith.cmpi slt, %add3A, %lt3A_68 : i32
    %lt3A_70 = arith.constant 31 : i32
    %lt3A_71 = arith.cmpi slt, %add3A, %lt3A_70 : i32
    %jit3A_72 = arith.constant 2 : i32
    %jit3A_73 = arith.constant 1 : i32
    %select_n3A_74 = arith.select %lt3A_71, %jit3A_72, %jit3A_73 : i32
    %jit3A_75 = arith.constant 3 : i32
    %select_n3A_76 = arith.select %lt3A_69, %jit3A_75, %select_n3A_74 : i32
    %while3A_77 = arith.constant 0 : i32
    %while3A_78 = arith.constant 0 : i32
    %while3A_79 = arith.subi %select_n3A_76, %while3A_77 : i32
    %while3A_80 = arith.addi %while3A_77, %while3A_79 : i32
    %while3A_81 = arith.constant 1 : i32
    %while3A_82 = arith.divsi %while3A_79, %while3A_81 : i32
    %while3A_83 = arith.muli %while3A_82, %while3A_81 : i32
    %while3A_84 = arith.addi %while3A_77, %while3A_83 : i32
    %while3A_85 = arith.constant 1 : i32
    %while3A_86 = scf.for %while3A_107 = %while3A_77 to %while3A_84 step %while3A_85 iter_args(%while3A_108 = %while3A_78) -> (i32)  : i32 {
      %add3A_109 = arith.addi %select_n3A_67, %while3A_107 : i32
      %mul3A_110 = arith.constant 128 : i32
      %mul3A_111 = arith.muli %add3A_109, %mul3A_110 : i32
      "tpu.region"() ({
        %run_scoped3A_125 = tpu.sem_alloc : memref<!tpu.dma_semaphore, #tpu.memory_space<semaphore_mem>>
        %dma_start3A_126 = arith.constant 0 : i32
        %dma_start3A_127 = tpu.memref_slice %arg14[%while3A_107, %dma_start3A_126] : memref<3x128xi32, #tpu.memory_space<vmem>> -> memref<1x128xi32, #tpu.memory_space<vmem>>
        %dma_start3A_128 = tpu.memref_squeeze %dma_start3A_127 : memref<1x128xi32, #tpu.memory_space<vmem>> -> memref<128xi32, #tpu.memory_space<vmem>>
        %dma_start3A_129 = tpu.memref_slice %arg5[%mul3A_111] : memref<10000xi32, #tpu.memory_space<hbm>> -> memref<128xi32, #tpu.memory_space<hbm>>
        %dma_start3A_130 = arith.constant 0 : i32
        %dma_start3A_131 = tpu.memref_slice %arg14[%while3A_107, %dma_start3A_130] : memref<3x128xi32, #tpu.memory_space<vmem>> -> memref<1x128xi32, #tpu.memory_space<vmem>>
        %dma_start3A_132 = tpu.memref_squeeze %dma_start3A_131 : memref<1x128xi32, #tpu.memory_space<vmem>> -> memref<128xi32, #tpu.memory_space<vmem>>
        %dma_start3A_133 = tpu.memref_slice %arg5[%mul3A_111] : memref<10000xi32, #tpu.memory_space<hbm>> -> memref<128xi32, #tpu.memory_space<hbm>>
        tpu.enqueue_dma source(%dma_start3A_133 : memref<128xi32, #tpu.memory_space<hbm>>) target(%dma_start3A_132 : memref<128xi32, #tpu.memory_space<vmem>>) target_semaphore(%run_scoped3A_125 : memref<!tpu.dma_semaphore, #tpu.memory_space<semaphore_mem>>)
        %dma_wait3A_134 = arith.constant 0 : i32
        %dma_wait3A_135 = tpu.memref_slice %arg14[%while3A_107, %dma_wait3A_134] : memref<3x128xi32, #tpu.memory_space<vmem>> -> memref<1x128xi32, #tpu.memory_space<vmem>>
        %dma_wait3A_136 = tpu.memref_squeeze %dma_wait3A_135 : memref<1x128xi32, #tpu.memory_space<vmem>> -> memref<128xi32, #tpu.memory_space<vmem>>
        %dma_wait3A_137 = tpu.memref_slice %arg5[%mul3A_111] : memref<10000xi32, #tpu.memory_space<hbm>> -> memref<128xi32, #tpu.memory_space<hbm>>
        %dma_wait3A_138 = arith.constant 0 : i32
        %dma_wait3A_139 = tpu.memref_slice %arg14[%while3A_107, %dma_wait3A_138] : memref<3x128xi32, #tpu.memory_space<vmem>> -> memref<1x128xi32, #tpu.memory_space<vmem>>
        %dma_wait3A_140 = tpu.memref_squeeze %dma_wait3A_139 : memref<1x128xi32, #tpu.memory_space<vmem>> -> memref<128xi32, #tpu.memory_space<vmem>>
        %dma_wait3A_141 = tpu.memref_slice %arg5[%mul3A_111] : memref<10000xi32, #tpu.memory_space<hbm>> -> memref<128xi32, #tpu.memory_space<hbm>>
        tpu.wait_dma2 semaphore(%run_scoped3A_125 : memref<!tpu.dma_semaphore, #tpu.memory_space<semaphore_mem>>) src(%dma_wait3A_141 : memref<128xi32, #tpu.memory_space<hbm>>) dst(%dma_wait3A_140 : memref<128xi32, #tpu.memory_space<vmem>>)
        tpu.yield
      }) : () -> ()
      %dma_start3A = arith.constant 0 : i32
      %dma_start3A_112 = tpu.memref_slice %arg14[%while3A_107, %dma_start3A] : memref<3x128xi32, #tpu.memory_space<vmem>> -> memref<1x128xi32, #tpu.memory_space<vmem>>
      %dma_start3A_113 = tpu.memref_squeeze %dma_start3A_112 : memref<1x128xi32, #tpu.memory_space<vmem>> -> memref<128xi32, #tpu.memory_space<vmem>>
      %dma_start3A_114 = arith.constant 0 : i32
      %dma_start3A_115 = arith.constant 0 : i32
      %dma_start3A_116 = tpu.memref_slice %arg6[%dma_start3A_114, %dma_start3A_115] : memref<100000x128xf32, #tpu.memory_space<hbm>> -> memref<100000x128xf32, #tpu.memory_space<hbm>>
      tpu.enqueue_indirect_dma source(%dma_start3A_116 : memref<100000x128xf32, #tpu.memory_space<hbm>>) target(%arg15 : memref<128x128xf32, #tpu.memory_space<vmem>>) offsets(%dma_start3A_113 : memref<128xi32, #tpu.memory_space<vmem>>) semaphore(%arg18 : memref<!tpu.dma_semaphore, #tpu.memory_space<semaphore_mem>>)
      %dma_wait3A = arith.constant 0 : i32
      %dma_wait3A_117 = tpu.memref_slice %arg14[%while3A_107, %dma_wait3A] : memref<3x128xi32, #tpu.memory_space<vmem>> -> memref<1x128xi32, #tpu.memory_space<vmem>>
      %dma_wait3A_118 = tpu.memref_squeeze %dma_wait3A_117 : memref<1x128xi32, #tpu.memory_space<vmem>> -> memref<128xi32, #tpu.memory_space<vmem>>
      %dma_wait3A_119 = arith.constant 0 : i32
      %dma_wait3A_120 = arith.constant 0 : i32
      %dma_wait3A_121 = tpu.memref_slice %arg6[%dma_wait3A_119, %dma_wait3A_120] : memref<100000x128xf32, #tpu.memory_space<hbm>> -> memref<100000x128xf32, #tpu.memory_space<hbm>>
      tpu.wait_indirect_dma semaphore(%arg18 : memref<!tpu.dma_semaphore, #tpu.memory_space<semaphore_mem>>) src(%dma_wait3A_121 : memref<100000x128xf32, #tpu.memory_space<hbm>>) dst(%arg15 : memref<128x128xf32, #tpu.memory_space<vmem>>)
      %mul3A_122 = arith.constant 128 : i32
      %mul3A_123 = arith.muli %add3A_109, %mul3A_122 : i32
      "tpu.region"() ({
        %run_scoped3A_125 = tpu.sem_alloc : memref<!tpu.dma_semaphore, #tpu.memory_space<semaphore_mem>>
        %dma_start3A_126 = arith.constant 0 : i32
        %dma_start3A_127 = tpu.memref_slice %arg8[%mul3A_123, %dma_start3A_126] : memref<10112x128xf32, #tpu.memory_space<hbm>> -> memref<128x128xf32, #tpu.memory_space<hbm>>
        %dma_start3A_128 = arith.constant 0 : i32
        %dma_start3A_129 = tpu.memref_slice %arg8[%mul3A_123, %dma_start3A_128] : memref<10112x128xf32, #tpu.memory_space<hbm>> -> memref<128x128xf32, #tpu.memory_space<hbm>>
        tpu.enqueue_dma source(%arg15 : memref<128x128xf32, #tpu.memory_space<vmem>>) target(%dma_start3A_129 : memref<128x128xf32, #tpu.memory_space<hbm>>) target_semaphore(%run_scoped3A_125 : memref<!tpu.dma_semaphore, #tpu.memory_space<semaphore_mem>>)
        %dma_wait3A_130 = arith.constant 0 : i32
        %dma_wait3A_131 = tpu.memref_slice %arg8[%mul3A_123, %dma_wait3A_130] : memref<10112x128xf32, #tpu.memory_space<hbm>> -> memref<128x128xf32, #tpu.memory_space<hbm>>
        %dma_wait3A_132 = arith.constant 0 : i32
        %dma_wait3A_133 = tpu.memref_slice %arg8[%mul3A_123, %dma_wait3A_132] : memref<10112x128xf32, #tpu.memory_space<hbm>> -> memref<128x128xf32, #tpu.memory_space<hbm>>
        tpu.wait_dma2 semaphore(%run_scoped3A_125 : memref<!tpu.dma_semaphore, #tpu.memory_space<semaphore_mem>>) src(%arg15 : memref<128x128xf32, #tpu.memory_space<vmem>>) dst(%dma_wait3A_133 : memref<128x128xf32, #tpu.memory_space<hbm>>)
        tpu.yield
      }) : () -> ()
      %while3A_124 = arith.constant 0 : i32
      scf.yield %while3A_124 : i32
    }
    %while3A_87 = arith.constant 1 : i32
    %while3A_88 = scf.for %while3A_107 = %while3A_84 to %while3A_80 step %while3A_87 iter_args(%while3A_108 = %while3A_86) -> (i32)  : i32 {
      %add3A_109 = arith.addi %select_n3A_67, %while3A_107 : i32
      %mul3A_110 = arith.constant 128 : i32
      %mul3A_111 = arith.muli %add3A_109, %mul3A_110 : i32
      "tpu.region"() ({
        %run_scoped3A_125 = tpu.sem_alloc : memref<!tpu.dma_semaphore, #tpu.memory_space<semaphore_mem>>
        %dma_start3A_126 = arith.constant 0 : i32
        %dma_start3A_127 = tpu.memref_slice %arg14[%while3A_107, %dma_start3A_126] : memref<3x128xi32, #tpu.memory_space<vmem>> -> memref<1x128xi32, #tpu.memory_space<vmem>>
        %dma_start3A_128 = tpu.memref_squeeze %dma_start3A_127 : memref<1x128xi32, #tpu.memory_space<vmem>> -> memref<128xi32, #tpu.memory_space<vmem>>
        %dma_start3A_129 = tpu.memref_slice %arg5[%mul3A_111] : memref<10000xi32, #tpu.memory_space<hbm>> -> memref<128xi32, #tpu.memory_space<hbm>>
        %dma_start3A_130 = arith.constant 0 : i32
        %dma_start3A_131 = tpu.memref_slice %arg14[%while3A_107, %dma_start3A_130] : memref<3x128xi32, #tpu.memory_space<vmem>> -> memref<1x128xi32, #tpu.memory_space<vmem>>
        %dma_start3A_132 = tpu.memref_squeeze %dma_start3A_131 : memref<1x128xi32, #tpu.memory_space<vmem>> -> memref<128xi32, #tpu.memory_space<vmem>>
        %dma_start3A_133 = tpu.memref_slice %arg5[%mul3A_111] : memref<10000xi32, #tpu.memory_space<hbm>> -> memref<128xi32, #tpu.memory_space<hbm>>
        tpu.enqueue_dma source(%dma_start3A_133 : memref<128xi32, #tpu.memory_space<hbm>>) target(%dma_start3A_132 : memref<128xi32, #tpu.memory_space<vmem>>) target_semaphore(%run_scoped3A_125 : memref<!tpu.dma_semaphore, #tpu.memory_space<semaphore_mem>>)
        %dma_wait3A_134 = arith.constant 0 : i32
        %dma_wait3A_135 = tpu.memref_slice %arg14[%while3A_107, %dma_wait3A_134] : memref<3x128xi32, #tpu.memory_space<vmem>> -> memref<1x128xi32, #tpu.memory_space<vmem>>
        %dma_wait3A_136 = tpu.memref_squeeze %dma_wait3A_135 : memref<1x128xi32, #tpu.memory_space<vmem>> -> memref<128xi32, #tpu.memory_space<vmem>>
        %dma_wait3A_137 = tpu.memref_slice %arg5[%mul3A_111] : memref<10000xi32, #tpu.memory_space<hbm>> -> memref<128xi32, #tpu.memory_space<hbm>>
        %dma_wait3A_138 = arith.constant 0 : i32
        %dma_wait3A_139 = tpu.memref_slice %arg14[%while3A_107, %dma_wait3A_138] : memref<3x128xi32, #tpu.memory_space<vmem>> -> memref<1x128xi32, #tpu.memory_space<vmem>>
        %dma_wait3A_140 = tpu.memref_squeeze %dma_wait3A_139 : memref<1x128xi32, #tpu.memory_space<vmem>> -> memref<128xi32, #tpu.memory_space<vmem>>
        %dma_wait3A_141 = tpu.memref_slice %arg5[%mul3A_111] : memref<10000xi32, #tpu.memory_space<hbm>> -> memref<128xi32, #tpu.memory_space<hbm>>
        tpu.wait_dma2 semaphore(%run_scoped3A_125 : memref<!tpu.dma_semaphore, #tpu.memory_space<semaphore_mem>>) src(%dma_wait3A_141 : memref<128xi32, #tpu.memory_space<hbm>>) dst(%dma_wait3A_140 : memref<128xi32, #tpu.memory_space<vmem>>)
        tpu.yield
      }) : () -> ()
      %dma_start3A = arith.constant 0 : i32
      %dma_start3A_112 = tpu.memref_slice %arg14[%while3A_107, %dma_start3A] : memref<3x128xi32, #tpu.memory_space<vmem>> -> memref<1x128xi32, #tpu.memory_space<vmem>>
      %dma_start3A_113 = tpu.memref_squeeze %dma_start3A_112 : memref<1x128xi32, #tpu.memory_space<vmem>> -> memref<128xi32, #tpu.memory_space<vmem>>
      %dma_start3A_114 = arith.constant 0 : i32
      %dma_start3A_115 = arith.constant 0 : i32
      %dma_start3A_116 = tpu.memref_slice %arg6[%dma_start3A_114, %dma_start3A_115] : memref<100000x128xf32, #tpu.memory_space<hbm>> -> memref<100000x128xf32, #tpu.memory_space<hbm>>
      tpu.enqueue_indirect_dma source(%dma_start3A_116 : memref<100000x128xf32, #tpu.memory_space<hbm>>) target(%arg15 : memref<128x128xf32, #tpu.memory_space<vmem>>) offsets(%dma_start3A_113 : memref<128xi32, #tpu.memory_space<vmem>>) semaphore(%arg18 : memref<!tpu.dma_semaphore, #tpu.memory_space<semaphore_mem>>)
      %dma_wait3A = arith.constant 0 : i32
      %dma_wait3A_117 = tpu.memref_slice %arg14[%while3A_107, %dma_wait3A] : memref<3x128xi32, #tpu.memory_space<vmem>> -> memref<1x128xi32, #tpu.memory_space<vmem>>
      %dma_wait3A_118 = tpu.memref_squeeze %dma_wait3A_117 : memref<1x128xi32, #tpu.memory_space<vmem>> -> memref<128xi32, #tpu.memory_space<vmem>>
      %dma_wait3A_119 = arith.constant 0 : i32
      %dma_wait3A_120 = arith.constant 0 : i32
      %dma_wait3A_121 = tpu.memref_slice %arg6[%dma_wait3A_119, %dma_wait3A_120] : memref<100000x128xf32, #tpu.memory_space<hbm>> -> memref<100000x128xf32, #tpu.memory_space<hbm>>
      tpu.wait_indirect_dma semaphore(%arg18 : memref<!tpu.dma_semaphore, #tpu.memory_space<semaphore_mem>>) src(%dma_wait3A_121 : memref<100000x128xf32, #tpu.memory_space<hbm>>) dst(%arg15 : memref<128x128xf32, #tpu.memory_space<vmem>>)
      %mul3A_122 = arith.constant 128 : i32
      %mul3A_123 = arith.muli %add3A_109, %mul3A_122 : i32
      "tpu.region"() ({
        %run_scoped3A_125 = tpu.sem_alloc : memref<!tpu.dma_semaphore, #tpu.memory_space<semaphore_mem>>
        %dma_start3A_126 = arith.constant 0 : i32
        %dma_start3A_127 = tpu.memref_slice %arg8[%mul3A_123, %dma_start3A_126] : memref<10112x128xf32, #tpu.memory_space<hbm>> -> memref<128x128xf32, #tpu.memory_space<hbm>>
        %dma_start3A_128 = arith.constant 0 : i32
        %dma_start3A_129 = tpu.memref_slice %arg8[%mul3A_123, %dma_start3A_128] : memref<10112x128xf32, #tpu.memory_space<hbm>> -> memref<128x128xf32, #tpu.memory_space<hbm>>
        tpu.enqueue_dma source(%arg15 : memref<128x128xf32, #tpu.memory_space<vmem>>) target(%dma_start3A_129 : memref<128x128xf32, #tpu.memory_space<hbm>>) target_semaphore(%run_scoped3A_125 : memref<!tpu.dma_semaphore, #tpu.memory_space<semaphore_mem>>)
        %dma_wait3A_130 = arith.constant 0 : i32
        %dma_wait3A_131 = tpu.memref_slice %arg8[%mul3A_123, %dma_wait3A_130] : memref<10112x128xf32, #tpu.memory_space<hbm>> -> memref<128x128xf32, #tpu.memory_space<hbm>>
        %dma_wait3A_132 = arith.constant 0 : i32
        %dma_wait3A_133 = tpu.memref_slice %arg8[%mul3A_123, %dma_wait3A_132] : memref<10112x128xf32, #tpu.memory_space<hbm>> -> memref<128x128xf32, #tpu.memory_space<hbm>>
        tpu.wait_dma2 semaphore(%run_scoped3A_125 : memref<!tpu.dma_semaphore, #tpu.memory_space<semaphore_mem>>) src(%arg15 : memref<128x128xf32, #tpu.memory_space<vmem>>) dst(%dma_wait3A_133 : memref<128x128xf32, #tpu.memory_space<hbm>>)
        tpu.yield
      }) : () -> ()
      %while3A_124 = arith.constant 0 : i32
      scf.yield %while3A_124 : i32
    }
    %broadcast_in_dim3A_89 = arith.constant 0 : i32
    %broadcast_in_dim3A_90 = vector.broadcast %broadcast_in_dim3A_89 : i32 to vector<16xi32>
    %eq3A = arith.constant 31 : i32
    %eq3A_91 = arith.cmpi eq, %add3A, %eq3A : i32
    %jit3A_92 = arith.constant 1 : i32
    %jit3A_93 = arith.constant 0 : i32
    %select_n3A_94 = arith.select %eq3A_91, %jit3A_92, %jit3A_93 : i32
    %while3A_95 = arith.constant 0 : i32
    %while3A_96 = arith.constant 0 : i32
    %while3A_97 = arith.subi %select_n3A_94, %while3A_95 : i32
    %while3A_98 = arith.addi %while3A_95, %while3A_97 : i32
    %while3A_99 = arith.constant 1 : i32
    %while3A_100 = arith.divsi %while3A_97, %while3A_99 : i32
    %while3A_101 = arith.muli %while3A_100, %while3A_99 : i32
    %while3A_102 = arith.addi %while3A_95, %while3A_101 : i32
    %while3A_103 = arith.constant 1 : i32
    %while3A_104 = scf.for %while3A_107 = %while3A_95 to %while3A_102 step %while3A_103 iter_args(%while3A_108 = %while3A_96) -> (i32)  : i32 {
      %swap3A = arith.constant 1 : i32
      %swap3A_109 = arith.index_cast %swap3A : i32 to index
      %swap3A_110 = arith.constant 0 : index
      %swap3A_111 = tpu.vector_load %arg14[%swap3A_109, %swap3A_110] {strides = array<i32>} : memref<3x128xi32, #tpu.memory_space<vmem>>, vector<1x16xi32>,
      %swap3A_112 = vector.shape_cast %swap3A_111 : vector<1x16xi32> to vector<16xi32>
      %swap3A_113 = vector.shape_cast %broadcast_in_dim3A_90 : vector<16xi32> to vector<1x16xi32>
      tpu.vector_store %arg14[%swap3A_109, %swap3A_110], %swap3A_113 {strides = array<i32>} : memref<3x128xi32, #tpu.memory_space<vmem>>, vector<1x16xi32>,
      %swap3A_114 = arith.constant 1 : i32
      %swap3A_115 = arith.index_cast %swap3A_114 : i32 to index
      %swap3A_116 = arith.constant 16 : index
      %swap3A_117 = tpu.vector_load %arg14[%swap3A_115, %swap3A_116] {strides = array<i32>} : memref<3x128xi32, #tpu.memory_space<vmem>>, vector<1x16xi32>,
      %swap3A_118 = vector.shape_cast %swap3A_117 : vector<1x16xi32> to vector<16xi32>
      %swap3A_119 = vector.shape_cast %broadcast_in_dim3A_90 : vector<16xi32> to vector<1x16xi32>
      tpu.vector_store %arg14[%swap3A_115, %swap3A_116], %swap3A_119 {strides = array<i32>} : memref<3x128xi32, #tpu.memory_space<vmem>>, vector<1x16xi32>,
      %swap3A_120 = arith.constant 1 : i32
      %swap3A_121 = arith.index_cast %swap3A_120 : i32 to index
      %swap3A_122 = arith.constant 32 : index
      %swap3A_123 = tpu.vector_load %arg14[%swap3A_121, %swap3A_122] {strides = array<i32>} : memref<3x128xi32, #tpu.memory_space<vmem>>, vector<1x16xi32>,
      %swap3A_124 = vector.shape_cast %swap3A_123 : vector<1x16xi32> to vector<16xi32>
      %swap3A_125 = vector.shape_cast %broadcast_in_dim3A_90 : vector<16xi32> to vector<1x16xi32>
      tpu.vector_store %arg14[%swap3A_121, %swap3A_122], %swap3A_125 {strides = array<i32>} : memref<3x128xi32, #tpu.memory_space<vmem>>, vector<1x16xi32>,
      %swap3A_126 = arith.constant 1 : i32
      %swap3A_127 = arith.index_cast %swap3A_126 : i32 to index
      %swap3A_128 = arith.constant 48 : index
      %swap3A_129 = tpu.vector_load %arg14[%swap3A_127, %swap3A_128] {strides = array<i32>} : memref<3x128xi32, #tpu.memory_space<vmem>>, vector<1x16xi32>,
      %swap3A_130 = vector.shape_cast %swap3A_129 : vector<1x16xi32> to vector<16xi32>
      %swap3A_131 = vector.shape_cast %broadcast_in_dim3A_90 : vector<16xi32> to vector<1x16xi32>
      tpu.vector_store %arg14[%swap3A_127, %swap3A_128], %swap3A_131 {strides = array<i32>} : memref<3x128xi32, #tpu.memory_space<vmem>>, vector<1x16xi32>,
      %swap3A_132 = arith.constant 1 : i32
      %swap3A_133 = arith.index_cast %swap3A_132 : i32 to index
      %swap3A_134 = arith.constant 64 : index
      %swap3A_135 = tpu.vector_load %arg14[%swap3A_133, %swap3A_134] {strides = array<i32>} : memref<3x128xi32, #tpu.memory_space<vmem>>, vector<1x16xi32>,
      %swap3A_136 = vector.shape_cast %swap3A_135 : vector<1x16xi32> to vector<16xi32>
      %swap3A_137 = vector.shape_cast %broadcast_in_dim3A_90 : vector<16xi32> to vector<1x16xi32>
      tpu.vector_store %arg14[%swap3A_133, %swap3A_134], %swap3A_137 {strides = array<i32>} : memref<3x128xi32, #tpu.memory_space<vmem>>, vector<1x16xi32>,
      %swap3A_138 = arith.constant 1 : i32
      %swap3A_139 = arith.index_cast %swap3A_138 : i32 to index
      %swap3A_140 = arith.constant 80 : index
      %swap3A_141 = tpu.vector_load %arg14[%swap3A_139, %swap3A_140] {strides = array<i32>} : memref<3x128xi32, #tpu.memory_space<vmem>>, vector<1x16xi32>,
      %swap3A_142 = vector.shape_cast %swap3A_141 : vector<1x16xi32> to vector<16xi32>
      %swap3A_143 = vector.shape_cast %broadcast_in_dim3A_90 : vector<16xi32> to vector<1x16xi32>
      tpu.vector_store %arg14[%swap3A_139, %swap3A_140], %swap3A_143 {strides = array<i32>} : memref<3x128xi32, #tpu.memory_space<vmem>>, vector<1x16xi32>,
      %swap3A_144 = arith.constant 1 : i32
      %swap3A_145 = arith.index_cast %swap3A_144 : i32 to index
      %swap3A_146 = arith.constant 96 : index
      %swap3A_147 = tpu.vector_load %arg14[%swap3A_145, %swap3A_146] {strides = array<i32>} : memref<3x128xi32, #tpu.memory_space<vmem>>, vector<1x16xi32>,
      %swap3A_148 = vector.shape_cast %swap3A_147 : vector<1x16xi32> to vector<16xi32>
      %swap3A_149 = vector.shape_cast %broadcast_in_dim3A_90 : vector<16xi32> to vector<1x16xi32>
      tpu.vector_store %arg14[%swap3A_145, %swap3A_146], %swap3A_149 {strides = array<i32>} : memref<3x128xi32, #tpu.memory_space<vmem>>, vector<1x16xi32>,
      %swap3A_150 = arith.constant 1 : i32
      %swap3A_151 = arith.index_cast %swap3A_150 : i32 to index
      %swap3A_152 = arith.constant 112 : index
      %swap3A_153 = tpu.vector_load %arg14[%swap3A_151, %swap3A_152] {strides = array<i32>} : memref<3x128xi32, #tpu.memory_space<vmem>>, vector<1x16xi32>,
      %swap3A_154 = vector.shape_cast %swap3A_153 : vector<1x16xi32> to vector<16xi32>
      %swap3A_155 = vector.shape_cast %broadcast_in_dim3A_90 : vector<16xi32> to vector<1x16xi32>
      tpu.vector_store %arg14[%swap3A_151, %swap3A_152], %swap3A_155 {strides = array<i32>} : memref<3x128xi32, #tpu.memory_space<vmem>>, vector<1x16xi32>,
      %run_scoped3A_156 = arith.constant 1 : i32
      "tpu.region"() ({
        %run_scoped3A_170 = tpu.sem_alloc : memref<!tpu.dma_semaphore, #tpu.memory_space<semaphore_mem>>
        %dma_start3A_171 = arith.constant 0 : i32
        %dma_start3A_172 = tpu.memref_slice %arg14[%run_scoped3A_156, %dma_start3A_171] : memref<3x128xi32, #tpu.memory_space<vmem>> -> memref<1x16xi32, #tpu.memory_space<vmem>>
        %dma_start3A_173 = tpu.memref_squeeze %dma_start3A_172 : memref<1x16xi32, #tpu.memory_space<vmem>> -> memref<16xi32, #tpu.memory_space<vmem>>
        %dma_start3A_174 = arith.constant 9984 : i32
        %dma_start3A_175 = tpu.memref_slice %arg5[%dma_start3A_174] : memref<10000xi32, #tpu.memory_space<hbm>> -> memref<16xi32, #tpu.memory_space<hbm>>
        %dma_start3A_176 = arith.constant 0 : i32
        %dma_start3A_177 = tpu.memref_slice %arg14[%run_scoped3A_156, %dma_start3A_176] : memref<3x128xi32, #tpu.memory_space<vmem>> -> memref<1x16xi32, #tpu.memory_space<vmem>>
        %dma_start3A_178 = tpu.memref_squeeze %dma_start3A_177 : memref<1x16xi32, #tpu.memory_space<vmem>> -> memref<16xi32, #tpu.memory_space<vmem>>
        %dma_start3A_179 = arith.constant 9984 : i32
        %dma_start3A_180 = tpu.memref_slice %arg5[%dma_start3A_179] : memref<10000xi32, #tpu.memory_space<hbm>> -> memref<16xi32, #tpu.memory_space<hbm>>
        tpu.enqueue_dma source(%dma_start3A_180 : memref<16xi32, #tpu.memory_space<hbm>>) target(%dma_start3A_178 : memref<16xi32, #tpu.memory_space<vmem>>) target_semaphore(%run_scoped3A_170 : memref<!tpu.dma_semaphore, #tpu.memory_space<semaphore_mem>>)
        %dma_wait3A_181 = arith.constant 0 : i32
        %dma_wait3A_182 = tpu.memref_slice %arg14[%run_scoped3A_156, %dma_wait3A_181] : memref<3x128xi32, #tpu.memory_space<vmem>> -> memref<1x16xi32, #tpu.memory_space<vmem>>
        %dma_wait3A_183 = tpu.memref_squeeze %dma_wait3A_182 : memref<1x16xi32, #tpu.memory_space<vmem>> -> memref<16xi32, #tpu.memory_space<vmem>>
        %dma_wait3A_184 = arith.constant 9984 : i32
        %dma_wait3A_185 = tpu.memref_slice %arg5[%dma_wait3A_184] : memref<10000xi32, #tpu.memory_space<hbm>> -> memref<16xi32, #tpu.memory_space<hbm>>
        %dma_wait3A_186 = arith.constant 0 : i32
        %dma_wait3A_187 = tpu.memref_slice %arg14[%run_scoped3A_156, %dma_wait3A_186] : memref<3x128xi32, #tpu.memory_space<vmem>> -> memref<1x16xi32, #tpu.memory_space<vmem>>
        %dma_wait3A_188 = tpu.memref_squeeze %dma_wait3A_187 : memref<1x16xi32, #tpu.memory_space<vmem>> -> memref<16xi32, #tpu.memory_space<vmem>>
        %dma_wait3A_189 = arith.constant 9984 : i32
        %dma_wait3A_190 = tpu.memref_slice %arg5[%dma_wait3A_189] : memref<10000xi32, #tpu.memory_space<hbm>> -> memref<16xi32, #tpu.memory_space<hbm>>
        tpu.wait_dma2 semaphore(%run_scoped3A_170 : memref<!tpu.dma_semaphore, #tpu.memory_space<semaphore_mem>>) src(%dma_wait3A_190 : memref<16xi32, #tpu.memory_space<hbm>>) dst(%dma_wait3A_188 : memref<16xi32, #tpu.memory_space<vmem>>)
        tpu.yield
      }) : () -> ()
      %dma_start3A = arith.constant 1 : i32
      %dma_start3A_157 = arith.constant 0 : i32
      %dma_start3A_158 = tpu.memref_slice %arg14[%dma_start3A, %dma_start3A_157] : memref<3x128xi32, #tpu.memory_space<vmem>> -> memref<1x128xi32, #tpu.memory_space<vmem>>
      %dma_start3A_159 = tpu.memref_squeeze %dma_start3A_158 : memref<1x128xi32, #tpu.memory_space<vmem>> -> memref<128xi32, #tpu.memory_space<vmem>>
      %dma_start3A_160 = arith.constant 0 : i32
      %dma_start3A_161 = arith.constant 0 : i32
      %dma_start3A_162 = tpu.memref_slice %arg6[%dma_start3A_160, %dma_start3A_161] : memref<100000x128xf32, #tpu.memory_space<hbm>> -> memref<100000x128xf32, #tpu.memory_space<hbm>>
      tpu.enqueue_indirect_dma source(%dma_start3A_162 : memref<100000x128xf32, #tpu.memory_space<hbm>>) target(%arg15 : memref<128x128xf32, #tpu.memory_space<vmem>>) offsets(%dma_start3A_159 : memref<128xi32, #tpu.memory_space<vmem>>) semaphore(%arg18 : memref<!tpu.dma_semaphore, #tpu.memory_space<semaphore_mem>>)
      %dma_wait3A = arith.constant 1 : i32
      %dma_wait3A_163 = arith.constant 0 : i32
      %dma_wait3A_164 = tpu.memref_slice %arg14[%dma_wait3A, %dma_wait3A_163] : memref<3x128xi32, #tpu.memory_space<vmem>> -> memref<1x128xi32, #tpu.memory_space<vmem>>
      %dma_wait3A_165 = tpu.memref_squeeze %dma_wait3A_164 : memref<1x128xi32, #tpu.memory_space<vmem>> -> memref<128xi32, #tpu.memory_space<vmem>>
      %dma_wait3A_166 = arith.constant 0 : i32
      %dma_wait3A_167 = arith.constant 0 : i32
      %dma_wait3A_168 = tpu.memref_slice %arg6[%dma_wait3A_166, %dma_wait3A_167] : memref<100000x128xf32, #tpu.memory_space<hbm>> -> memref<100000x128xf32, #tpu.memory_space<hbm>>
      tpu.wait_indirect_dma semaphore(%arg18 : memref<!tpu.dma_semaphore, #tpu.memory_space<semaphore_mem>>) src(%dma_wait3A_168 : memref<100000x128xf32, #tpu.memory_space<hbm>>) dst(%arg15 : memref<128x128xf32, #tpu.memory_space<vmem>>)
      "tpu.region"() ({
        %run_scoped3A_170 = tpu.sem_alloc : memref<!tpu.dma_semaphore, #tpu.memory_space<semaphore_mem>>
        %dma_start3A_171 = arith.constant 9984 : i32
        %dma_start3A_172 = arith.constant 0 : i32
        %dma_start3A_173 = tpu.memref_slice %arg8[%dma_start3A_171, %dma_start3A_172] : memref<10112x128xf32, #tpu.memory_space<hbm>> -> memref<128x128xf32, #tpu.memory_space<hbm>>
        %dma_start3A_174 = arith.constant 9984 : i32
        %dma_start3A_175 = arith.constant 0 : i32
        %dma_start3A_176 = tpu.memref_slice %arg8[%dma_start3A_174, %dma_start3A_175] : memref<10112x128xf32, #tpu.memory_space<hbm>> -> memref<128x128xf32, #tpu.memory_space<hbm>>
        tpu.enqueue_dma source(%arg15 : memref<128x128xf32, #tpu.memory_space<vmem>>) target(%dma_start3A_176 : memref<128x128xf32, #tpu.memory_space<hbm>>) target_semaphore(%run_scoped3A_170 : memref<!tpu.dma_semaphore, #tpu.memory_space<semaphore_mem>>)
        %dma_wait3A_177 = arith.constant 9984 : i32
        %dma_wait3A_178 = arith.constant 0 : i32
        %dma_wait3A_179 = tpu.memref_slice %arg8[%dma_wait3A_177, %dma_wait3A_178] : memref<10112x128xf32, #tpu.memory_space<hbm>> -> memref<128x128xf32, #tpu.memory_space<hbm>>
        %dma_wait3A_180 = arith.constant 9984 : i32
        %dma_wait3A_181 = arith.constant 0 : i32
        %dma_wait3A_182 = tpu.memref_slice %arg8[%dma_wait3A_180, %dma_wait3A_181] : memref<10112x128xf32, #tpu.memory_space<hbm>> -> memref<128x128xf32, #tpu.memory_space<hbm>>
        tpu.wait_dma2 semaphore(%run_scoped3A_170 : memref<!tpu.dma_semaphore, #tpu.memory_space<semaphore_mem>>) src(%arg15 : memref<128x128xf32, #tpu.memory_space<vmem>>) dst(%dma_wait3A_182 : memref<128x128xf32, #tpu.memory_space<hbm>>)
        tpu.yield
      }) : () -> ()
      %while3A_169 = arith.constant 0 : i32
      scf.yield %while3A_169 : i32
    }
    %while3A_105 = arith.constant 1 : i32
    %while3A_106 = scf.for %while3A_107 = %while3A_102 to %while3A_98 step %while3A_105 iter_args(%while3A_108 = %while3A_104) -> (i32)  : i32 {
      %swap3A = arith.constant 1 : i32
      %swap3A_109 = arith.index_cast %swap3A : i32 to index
      %swap3A_110 = arith.constant 0 : index
      %swap3A_111 = tpu.vector_load %arg14[%swap3A_109, %swap3A_110] {strides = array<i32>} : memref<3x128xi32, #tpu.memory_space<vmem>>, vector<1x16xi32>,
      %swap3A_112 = vector.shape_cast %swap3A_111 : vector<1x16xi32> to vector<16xi32>
      %swap3A_113 = vector.shape_cast %broadcast_in_dim3A_90 : vector<16xi32> to vector<1x16xi32>
      tpu.vector_store %arg14[%swap3A_109, %swap3A_110], %swap3A_113 {strides = array<i32>} : memref<3x128xi32, #tpu.memory_space<vmem>>, vector<1x16xi32>,
      %swap3A_114 = arith.constant 1 : i32
      %swap3A_115 = arith.index_cast %swap3A_114 : i32 to index
      %swap3A_116 = arith.constant 16 : index
      %swap3A_117 = tpu.vector_load %arg14[%swap3A_115, %swap3A_116] {strides = array<i32>} : memref<3x128xi32, #tpu.memory_space<vmem>>, vector<1x16xi32>,
      %swap3A_118 = vector.shape_cast %swap3A_117 : vector<1x16xi32> to vector<16xi32>
      %swap3A_119 = vector.shape_cast %broadcast_in_dim3A_90 : vector<16xi32> to vector<1x16xi32>
      tpu.vector_store %arg14[%swap3A_115, %swap3A_116], %swap3A_119 {strides = array<i32>} : memref<3x128xi32, #tpu.memory_space<vmem>>, vector<1x16xi32>,
      %swap3A_120 = arith.constant 1 : i32
      %swap3A_121 = arith.index_cast %swap3A_120 : i32 to index
      %swap3A_122 = arith.constant 32 : index
      %swap3A_123 = tpu.vector_load %arg14[%swap3A_121, %swap3A_122] {strides = array<i32>} : memref<3x128xi32, #tpu.memory_space<vmem>>, vector<1x16xi32>,
      %swap3A_124 = vector.shape_cast %swap3A_123 : vector<1x16xi32> to vector<16xi32>
      %swap3A_125 = vector.shape_cast %broadcast_in_dim3A_90 : vector<16xi32> to vector<1x16xi32>
      tpu.vector_store %arg14[%swap3A_121, %swap3A_122], %swap3A_125 {strides = array<i32>} : memref<3x128xi32, #tpu.memory_space<vmem>>, vector<1x16xi32>,
      %swap3A_126 = arith.constant 1 : i32
      %swap3A_127 = arith.index_cast %swap3A_126 : i32 to index
      %swap3A_128 = arith.constant 48 : index
      %swap3A_129 = tpu.vector_load %arg14[%swap3A_127, %swap3A_128] {strides = array<i32>} : memref<3x128xi32, #tpu.memory_space<vmem>>, vector<1x16xi32>,
      %swap3A_130 = vector.shape_cast %swap3A_129 : vector<1x16xi32> to vector<16xi32>
      %swap3A_131 = vector.shape_cast %broadcast_in_dim3A_90 : vector<16xi32> to vector<1x16xi32>
      tpu.vector_store %arg14[%swap3A_127, %swap3A_128], %swap3A_131 {strides = array<i32>} : memref<3x128xi32, #tpu.memory_space<vmem>>, vector<1x16xi32>,
      %swap3A_132 = arith.constant 1 : i32
      %swap3A_133 = arith.index_cast %swap3A_132 : i32 to index
      %swap3A_134 = arith.constant 64 : index
      %swap3A_135 = tpu.vector_load %arg14[%swap3A_133, %swap3A_134] {strides = array<i32>} : memref<3x128xi32, #tpu.memory_space<vmem>>, vector<1x16xi32>,
      %swap3A_136 = vector.shape_cast %swap3A_135 : vector<1x16xi32> to vector<16xi32>
      %swap3A_137 = vector.shape_cast %broadcast_in_dim3A_90 : vector<16xi32> to vector<1x16xi32>
      tpu.vector_store %arg14[%swap3A_133, %swap3A_134], %swap3A_137 {strides = array<i32>} : memref<3x128xi32, #tpu.memory_space<vmem>>, vector<1x16xi32>,
      %swap3A_138 = arith.constant 1 : i32
      %swap3A_139 = arith.index_cast %swap3A_138 : i32 to index
      %swap3A_140 = arith.constant 80 : index
      %swap3A_141 = tpu.vector_load %arg14[%swap3A_139, %swap3A_140] {strides = array<i32>} : memref<3x128xi32, #tpu.memory_space<vmem>>, vector<1x16xi32>,
      %swap3A_142 = vector.shape_cast %swap3A_141 : vector<1x16xi32> to vector<16xi32>
      %swap3A_143 = vector.shape_cast %broadcast_in_dim3A_90 : vector<16xi32> to vector<1x16xi32>
      tpu.vector_store %arg14[%swap3A_139, %swap3A_140], %swap3A_143 {strides = array<i32>} : memref<3x128xi32, #tpu.memory_space<vmem>>, vector<1x16xi32>,
      %swap3A_144 = arith.constant 1 : i32
      %swap3A_145 = arith.index_cast %swap3A_144 : i32 to index
      %swap3A_146 = arith.constant 96 : index
      %swap3A_147 = tpu.vector_load %arg14[%swap3A_145, %swap3A_146] {strides = array<i32>} : memref<3x128xi32, #tpu.memory_space<vmem>>, vector<1x16xi32>,
      %swap3A_148 = vector.shape_cast %swap3A_147 : vector<1x16xi32> to vector<16xi32>
      %swap3A_149 = vector.shape_cast %broadcast_in_dim3A_90 : vector<16xi32> to vector<1x16xi32>
      tpu.vector_store %arg14[%swap3A_145, %swap3A_146], %swap3A_149 {strides = array<i32>} : memref<3x128xi32, #tpu.memory_space<vmem>>, vector<1x16xi32>,
      %swap3A_150 = arith.constant 1 : i32
      %swap3A_151 = arith.index_cast %swap3A_150 : i32 to index
      %swap3A_152 = arith.constant 112 : index
      %swap3A_153 = tpu.vector_load %arg14[%swap3A_151, %swap3A_152] {strides = array<i32>} : memref<3x128xi32, #tpu.memory_space<vmem>>, vector<1x16xi32>,
      %swap3A_154 = vector.shape_cast %swap3A_153 : vector<1x16xi32> to vector<16xi32>
      %swap3A_155 = vector.shape_cast %broadcast_in_dim3A_90 : vector<16xi32> to vector<1x16xi32>
      tpu.vector_store %arg14[%swap3A_151, %swap3A_152], %swap3A_155 {strides = array<i32>} : memref<3x128xi32, #tpu.memory_space<vmem>>, vector<1x16xi32>,
      %run_scoped3A_156 = arith.constant 1 : i32
      "tpu.region"() ({
        %run_scoped3A_170 = tpu.sem_alloc : memref<!tpu.dma_semaphore, #tpu.memory_space<semaphore_mem>>
        %dma_start3A_171 = arith.constant 0 : i32
        %dma_start3A_172 = tpu.memref_slice %arg14[%run_scoped3A_156, %dma_start3A_171] : memref<3x128xi32, #tpu.memory_space<vmem>> -> memref<1x16xi32, #tpu.memory_space<vmem>>
        %dma_start3A_173 = tpu.memref_squeeze %dma_start3A_172 : memref<1x16xi32, #tpu.memory_space<vmem>> -> memref<16xi32, #tpu.memory_space<vmem>>
        %dma_start3A_174 = arith.constant 9984 : i32
        %dma_start3A_175 = tpu.memref_slice %arg5[%dma_start3A_174] : memref<10000xi32, #tpu.memory_space<hbm>> -> memref<16xi32, #tpu.memory_space<hbm>>
        %dma_start3A_176 = arith.constant 0 : i32
        %dma_start3A_177 = tpu.memref_slice %arg14[%run_scoped3A_156, %dma_start3A_176] : memref<3x128xi32, #tpu.memory_space<vmem>> -> memref<1x16xi32, #tpu.memory_space<vmem>>
        %dma_start3A_178 = tpu.memref_squeeze %dma_start3A_177 : memref<1x16xi32, #tpu.memory_space<vmem>> -> memref<16xi32, #tpu.memory_space<vmem>>
        %dma_start3A_179 = arith.constant 9984 : i32
        %dma_start3A_180 = tpu.memref_slice %arg5[%dma_start3A_179] : memref<10000xi32, #tpu.memory_space<hbm>> -> memref<16xi32, #tpu.memory_space<hbm>>
        tpu.enqueue_dma source(%dma_start3A_180 : memref<16xi32, #tpu.memory_space<hbm>>) target(%dma_start3A_178 : memref<16xi32, #tpu.memory_space<vmem>>) target_semaphore(%run_scoped3A_170 : memref<!tpu.dma_semaphore, #tpu.memory_space<semaphore_mem>>)
        %dma_wait3A_181 = arith.constant 0 : i32
        %dma_wait3A_182 = tpu.memref_slice %arg14[%run_scoped3A_156, %dma_wait3A_181] : memref<3x128xi32, #tpu.memory_space<vmem>> -> memref<1x16xi32, #tpu.memory_space<vmem>>
        %dma_wait3A_183 = tpu.memref_squeeze %dma_wait3A_182 : memref<1x16xi32, #tpu.memory_space<vmem>> -> memref<16xi32, #tpu.memory_space<vmem>>
        %dma_wait3A_184 = arith.constant 9984 : i32
        %dma_wait3A_185 = tpu.memref_slice %arg5[%dma_wait3A_184] : memref<10000xi32, #tpu.memory_space<hbm>> -> memref<16xi32, #tpu.memory_space<hbm>>
        %dma_wait3A_186 = arith.constant 0 : i32
        %dma_wait3A_187 = tpu.memref_slice %arg14[%run_scoped3A_156, %dma_wait3A_186] : memref<3x128xi32, #tpu.memory_space<vmem>> -> memref<1x16xi32, #tpu.memory_space<vmem>>
        %dma_wait3A_188 = tpu.memref_squeeze %dma_wait3A_187 : memref<1x16xi32, #tpu.memory_space<vmem>> -> memref<16xi32, #tpu.memory_space<vmem>>
        %dma_wait3A_189 = arith.constant 9984 : i32
        %dma_wait3A_190 = tpu.memref_slice %arg5[%dma_wait3A_189] : memref<10000xi32, #tpu.memory_space<hbm>> -> memref<16xi32, #tpu.memory_space<hbm>>
        tpu.wait_dma2 semaphore(%run_scoped3A_170 : memref<!tpu.dma_semaphore, #tpu.memory_space<semaphore_mem>>) src(%dma_wait3A_190 : memref<16xi32, #tpu.memory_space<hbm>>) dst(%dma_wait3A_188 : memref<16xi32, #tpu.memory_space<vmem>>)
        tpu.yield
      }) : () -> ()
      %dma_start3A = arith.constant 1 : i32
      %dma_start3A_157 = arith.constant 0 : i32
      %dma_start3A_158 = tpu.memref_slice %arg14[%dma_start3A, %dma_start3A_157] : memref<3x128xi32, #tpu.memory_space<vmem>> -> memref<1x128xi32, #tpu.memory_space<vmem>>
      %dma_start3A_159 = tpu.memref_squeeze %dma_start3A_158 : memref<1x128xi32, #tpu.memory_space<vmem>> -> memref<128xi32, #tpu.memory_space<vmem>>
      %dma_start3A_160 = arith.constant 0 : i32
      %dma_start3A_161 = arith.constant 0 : i32
      %dma_start3A_162 = tpu.memref_slice %arg6[%dma_start3A_160, %dma_start3A_161] : memref<100000x128xf32, #tpu.memory_space<hbm>> -> memref<100000x128xf32, #tpu.memory_space<hbm>>
      tpu.enqueue_indirect_dma source(%dma_start3A_162 : memref<100000x128xf32, #tpu.memory_space<hbm>>) target(%arg15 : memref<128x128xf32, #tpu.memory_space<vmem>>) offsets(%dma_start3A_159 : memref<128xi32, #tpu.memory_space<vmem>>) semaphore(%arg18 : memref<!tpu.dma_semaphore, #tpu.memory_space<semaphore_mem>>)
      %dma_wait3A = arith.constant 1 : i32
      %dma_wait3A_163 = arith.constant 0 : i32
      %dma_wait3A_164 = tpu.memref_slice %arg14[%dma_wait3A, %dma_wait3A_163] : memref<3x128xi32, #tpu.memory_space<vmem>> -> memref<1x128xi32, #tpu.memory_space<vmem>>
      %dma_wait3A_165 = tpu.memref_squeeze %dma_wait3A_164 : memref<1x128xi32, #tpu.memory_space<vmem>> -> memref<128xi32, #tpu.memory_space<vmem>>
      %dma_wait3A_166 = arith.constant 0 : i32
      %dma_wait3A_167 = arith.constant 0 : i32
      %dma_wait3A_168 = tpu.memref_slice %arg6[%dma_wait3A_166, %dma_wait3A_167] : memref<100000x128xf32, #tpu.memory_space<hbm>> -> memref<100000x128xf32, #tpu.memory_space<hbm>>
      tpu.wait_indirect_dma semaphore(%arg18 : memref<!tpu.dma_semaphore, #tpu.memory_space<semaphore_mem>>) src(%dma_wait3A_168 : memref<100000x128xf32, #tpu.memory_space<hbm>>) dst(%arg15 : memref<128x128xf32, #tpu.memory_space<vmem>>)
      "tpu.region"() ({
        %run_scoped3A_170 = tpu.sem_alloc : memref<!tpu.dma_semaphore, #tpu.memory_space<semaphore_mem>>
        %dma_start3A_171 = arith.constant 9984 : i32
        %dma_start3A_172 = arith.constant 0 : i32
        %dma_start3A_173 = tpu.memref_slice %arg8[%dma_start3A_171, %dma_start3A_172] : memref<10112x128xf32, #tpu.memory_space<hbm>> -> memref<128x128xf32, #tpu.memory_space<hbm>>
        %dma_start3A_174 = arith.constant 9984 : i32
        %dma_start3A_175 = arith.constant 0 : i32
        %dma_start3A_176 = tpu.memref_slice %arg8[%dma_start3A_174, %dma_start3A_175] : memref<10112x128xf32, #tpu.memory_space<hbm>> -> memref<128x128xf32, #tpu.memory_space<hbm>>
        tpu.enqueue_dma source(%arg15 : memref<128x128xf32, #tpu.memory_space<vmem>>) target(%dma_start3A_176 : memref<128x128xf32, #tpu.memory_space<hbm>>) target_semaphore(%run_scoped3A_170 : memref<!tpu.dma_semaphore, #tpu.memory_space<semaphore_mem>>)
        %dma_wait3A_177 = arith.constant 9984 : i32
        %dma_wait3A_178 = arith.constant 0 : i32
        %dma_wait3A_179 = tpu.memref_slice %arg8[%dma_wait3A_177, %dma_wait3A_178] : memref<10112x128xf32, #tpu.memory_space<hbm>> -> memref<128x128xf32, #tpu.memory_space<hbm>>
        %dma_wait3A_180 = arith.constant 9984 : i32
        %dma_wait3A_181 = arith.constant 0 : i32
        %dma_wait3A_182 = tpu.memref_slice %arg8[%dma_wait3A_180, %dma_wait3A_181] : memref<10112x128xf32, #tpu.memory_space<hbm>> -> memref<128x128xf32, #tpu.memory_space<hbm>>
        tpu.wait_dma2 semaphore(%run_scoped3A_170 : memref<!tpu.dma_semaphore, #tpu.memory_space<semaphore_mem>>) src(%arg15 : memref<128x128xf32, #tpu.memory_space<vmem>>) dst(%dma_wait3A_182 : memref<128x128xf32, #tpu.memory_space<hbm>>)
        tpu.yield
      }) : () -> ()
      %while3A_169 = arith.constant 0 : i32
      scf.yield %while3A_169 : i32
    }
    return
  }
}

module attributes {stable_mosaic.version = 14 : i64} {
  func.func @_tc_body(%arg0: i32, %arg1: memref<2x2x2000x16xf32, #tpu.memory_space<vmem>>, %arg2: memref<2000x128xf32, #tpu.memory_space<vmem>>, %arg3: memref<2x16x16xf32, #tpu.memory_space<vmem>>, %arg4: memref<2x16xf32, #tpu.memory_space<vmem>>, %arg5: memref<2x16x128xf32, #tpu.memory_space<vmem>>, %arg6: memref<2000x2x128xf32, #tpu.memory_space<vmem>>) attributes {dimension_semantics = [#tpu.dimension_semantics<arbitrary>], iteration_bounds = array<i64: 5>, scalar_prefetch = 0 : i64, scratch_operands = 0 : i64, tpu.core_type = #tpu.core_type<tc>, window_params = [{transform_indices = @transform_0, window_bounds = array<i64: 2, 2, 2000, 16>}, {transform_indices = @transform_1, window_bounds = array<i64: 2000, 128>}, {pipeline_mode = #tpu.pipeline_mode<synchronous>, transform_indices = @transform_2, window_bounds = array<i64: 2, 16, 16>}, {pipeline_mode = #tpu.pipeline_mode<synchronous>, transform_indices = @transform_3, window_bounds = array<i64: 2, 16>}, {pipeline_mode = #tpu.pipeline_mode<synchronous>, transform_indices = @transform_4, window_bounds = array<i64: 2, 16, 128>}, {transform_indices = @transform_5, window_bounds = array<i64: 2000, 2, 128>}]} {
    %get3A = arith.constant 0 : index
    %get3A_0 = arith.constant 0 : index
    %get3A_1 = arith.constant 0 : index
    %get3A_2 = arith.constant 0 : index
    %get3A_3 = vector.load %arg1[%get3A, %get3A_0, %get3A_1, %get3A_2] : memref<2x2x2000x16xf32, #tpu.memory_space<vmem>>, vector<2x2x2000x16xf32>
    %slice3A = vector.extract_strided_slice %get3A_3 {offsets = [0, 0, 0, 0], sizes = [1, 1, 2000, 16], strides = [1, 1, 1, 1]} : vector<2x2x2000x16xf32> to vector<1x1x2000x16xf32>
    %squeeze3A = vector.shape_cast %slice3A : vector<1x1x2000x16xf32> to vector<2000x16xf32>
    %slice3A_4 = vector.extract_strided_slice %get3A_3 {offsets = [1, 0, 0, 0], sizes = [1, 1, 2000, 16], strides = [1, 1, 1, 1]} : vector<2x2x2000x16xf32> to vector<1x1x2000x16xf32>
    %squeeze3A_5 = vector.shape_cast %slice3A_4 : vector<1x1x2000x16xf32> to vector<2000x16xf32>
    %add3A = arith.addf %squeeze3A, %squeeze3A_5 : vector<2000x16xf32>
    %slice3A_6 = vector.extract_strided_slice %get3A_3 {offsets = [0, 1, 0, 0], sizes = [1, 1, 2000, 16], strides = [1, 1, 1, 1]} : vector<2x2x2000x16xf32> to vector<1x1x2000x16xf32>
    %squeeze3A_7 = vector.shape_cast %slice3A_6 : vector<1x1x2000x16xf32> to vector<2000x16xf32>
    %slice3A_8 = vector.extract_strided_slice %get3A_3 {offsets = [1, 1, 0, 0], sizes = [1, 1, 2000, 16], strides = [1, 1, 1, 1]} : vector<2x2x2000x16xf32> to vector<1x1x2000x16xf32>
    %squeeze3A_9 = vector.shape_cast %slice3A_8 : vector<1x1x2000x16xf32> to vector<2000x16xf32>
    %add3A_10 = arith.addf %squeeze3A_7, %squeeze3A_9 : vector<2000x16xf32>
    %get3A_11 = arith.constant 0 : index
    %get3A_12 = arith.constant 0 : index
    %get3A_13 = arith.constant 0 : index
    %get3A_14 = vector.load %arg3[%get3A_11, %get3A_12, %get3A_13] : memref<2x16x16xf32, #tpu.memory_space<vmem>>, vector<2x16x16xf32>
    %get3A_15 = arith.constant 0 : index
    %get3A_16 = arith.constant 0 : index
    %get3A_17 = vector.load %arg4[%get3A_15, %get3A_16] : memref<2x16xf32, #tpu.memory_space<vmem>>, vector<2x16xf32>
    %slice3A_18 = vector.extract_strided_slice %get3A_14 {offsets = [0, 0, 0], sizes = [1, 16, 16], strides = [1, 1, 1]} : vector<2x16x16xf32> to vector<1x16x16xf32>
    %squeeze3A_19 = vector.shape_cast %slice3A_18 : vector<1x16x16xf32> to vector<16x16xf32>
    %dot_general3A = arith.constant dense<0.000000e+00> : vector<2000x16xf32>
    %dot_general3A_20 = tpu.matmul %add3A, %squeeze3A_19, %dot_general3A {dimension_numbers = #tpu.dot_dimension_numbers<[1], [0], [0], [1], [0, 0, 1, 1], [], []>, transpose_lhs_hint = false} : vector<2000x16xf32>, vector<16x16xf32>, vector<2000x16xf32> -> vector<2000x16xf32>
    %tanh3A = math.tanh %dot_general3A_20 : vector<2000x16xf32>
    %slice3A_21 = vector.extract_strided_slice %get3A_14 {offsets = [1, 0, 0], sizes = [1, 16, 16], strides = [1, 1, 1]} : vector<2x16x16xf32> to vector<1x16x16xf32>
    %squeeze3A_22 = vector.shape_cast %slice3A_21 : vector<1x16x16xf32> to vector<16x16xf32>
    %dot_general3A_23 = arith.constant dense<0.000000e+00> : vector<2000x16xf32>
    %dot_general3A_24 = tpu.matmul %add3A_10, %squeeze3A_22, %dot_general3A_23 {dimension_numbers = #tpu.dot_dimension_numbers<[1], [0], [0], [1], [0, 0, 1, 1], [], []>, transpose_lhs_hint = false} : vector<2000x16xf32>, vector<16x16xf32>, vector<2000x16xf32> -> vector<2000x16xf32>
    %tanh3A_25 = math.tanh %dot_general3A_24 : vector<2000x16xf32>
    %slice3A_26 = vector.extract_strided_slice %get3A_17 {offsets = [0, 0], sizes = [1, 16], strides = [1, 1]} : vector<2x16xf32> to vector<1x16xf32>
    %squeeze3A_27 = vector.shape_cast %slice3A_26 : vector<1x16xf32> to vector<16xf32>
    %broadcast_in_dim3A = vector.shape_cast %squeeze3A_27 : vector<16xf32> to vector<1x16xf32>
    %mul3A = vector.broadcast %broadcast_in_dim3A : vector<1x16xf32> to vector<2000x16xf32>
    %mul3A_28 = arith.mulf %tanh3A, %mul3A : vector<2000x16xf32>
    %reduce_sum3A = arith.constant dense<0.000000e+00> : vector<2000xf32>
    %reduce_sum3A_29 = vector.multi_reduction <add>, %mul3A_28, %reduce_sum3A [1] : vector<2000x16xf32> to vector<2000xf32>
    %broadcast_in_dim3A_30 = vector.shape_cast %reduce_sum3A_29 : vector<2000xf32> to vector<2000x1xf32>
    %slice3A_31 = vector.extract_strided_slice %get3A_17 {offsets = [1, 0], sizes = [1, 16], strides = [1, 1]} : vector<2x16xf32> to vector<1x16xf32>
    %squeeze3A_32 = vector.shape_cast %slice3A_31 : vector<1x16xf32> to vector<16xf32>
    %broadcast_in_dim3A_33 = vector.shape_cast %squeeze3A_32 : vector<16xf32> to vector<1x16xf32>
    %mul3A_34 = vector.broadcast %broadcast_in_dim3A_33 : vector<1x16xf32> to vector<2000x16xf32>
    %mul3A_35 = arith.mulf %tanh3A_25, %mul3A_34 : vector<2000x16xf32>
    %reduce_sum3A_36 = arith.constant dense<0.000000e+00> : vector<2000xf32>
    %reduce_sum3A_37 = vector.multi_reduction <add>, %mul3A_35, %reduce_sum3A_36 [1] : vector<2000x16xf32> to vector<2000xf32>
    %broadcast_in_dim3A_38 = vector.shape_cast %reduce_sum3A_37 : vector<2000xf32> to vector<2000x1xf32>
    %max3A = arith.maximumf %broadcast_in_dim3A_30, %broadcast_in_dim3A_38 : vector<2000x1xf32>
    %sub3A = arith.subf %broadcast_in_dim3A_30, %max3A : vector<2000x1xf32>
    %exp3A = math.exp %sub3A : vector<2000x1xf32>
    %sub3A_39 = arith.subf %broadcast_in_dim3A_38, %max3A : vector<2000x1xf32>
    %exp3A_40 = math.exp %sub3A_39 : vector<2000x1xf32>
    %add3A_41 = arith.addf %exp3A, %exp3A_40 : vector<2000x1xf32>
    %div3A = arith.constant 1.000000e+00 : f32
    %div3A_42 = vector.broadcast %div3A : f32 to vector<2000x1xf32>
    %div3A_43 = arith.divf %div3A_42, %add3A_41 : vector<2000x1xf32>
    %mul3A_44 = arith.mulf %exp3A, %div3A_43 : vector<2000x1xf32>
    %mul3A_45 = vector.broadcast %mul3A_44 : vector<2000x1xf32> to vector<2000x16xf32>
    %mul3A_46 = arith.mulf %mul3A_45, %add3A : vector<2000x16xf32>
    %mul3A_47 = arith.mulf %exp3A_40, %div3A_43 : vector<2000x1xf32>
    %mul3A_48 = vector.broadcast %mul3A_47 : vector<2000x1xf32> to vector<2000x16xf32>
    %mul3A_49 = arith.mulf %mul3A_48, %add3A_10 : vector<2000x16xf32>
    %add3A_50 = arith.addf %mul3A_46, %mul3A_49 : vector<2000x16xf32>
    %get3A_51 = arith.constant 0 : index
    %get3A_52 = arith.constant 0 : index
    %get3A_53 = vector.load %arg2[%get3A_51, %get3A_52] : memref<2000x128xf32, #tpu.memory_space<vmem>>, vector<2000x128xf32>
    %get3A_54 = arith.constant 0 : index
    %get3A_55 = arith.constant 0 : index
    %get3A_56 = arith.constant 0 : index
    %get3A_57 = vector.load %arg5[%get3A_54, %get3A_55, %get3A_56] : memref<2x16x128xf32, #tpu.memory_space<vmem>>, vector<2x16x128xf32>
    %slice3A_58 = vector.extract_strided_slice %get3A_57 {offsets = [0, 0, 0], sizes = [1, 16, 128], strides = [1, 1, 1]} : vector<2x16x128xf32> to vector<1x16x128xf32>
    %squeeze3A_59 = vector.shape_cast %slice3A_58 : vector<1x16x128xf32> to vector<16x128xf32>
    %dot_general3A_60 = arith.constant dense<0.000000e+00> : vector<2000x128xf32>
    %dot_general3A_61 = tpu.matmul %add3A_50, %squeeze3A_59, %dot_general3A_60 {dimension_numbers = #tpu.dot_dimension_numbers<[1], [0], [0], [1], [0, 0, 1, 1], [], []>, transpose_lhs_hint = false} : vector<2000x16xf32>, vector<16x128xf32>, vector<2000x128xf32> -> vector<2000x128xf32>
    %add3A_62 = arith.addf %get3A_53, %dot_general3A_61 : vector<2000x128xf32>
    %mul3A_63 = arith.mulf %add3A_62, %add3A_62 : vector<2000x128xf32>
    %reduce_sum3A_64 = arith.constant dense<0.000000e+00> : vector<2000xf32>
    %reduce_sum3A_65 = vector.multi_reduction <add>, %mul3A_63, %reduce_sum3A_64 [1] : vector<2000x128xf32> to vector<2000xf32>
    %broadcast_in_dim3A_66 = vector.shape_cast %reduce_sum3A_65 : vector<2000xf32> to vector<2000x1xf32>
    %sqrt3A = math.sqrt %broadcast_in_dim3A_66 : vector<2000x1xf32>
    %max3A_67 = arith.constant 9.99999996E-13 : f32
    %max3A_68 = vector.broadcast %max3A_67 : f32 to vector<2000x1xf32>
    %max3A_69 = arith.maximumf %sqrt3A, %max3A_68 : vector<2000x1xf32>
    %div3A_70 = vector.broadcast %max3A_69 : vector<2000x1xf32> to vector<2000x128xf32>
    %div3A_71 = arith.divf %add3A_62, %div3A_70 : vector<2000x128xf32>
    %swap3A = arith.constant 0 : index
    %swap3A_72 = arith.constant 0 : index
    %swap3A_73 = arith.constant 0 : index
    %swap3A_74 = vector.load %arg6[%swap3A, %swap3A_72, %swap3A_73] : memref<2000x2x128xf32, #tpu.memory_space<vmem>>, vector<2000x1x128xf32>
    %swap3A_75 = vector.shape_cast %swap3A_74 : vector<2000x1x128xf32> to vector<2000x128xf32>
    %swap3A_76 = vector.shape_cast %div3A_71 : vector<2000x128xf32> to vector<2000x1x128xf32>
    tpu.vector_store %arg6[%swap3A, %swap3A_72, %swap3A_73], %swap3A_76 {strides = array<i32>} : memref<2000x2x128xf32, #tpu.memory_space<vmem>>, vector<2000x1x128xf32>,
    %slice3A_77 = vector.extract_strided_slice %get3A_57 {offsets = [1, 0, 0], sizes = [1, 16, 128], strides = [1, 1, 1]} : vector<2x16x128xf32> to vector<1x16x128xf32>
    %squeeze3A_78 = vector.shape_cast %slice3A_77 : vector<1x16x128xf32> to vector<16x128xf32>
    %dot_general3A_79 = arith.constant dense<0.000000e+00> : vector<2000x128xf32>
    %dot_general3A_80 = tpu.matmul %add3A_50, %squeeze3A_78, %dot_general3A_79 {dimension_numbers = #tpu.dot_dimension_numbers<[1], [0], [0], [1], [0, 0, 1, 1], [], []>, transpose_lhs_hint = false} : vector<2000x16xf32>, vector<16x128xf32>, vector<2000x128xf32> -> vector<2000x128xf32>
    %add3A_81 = arith.addf %get3A_53, %dot_general3A_80 : vector<2000x128xf32>
    %mul3A_82 = arith.mulf %add3A_81, %add3A_81 : vector<2000x128xf32>
    %reduce_sum3A_83 = arith.constant dense<0.000000e+00> : vector<2000xf32>
    %reduce_sum3A_84 = vector.multi_reduction <add>, %mul3A_82, %reduce_sum3A_83 [1] : vector<2000x128xf32> to vector<2000xf32>
    %broadcast_in_dim3A_85 = vector.shape_cast %reduce_sum3A_84 : vector<2000xf32> to vector<2000x1xf32>
    %sqrt3A_86 = math.sqrt %broadcast_in_dim3A_85 : vector<2000x1xf32>
    %max3A_87 = arith.constant 9.99999996E-13 : f32
    %max3A_88 = vector.broadcast %max3A_87 : f32 to vector<2000x1xf32>
    %max3A_89 = arith.maximumf %sqrt3A_86, %max3A_88 : vector<2000x1xf32>
    %div3A_90 = vector.broadcast %max3A_89 : vector<2000x1xf32> to vector<2000x128xf32>
    %div3A_91 = arith.divf %add3A_81, %div3A_90 : vector<2000x128xf32>
    %swap3A_92 = arith.constant 0 : index
    %swap3A_93 = arith.constant 1 : index
    %swap3A_94 = arith.constant 0 : index
    %swap3A_95 = vector.load %arg6[%swap3A_92, %swap3A_93, %swap3A_94] : memref<2000x2x128xf32, #tpu.memory_space<vmem>>, vector<2000x1x128xf32>
    %swap3A_96 = vector.shape_cast %swap3A_95 : vector<2000x1x128xf32> to vector<2000x128xf32>
    %swap3A_97 = vector.shape_cast %div3A_91 : vector<2000x128xf32> to vector<2000x1x128xf32>
    tpu.vector_store %arg6[%swap3A_92, %swap3A_93, %swap3A_94], %swap3A_97 {strides = array<i32>} : memref<2000x2x128xf32, #tpu.memory_space<vmem>>, vector<2000x1x128xf32>,
    return
  }
  func.func @transform_0(%arg0: i32) -> (i32, i32, i32, i32) {
    %c0_i32 = arith.constant 0 : i32
    %c0_i32_0 = arith.constant 0 : i32
    %c0_i32_1 = arith.constant 0 : i32
    %c0_i32_2 = arith.constant 0 : i32
    return %c0_i32, %c0_i32_0, %arg0, %c0_i32_1 : i32, i32, i32, i32
  }
  func.func @transform_1(%arg0: i32) -> (i32, i32) {
    %c0_i32 = arith.constant 0 : i32
    %c0_i32_0 = arith.constant 0 : i32
    return %arg0, %c0_i32 : i32, i32
  }
  func.func @transform_2(%arg0: i32) -> (i32, i32, i32) {
    %c0_i32 = arith.constant 0 : i32
    %c0_i32_0 = arith.constant 0 : i32
    %c0_i32_1 = arith.constant 0 : i32
    %c0_i32_2 = arith.constant 0 : i32
    return %c0_i32, %c0_i32_0, %c0_i32_1 : i32, i32, i32
  }
  func.func @transform_3(%arg0: i32) -> (i32, i32) {
    %c0_i32 = arith.constant 0 : i32
    %c0_i32_0 = arith.constant 0 : i32
    %c0_i32_1 = arith.constant 0 : i32
    return %c0_i32, %c0_i32_0 : i32, i32
  }
  func.func @transform_4(%arg0: i32) -> (i32, i32, i32) {
    %c0_i32 = arith.constant 0 : i32
    %c0_i32_0 = arith.constant 0 : i32
    %c0_i32_1 = arith.constant 0 : i32
    %c0_i32_2 = arith.constant 0 : i32
    return %c0_i32, %c0_i32_0, %c0_i32_1 : i32, i32, i32
  }
  func.func @transform_5(%arg0: i32) -> (i32, i32, i32) {
    %c0_i32 = arith.constant 0 : i32
    %c0_i32_0 = arith.constant 0 : i32
    %c0_i32_1 = arith.constant 0 : i32
    return %arg0, %c0_i32, %c0_i32_0 : i32, i32, i32
  }
}

</mosaic_0001>

<sc_bundles>
// kernel: kernel.4.cloned.1.call-start
scs
__scs_entry_jumppad:
0x0: {  	(pc) =	sbr.rel $0x88, $3  }
0x1: {  	(tag) =	ssettag $0x0;
	lr =	simm.s32 $0x1  }
0x2: {  	[smem:$0x3F99] =	sst lr;
	_ =	strace $0xD0000000  }
0x3: {  	_ = 	snop  }
0x4: {  	_ = 	snop  }
0x5: {  	_ = 	snop  }
0x6: {  	_ = 	snop  }
0x7: {  	_ = 	snop  }
__scs_overlays_trampoline_lowered:
0x8: {  	[smem:$0x3FA8] =	sst s0  }
0x9: {  	[smem:$0x3FA9] =	sst s1  }
0xa: {  	[smem:$0x3FAA] =	sst s2  }
0xb: {  	[smem:$0x3FAB] =	sst s3  }
0xc: {  	[smem:$0x3FAC] =	sst s4  }
0xd: {  	[smem:$0x3FAD] =	sst s5  }
0xe: {  	[smem:$0x3FAE] =	sst s6  }
0xf: {  	[smem:$0x3FAF] =	sst s7  }
0x10: {  	[smem:$0x3FB0] =	sst s8  }
0x11: {  	[smem:$0x3FB1] =	sst s9;
	s0 =	simm.s32 @!p0 $0x0  }
0x12: {  	s1 =	sld [smem:$0x3F97];
	s0 =	simm.s32 @p0 $0x1  }
0x13: {  	[smem:$0x3FB2] =	sst s0;
	s0 =	simm.s32 @!p1 $0x0  }
0x14: {  	s2 =	sld [smem:$0x3F96];
	s0 =	simm.s32 @p1 $0x1  }
0x15: {  	[smem:$0x3FB3] =	sst s0;
	s0 =	simm.s32 @!p2 $0x0  }
0x16: {  	s3 =	sld [smem:$0x3FDB];
	s0 =	simm.s32 @p2 $0x1  }
0x17: {  	s4 =	simm.s32 $0x1BF5;
	[smem:$0x3FB5] =	sst s0  }
0x18: {  	s0 =	sld [smem:$0x3F98];
	_ =	swait.ge [sflag:s4], $0x0  }
0x19: {  	s7 =	sld [smem:$0x3F99]  }
0x1a: {  	s8 =	sadd.s32 $0xFFFFE003, lr  }
0x1b: {  	s9 =	sadd.s32 $0xFFFFFEF7, lr;
	s5 =	simm.s32 $0xFFFFFFFF;
	p2 =	slt.u32 s8, $0xFFFFF086  }
0x1c: {  	p1 =	slt.u32 s9, $0xF7A;
	s5 =	simm.s32 @!p2 $0x0  }
0x1d: {  	s5 =	simm.s32 @p1 $0x1;
	p0 =	seq.s32 s7, s2  }
0x1e: {  	s7 =	smul.u32 @!p0 $0xF7A, s2;
	p2 =	seq.s32 @!p0 s5, $0x0  }
0x1f: {  	s9 =	smul.u32 $0xF7A, s1;
	s8 =	simm.s32 @!p0 $0x1BF5;
	p2 =	por !p2, p0  }
0x20: {  	[sflag:s8] =	ssyncset.s32 @!p0 $0xFFFFF086;
	s6 =	sadd.s32 @!p0 s3, s7;
	s7 =	simm.s32 @!p0 $0x108  }
0x21: {  	s3 =	sadd.s32 s3, s9;
	s6 =	sadd.s32 @!p0 $0x88, s6;
	s7 =	simm.s32 @p2 $0x1082  }
0x22: {  	[simem:s7], [sflag:s8] =	dma.local @!p0 [hbm:s6], $0xF7A  }
0x23: {  	s9 =	sor.u32 $0xD0000000, s2;
	s6 =	simm.s32 $0x108;
	_ =	swait.ge @!p0 [sflag:s8], $0x0  }
0x24: {  	s3 =	sadd.s32 $0x88, s3;
	s6 =	simm.s32 @!p1 $0x1082;
	[sflag:s4] =	ssyncset.s32 $0xFFFFF086  }
0x25: {  	[simem:s6], [sflag:s4] =	dma.local [hbm:s3], $0xF7A  }
0x26: {  	[smem:$0x3F99] =	sst s1;
	(tag) =	ssettag s2;
	_ =	strace s9  }
0x27: {  	s1 =	sld [smem:$0x3FA9]  }
0x28: {  	s2 =	sld [smem:$0x3FAA]  }
0x29: {  	s4 =	sld [smem:$0x3FAC]  }
0x2a: {  	p0 =	seq.s32 s5, $0x0;
	s5 =	sld [smem:$0x3FAD]  }
0x2b: {  	s6 =	sld [smem:$0x3FAE]  }
0x2c: {  	s7 =	sld [smem:$0x3FAF]  }
0x2d: {  	s3 =	simm.s32 $0x108;
	s8 =	sld [smem:$0x3FB0]  }
0x2e: {  	s3 =	simm.s32 @!p0 $0x1082;
	s9 =	sld [smem:$0x3FB1]  }
0x2f: {  	lr =	sadd.s32 s0, s3;
	s0 =	sld [smem:$0x3FA8]  }
0x30: {  	s3 =	sld [smem:$0x3FAB]  }
0x31: {  	[smem:$0x3FB4] =	sst s10  }
0x32: {  	s10 =	sld [smem:$0x3FB2];
	_ =	sdelay $0x3  }
0x33: {  	p0 =	seq.s32 s10, $0x1;
	s10 =	sld [smem:$0x3FB4];
	_ =	sdelay $0x3  }
0x34: {  	[smem:$0x3FB4] =	sst s10  }
0x35: {  	s10 =	sld [smem:$0x3FB3];
	_ =	sdelay $0x3  }
0x36: {  	p1 =	seq.s32 s10, $0x1;
	s10 =	sld [smem:$0x3FB4];
	_ =	sdelay $0x3  }
0x37: {  	[smem:$0x3FB4] =	sst s10  }
0x38: {  	s10 =	sld [smem:$0x3FB5]  }
0x39: {  	_ = 	snop;
	(pc) =	sbr.ind lr, $3  }
0x3a: {  	_ = 	snop  }
0x3b: {  	_ = 	snop  }
0x3c: {  	p2 =	seq.s32 s10, $0x1;
	s10 =	sld [smem:$0x3FB4]  }
0x3d: {  	_ =	shalt  }
0x3e: {  	_ =	shalt  }
0x3f: {  	_ =	shalt  }
0x40: {  	_ =	shalt  }
0x41: {  	_ =	shalt  }
0x42: {  	_ =	shalt  }
0x43: {  	_ =	shalt  }
0x44: {  	_ =	shalt  }
0x45: {  	_ =	shalt  }
0x46: {  	_ =	shalt  }
0x47: {  	_ =	shalt  }
0x48: {  	_ =	shalt  }
0x49: {  	_ =	shalt  }
0x4a: {  	_ =	shalt  }
0x4b: {  	_ =	shalt  }
0x4c: {  	_ =	shalt  }
0x4d: {  	_ =	shalt  }
0x4e: {  	_ =	shalt  }
0x4f: {  	_ =	shalt  }
0x50: {  	_ =	shalt  }
0x51: {  	_ =	shalt  }
0x52: {  	_ =	shalt  }
0x53: {  	_ =	shalt  }
0x54: {  	_ =	shalt  }
0x55: {  	_ =	shalt  }
0x56: {  	_ =	shalt  }
0x57: {  	_ =	shalt  }
0x58: {  	_ =	shalt  }
0x59: {  	_ =	shalt  }
0x5a: {  	_ =	shalt  }
0x5b: {  	_ =	shalt  }
0x5c: {  	_ =	shalt  }
0x5d: {  	_ =	shalt  }
0x5e: {  	_ =	shalt  }
0x5f: {  	_ =	shalt  }
0x60: {  	_ =	shalt  }
0x61: {  	_ =	shalt  }
0x62: {  	_ =	shalt  }
0x63: {  	_ =	shalt  }
0x64: {  	_ =	shalt  }
0x65: {  	_ =	shalt  }
0x66: {  	_ =	shalt  }
0x67: {  	_ =	shalt  }
0x68: {  	_ =	shalt  }
0x69: {  	_ =	shalt  }
0x6a: {  	_ =	shalt  }
0x6b: {  	_ =	shalt  }
0x6c: {  	_ =	shalt  }
0x6d: {  	_ =	shalt  }
0x6e: {  	_ =	shalt  }
0x6f: {  	_ =	shalt  }
0x70: {  	_ =	shalt  }
0x71: {  	_ =	shalt  }
0x72: {  	_ =	shalt  }
0x73: {  	_ =	shalt  }
0x74: {  	_ =	shalt  }
0x75: {  	_ =	shalt  }
0x76: {  	_ =	shalt  }
0x77: {  	_ =	shalt  }
0x78: {  	_ =	shalt  }
0x79: {  	_ =	shalt  }
0x7a: {  	_ =	shalt  }
0x7b: {  	_ =	shalt  }
0x7c: {  	_ =	shalt  }
0x7d: {  	_ =	shalt  }
0x7e: {  	_ =	shalt  }
0x7f: {  	_ =	shalt  }
0x80: {  	_ =	shalt  }
0x81: {  	_ =	shalt  }
0x82: {  	_ =	shalt  }
0x83: {  	_ =	shalt  }
0x84: {  	_ =	shalt  }
0x85: {  	_ =	shalt  }
0x86: {  	_ =	shalt  }
0x87: {  	_ =	shalt  }
.Lfunc_end0:
.L_simem_size_0:
called_computation_lowered:
.L_overlay_start_0:
0x88: {  	s2 =	sld [smem:$0x3FD9]  }
0x89: {  	s3 =	sld [smem:$0x3FFE];
	_ =	sdelay $0x1  }
0x8a: {  	s1 =	srdreg.scid  }
0x8b: {  	s0 =	sand.u32 $0x1, s1  }
0x8c: {  	s17 =	sshll.u32 s0, $0xA;
	s2 =	sadd.s32 s3, s2  }
0x8d: {  	s2 =	sadd.s32 s2, s17  }
0x8e: {  	[smem:$0x3FC0] =	sst s2  }
0x8f: {  	_ = 	snop  }
0x90: {  	s2 =	sld [smem:$0x3FC9]  }
0x91: {  	s18 =	sld [smem:$0x3FC4]  }
0x92: {  	s4 =	sld [smem:$0x3FD0];
	(tm) =	ssettm $0x1  }
0x93: {  	s5 =	sld [smem:$0x3FFB];
	_ =	sdelay $0x3  }
0x94: {  	_ =	strace s5  }
0x95: {  	s5 =	sld [smem:$0x3FFC];
	_ =	sdelay $0x3  }
0x96: {  	_ =	strace s5  }
0x97: {  	s5 =	sld [smem:$0x3FFD];
	_ =	sdelay $0x3  }
0x98: {  	_ =	strace s5  }
0x99: {  	_ =	strace $0x8FFFFFFF  }
0x9a: {  	s19 =	sld [smem:$0x3FDB];
	_ =	sdelay $0x1  }
0x9b: {  	s6 =	simm.s32 $_scs_section_size  }
0x9c: {  	s7 =	simm.s32 $_size__tile_overlayer_lowered;
	s8 =	simm.s32 $_tile_overlayer_lowered  }
0x9d: {  	s22 =	simm.s32 $0x1BFF;
	s21 =	sshll.u32 s8, $0x1;
	s5 =	sadd.s32 s6, s19  }
0x9e: {  	s9 =	simm.s32 $0x0;
	s20 =	sshll.u32 s7, $0x1;
	s7 =	sadd.s32 s21, s5  }
0x9f: {  	[timem:s9], [sflag:s22] =	dma.local [hbm:s7], s20  }
0xa0: {  	_ =	swait.ge [sflag:s22], s20  }
0xa1: {  	s6 =	ssub.s32 $0x0, s20;
	[sflag:s22] =	ssyncset.done $0x0  }
0xa2: {  	[sflag:s22] =	ssyncadd.s32 s6;
	_ =	sdelay $0x1  }
0xa3: {  	s23 =	simm.s32 $0x1B8B  }
0xa4: {  	_ =	swait.ge [sflag:s23], $0x1  }
0xa5: {  	[sflag:s23] =	ssyncset.done $0x0  }
0xa6: {  	s25 =	simm.s32 $0x1B8E;
	s24 =	sld [smem:$0x3FFE];
	[sflag:s23] =	ssyncadd.s32 $0xFFFFFFFF  }
0xa7: {  	s26 =	simm.s32 $execute0_lowered;
	[smem:$0x3FD2] =	sst s25  }
0xa8: {  	s7 =	sshll.u32 s26, $0x1;
	_ =	strace $0x80000046;
	[dreg:$0x1] =	wrdreg $0xFFFFFFFF  }
0xa9: {  	s28 =	simm.s32 $_size_execute0_lowered;
	s5 =	sadd.s32 s5, s7;
	[dreg:$0x0] =	wrdreg $0x0  }
0xaa: {  	s7 =	sshll.u32 s28, $0x1;
	[dreg:$0x2] =	wrdreg s5  }
0xab: {  	[dreg:$0x3] =	wrdreg s7  }
0xac: {  	[dreg:$0x4] =	wrdreg $0xC0  }
0xad: {  	_ =	task [dreg:s9], $0x5FFFF  }
0xae: {  	[dreg:$0x1] =	wrdreg $0xFFFFFFFF  }
0xaf: {  	[dreg:$0x0] =	wrdreg $0x60  }
0xb0: {  	[dreg:$0x2] =	wrdreg s24  }
0xb1: {  	[dreg:$0x3] =	wrdreg s18  }
0xb2: {  	[dreg:$0x4] =	wrdreg s2  }
0xb3: {  	[dreg:$0x5] =	wrdreg s4  }
0xb4: {  	[dreg:$0x6] =	wrdreg $0x101800  }
0xb5: {  	[dreg:$0x7] =	wrdreg $0x129800  }
0xb6: {  	[dreg:$0x8] =	wrdreg $0x9  }
0xb7: {  	_ =	task.clear_ibuf [dreg:s9], $0x9FFFF;
	_ =	strace $0x90000046  }
0xb8: {  	s29 =	simm.s32 $0x9;
	_ =	strace $0x80000048  }
0xb9: {  	_ =	swait.ge [sflag:s29], $0x1  }
0xba: {  	[sflag:s29] =	ssyncadd.s32 $0xFFFFFFFF  }
0xbb: {  	_ =	strace $0x90000048  }
0xbc: {  	_ =	sfence  }
0xbd: {  	s30 =	sld [smem:$0x0];
	_ =	sdelay $0x2  }
0xbe: {  	s31 =	sshll.u32 s1, $0xD;
	s1 =	sshrl.u32 s1, $0x2  }
0xbf: {  	s3 =	sand.u32 $0x4000, s31;
	s1 =	sadd.s32 s1, s30  }
0xc0: {  	s0 =	sor.u32 s3, s0;
	s1 =	sshll.u32 s1, $0x11  }
0xc1: {  	s0 =	sor.u32 s1, s0  }
0xc2: {  	s0 =	sadd.s32 $0x8F2B, s0  }
0xc3: {  	[sflag:s0] =	ssyncadd.remote.s32 $0x1  }
0xc4: {  	_ =	sfence.sel $0xFFFF  }
0xc5: {  	[dreg:$0x0] =	wrdreg $0xFFFFFFFF;
	(pc) =	sbr.abs _section_cstart, $3  }
0xc6: {  	[dreg:$0x1] =	wrdreg $0xFFFFFFFF  }
0xc7: {  	_ =	task.clear_ibuf [dreg:s9], $0x2FFFF;
	_ =	strace $0x9FFFFFFF  }
0xc8: {  	(tm) =	ssettm $0x7FFFFFFF  }
0xc9: {  	_ =	shalt  }
tec
execute0_lowered:
.L_overlay_start_1:
0x0: {  	(tag) =	ssettag $0x1  }
0x1: {  	s0 =	rddreg [dreg:$0x0]  }
0x2: {  	s1 =	rddreg [dreg:$0x1]  }
0x3: {  	s2 =	rddreg [dreg:$0x2]  }
0x4: {  	s3 =	rddreg [dreg:$0x3]  }
0x5: {  	s4 =	rddreg [dreg:$0x4]  }
0x6: {  	s6 =	rddreg [dreg:$0x5];
	s7 =	simm.s32 $0x0;
	s5 =	srdreg.scid  }
0x7: {  	s15 =	stileid.u32;
	s17 =	simm.s32 $0x1;
	s30 =	simm.s32 $0x800  }
0x8: {  	s28 =	simm.s32 $0x80;
	s31 =	simm.s32 $0x5800;
	s29 =	simm.s32 $0x9000  }
0x9: {  	[smem:$0x7FF] =	sst s7;
	s5 =	sand.u32 $0x1, s5;
	s8 =	smul.u32 $0x2800, s15  }
0xa: {  	s9 =	sadd.s32 $0x64000, s0;
	s10 =	sadd.s32 $0x2000, s0;
	s22 =	sshll.u32 s15, $0x1  }
0xb: {  	s23 =	sadd.s32 $0x4E0, s1;
	_ =	strace $0x80000047;
	[dreg:$0x7] =	wrdreg s9  }
0xc: {  	s24 =	sadd.s32 $0x27000, s3;
	s14 =	smul.u32 $0x50000, s5;
	[dreg:$0x8] =	wrdreg s10  }
0xd: {  	s10 =	sadd.s32 $0x30F400, s0;
	s11 =	sshll.u32 s5, $0x4;
	s12 =	ssub.s32 $0x2, s5  }
0xe: {  	p0 =	seq.s32 s5, $0x0;
	s19 =	sxor.u32 $0x19, s5;
	[dreg:$0x10] =	wrdreg s23  }
0xf: {  	s5 =	sshll.u32 s5, $0x5;
	[dreg:$0x11] =	wrdreg s24;
	s24 =	simm.s32 $0x3000  }
0x10: {  	s23 =	simm.s32 $0x4800;
	s11 =	sor.u32 s15, s11;
	s13 =	sshrl.u32 s12, $0x1  }
0x11: {  	s18 =	sadd.s32 s8, s4;
	[dreg:$0xc] =	wrdreg s19;
	s15 =	simm.s32 $0x2800  }
0x12: {  	s19 =	simm.s32 $0x8800;
	s9 =	sadd.s32 s8, s14;
	s14 =	smul.u32 $0x18, s11  }
0x13: {  	s16 =	ssub.s32 s12, s13;
	s12 =	smul.u32 $0x19, s11;
	[dreg:$0x9] =	wrdreg s18  }
0x14: {  	s8 =	sadd.s32 s8, s6;
	p1 =	seq.s32 s11, $0x1F;
	s21 =	smin.u32 s11, $0xF  }
0x15: {  	s18 =	simm.s32 $0x5000;
	s9 =	sshrl.u32 s9, $0x3;
	[dreg:$0xb] =	wrdreg s8  }
0x16: {  	s8 =	simm.s32 $0x1;
	s25 =	smax.u32 s16, $0x1;
	s13 =	sadd.s32 $0x10, s14  }
0x17: {  	s0 =	sadd.s32 s9, s0;
	[dreg:$0x12] =	wrdreg s25;
	s13 =	smov.u32 @p0 s12  }
0x18: {  	s16 =	simm.s32 $0x6000;
	s20 =	sadd.s32 $0xC6000, s0;
	[dreg:$0xa] =	wrdreg s13  }
0x19: {  	s8 =	simm.s32 @!p1 $0x2;
	s0 =	sadd.s32 $0xCB000, s0;
	[dreg:$0xd] =	wrdreg s20  }
0x1a: {  	s25 =	simm.s32 $0x2;
	p0 =	slt.u32 s11, $0xF;
	[dreg:$0xe] =	wrdreg s0  }
0x1b: {  	s8 =	simm.s32 @p0 $0x3;
	s0 =	sor.u32 s5, s21;
	p0 =	sne.s32 s11, $0x1F  }
0x1c: {  	s20 =	simm.s32 $0x3800;
	s11 =	simm.s32 $0x4000;
	s21 =	simm.s32 $0x6800  }
0x1d: {  	s5 =	simm.s32 $0x7800;
	s13 =	simm.s32 $0x8000;
	s0 =	sadd.s32 s22, s0  }
0x1e: {  	[dreg:$0xf] =	wrdreg s8;
	s22 =	simm.s32 $0x7000;
	s26 =	sshll.u32 s0, $0xB  }
0x1f: {  	s8 =	simm.s32 $0xC180;
	s0 =	sshll.u32 s0, $0x4;
	[dreg:$0x13] =	wrdreg s26  }
0x20: {  	v0 =	vimm.f32 $0.0e+00;
	[dreg:$0x14] =	wrdreg s0;
	s0 =	simm.s32 $0x2000;
	s26 =	simm.s32 $0x0  }
.LBB2_1:
0x21: {  	[dreg:$0x15] =	wrdreg s26;
	s9 =	simm.s32 $0x40;
	s12 =	simm.s32 $0x0  }
.LBB2_2:
0x22: {  	p1 =	sne.s32 s9, $0x9FC0;
	[tilespmem:s12+$0x9800] =	vst v0;
	s12 =	smov.u32 s9;
	s9 =	sadd.s32 $0x40, s9  }
.Ltmp0:
0x23: {  	(pc) =	sbr.rel @p1 .LBB2_2-.Ltmp0, $2  }
0x24: {  	_ =	sdelay $0x2  }
0x25: {  	s12 =	sshra.s32 s12, $0x2  }
0x26: {  	[tilespmem:s12+$0x9800] =	vst v0;
	s9 =	rddreg [dreg:$0x9];
	s14 =	simm.s32 $0x9800  }
0x27: {  	[spmem:s9] =	stream.linear.scatter [tilespmem:s14], [sflag:$0x2], $0x2800, $0x38;
	[tilespmem:$0x15180] =	vst v63  }
0x28: {  	_ =	swait.ge [sflag:s25], $0x2800  }
0x29: {  	[sflag:s25] =	ssyncset.done $0x0  }
0x2a: {  	s26 =	rddreg [dreg:$0xb];
	[sflag:s25] =	ssyncadd.s32 $0xFFFFD800  }
0x2b: {  	[spmem:s26] =	stream.linear.scatter [tilespmem:s14], [sflag:$0x2], $0x2800, $0x38;
	[tilespmem:$0x15180] =	vst v63  }
0x2c: {  	_ =	swait.ge [sflag:s25], $0x2800  }
0x2d: {  	[sflag:s25] =	ssyncset.done $0x0  }
0x2e: {  	[sflag:s25] =	ssyncadd.s32 $0xFFFFD800  }
0x2f: {  	s12 =	simm.s32 $0x0;
	s14 =	simm.s32 $0x0;
	[bflag:$0x0] =	sbarrier.arrive $0xFFFF  }
.LBB2_4:
0x30: {  	s9 =	rddreg [dreg:$0xa]  }
0x31: {  	s9 =	sadd.s32 s9, s14  }
0x32: {  	s26 =	rddreg [dreg:$0x7];
	s9 =	sshll.u32 s9, $0x8  }
0x33: {  	s26 =	sadd.s32 s26, s9  }
0x34: {  	[tilespmem:s12], [sflag:$0x2] =	stream.linear.gather [hbm4b:s26+s12], $0x800, $0x38;
	[tilespmem:$0x15180] =	vst v63  }
0x35: {  	_ =	swait.ge [sflag:s25], $0x800  }
0x36: {  	[sflag:s25] =	ssyncset.done $0x0;
	s26 =	rddreg [dreg:$0x8]  }
0x37: {  	[sflag:s25] =	ssyncadd.s32 $0xFFFFF800;
	s9 =	sadd.s32 s26, s9  }
0x38: {  	[tilespmem:s30], [sflag:$0x2] =	stream.linear.gather [hbm4b:s9+s12], $0x800, $0x38;
	[tilespmem:$0x15180] =	vst v63  }
0x39: {  	_ =	swait.ge [sflag:s25], $0x800  }
0x3a: {  	[sflag:s25] =	ssyncset.done $0x0  }
0x3b: {  	s26 =	simm.s32 $0x0;
	[sflag:s25] =	ssyncadd.s32 $0xFFFFF800  }
0x3c: {  	v2 =	vld [tilespmem:s26+$0x70]  }
0x3d: {  	v5 =	vld [tilespmem:s26+$0x0]  }
0x3e: {  	v6 =	vld [tilespmem:s26+$0x10]  }
0x3f: {  	v4 =	vld [tilespmem:s26+$0x20]  }
0x40: {  	v3 =	vld [tilespmem:s26+$0x30]  }
0x41: {  	v1 =	vld [tilespmem:s26+$0x40];
	v7 =	vshll.u32 v2, $0x1  }
0x42: {  	v2 =	vld [tilespmem:s26+$0x50];
	v5 =	vshll.u32 v5, $0x1;
	[tilespmem:s26+$0x1070] =	vst v7  }
0x43: {  	s9 =	simm.s32 $0x80;
	s30 =	simm.s32 $0x400;
	v6 =	vshll.u32 v6, $0x1;
	[tilespmem:s26+$0x1000] =	vst v5;
	v5 =	vld [tilespmem:s26+$0x60]  }
.LBB2_5:
0x44: {  	p1 =	sne.s32 s30, $0x1E00;
	v7 =	vld [tilespmem:s9+$0x70];
	[tilespmem:s26+$0x1010] =	vst v6;
	v4 =	vshll.u32 v4, $0x1  }
0x45: {  	v6 =	vld [tilespmem:s9+$0x0];
	[tilespmem:s26+$0x1020] =	vst v4;
	v3 =	vshll.u32 v3, $0x1  }
0x46: {  	v8 =	vld [tilespmem:s9+$0x10];
	[tilespmem:s26+$0x1030] =	vst v3;
	v1 =	vshll.u32 v1, $0x1  }
.Ltmp1:
0x47: {  	v4 =	vld [tilespmem:s9+$0x20];
	[tilespmem:s26+$0x1040] =	vst v1;
	v1 =	vshll.u32 v2, $0x1;
	(pc) =	sbr.rel @p1 .LBB2_5-.Ltmp1, $4  }
0x48: {  	v3 =	vld [tilespmem:s9+$0x30];
	[tilespmem:s26+$0x1050] =	vst v1;
	v2 =	vshll.u32 v5, $0x1  }
0x49: {  	v1 =	vld [tilespmem:s9+$0x40];
	v5 =	vshll.u32 v7, $0x1;
	[tilespmem:s26+$0x1060] =	vst v2;
	s26 =	smov.u32 s9  }
0x4a: {  	v6 =	vshll.u32 v6, $0x1;
	v2 =	vld [tilespmem:s26+$0x50];
	[tilespmem:s26+$0x1070] =	vst v5  }
0x4b: {  	s9 =	sshra.s32 s30, $0x2;
	s30 =	sadd.s32 $0x200, s30;
	[tilespmem:s26+$0x1000] =	vst v6;
	v6 =	vshll.u32 v8, $0x1;
	v5 =	vld [tilespmem:s26+$0x60]  }
0x4c: {  	v7 =	vld [tilespmem:s9+$0x70];
	[tilespmem:s26+$0x1010] =	vst v6;
	v4 =	vshll.u32 v4, $0x1  }
0x4d: {  	v6 =	vld [tilespmem:s9+$0x0];
	[tilespmem:s26+$0x1020] =	vst v4;
	v3 =	vshll.u32 v3, $0x1  }
0x4e: {  	v4 =	vld [tilespmem:s9+$0x10];
	[tilespmem:s26+$0x1030] =	vst v3;
	v1 =	vshll.u32 v1, $0x1  }
0x4f: {  	v3 =	vld [tilespmem:s9+$0x20];
	[tilespmem:s26+$0x1040] =	vst v1;
	v1 =	vshll.u32 v2, $0x1  }
0x50: {  	v2 =	vld [tilespmem:s9+$0x30];
	[tilespmem:s26+$0x1050] =	vst v1;
	v1 =	vshll.u32 v5, $0x1  }
0x51: {  	v61 =	vld [tilespmem:s9+$0x40];
	[tilespmem:s26+$0x1060] =	vst v1;
	v1 =	vshll.u32 v7, $0x1  }
0x52: {  	v62 =	vld [tilespmem:s9+$0x50];
	v6 =	vshll.u32 v6, $0x1;
	[tilespmem:s9+$0x1070] =	vst v1  }
0x53: {  	v63 =	vld [tilespmem:s9+$0x60];
	[tilespmem:s9+$0x1000] =	vst v6;
	v1 =	vshll.u32 v4, $0x1  }
0x54: {  	[tilespmem:s9+$0x1010] =	vst v1;
	v1 =	vshll.u32 v3, $0x1  }
0x55: {  	[tilespmem:s9+$0x1020] =	vst v1;
	v1 =	vshll.u32 v2, $0x1  }
0x56: {  	[tilespmem:s9+$0x1030] =	vst v1;
	v1 =	vshll.u32 v61, $0x1  }
0x57: {  	[tilespmem:s9+$0x1040] =	vst v1;
	v1 =	vshll.u32 v62, $0x1  }
0x58: {  	[tilespmem:s9+$0x1050] =	vst v1;
	v1 =	vshll.u32 v63, $0x1  }
0x59: {  	s26 =	simm.s32 $0x1800;
	[tilespmem:s9+$0x1060] =	vst v1;
	s9 =	simm.s32 $0x1000  }
0x5a: {  	[tilespmem:s26], [sflag:$0x1] =	stream.indirect.gather [hbm4b:s10+s28], $0x10, s9, s28, $0xb8;
	[tilespmem:$0x15180] =	vst v63  }
0x5b: {  	s9 =	simm.s32 $0x1080  }
0x5c: {  	[tilespmem:s0], [sflag:$0x1] =	stream.indirect.gather [hbm4b:s10+s28], $0x10, s9, s28, $0xb8;
	[tilespmem:$0x15180] =	vst v63  }
0x5d: {  	s9 =	simm.s32 $0x1100  }
0x5e: {  	[tilespmem:s15], [sflag:$0x1] =	stream.indirect.gather [hbm4b:s10+s28], $0x10, s9, s28, $0xb8;
	[tilespmem:$0x15180] =	vst v63  }
0x5f: {  	s9 =	simm.s32 $0x1180  }
0x60: {  	[tilespmem:s24], [sflag:$0x1] =	stream.indirect.gather [hbm4b:s10+s28], $0x10, s9, s28, $0xb8;
	[tilespmem:$0x15180] =	vst v63  }
0x61: {  	s9 =	simm.s32 $0x1200  }
0x62: {  	[tilespmem:s20], [sflag:$0x1] =	stream.indirect.gather [hbm4b:s10+s28], $0x10, s9, s28, $0xb8;
	[tilespmem:$0x15180] =	vst v63  }
0x63: {  	s9 =	simm.s32 $0x1280  }
0x64: {  	[tilespmem:s11], [sflag:$0x1] =	stream.indirect.gather [hbm4b:s10+s28], $0x10, s9, s28, $0xb8;
	[tilespmem:$0x15180] =	vst v63  }
0x65: {  	s9 =	simm.s32 $0x1300  }
0x66: {  	[tilespmem:s23], [sflag:$0x1] =	stream.indirect.gather [hbm4b:s10+s28], $0x10, s9, s28, $0xb8;
	[tilespmem:$0x15180] =	vst v63  }
0x67: {  	s9 =	simm.s32 $0x1380  }
0x68: {  	[tilespmem:s18], [sflag:$0x1] =	stream.indirect.gather [hbm4b:s10+s28], $0x10, s9, s28, $0xb8;
	[tilespmem:$0x15180] =	vst v63  }
0x69: {  	s9 =	simm.s32 $0x1400  }
0x6a: {  	[tilespmem:s31], [sflag:$0x1] =	stream.indirect.gather [hbm4b:s10+s28], $0x10, s9, s28, $0xb8;
	[tilespmem:$0x15180] =	vst v63  }
0x6b: {  	s9 =	simm.s32 $0x1480  }
0x6c: {  	[tilespmem:s16], [sflag:$0x1] =	stream.indirect.gather [hbm4b:s10+s28], $0x10, s9, s28, $0xb8;
	[tilespmem:$0x15180] =	vst v63  }
0x6d: {  	s9 =	simm.s32 $0x1500  }
0x6e: {  	[tilespmem:s21], [sflag:$0x1] =	stream.indirect.gather [hbm4b:s10+s28], $0x10, s9, s28, $0xb8;
	[tilespmem:$0x15180] =	vst v63  }
0x6f: {  	s9 =	simm.s32 $0x1580  }
0x70: {  	[tilespmem:s22], [sflag:$0x1] =	stream.indirect.gather [hbm4b:s10+s28], $0x10, s9, s28, $0xb8;
	[tilespmem:$0x15180] =	vst v63  }
0x71: {  	s9 =	simm.s32 $0x1600  }
0x72: {  	[tilespmem:s5], [sflag:$0x1] =	stream.indirect.gather [hbm4b:s10+s28], $0x10, s9, s28, $0xb8;
	[tilespmem:$0x15180] =	vst v63  }
0x73: {  	s9 =	simm.s32 $0x1680  }
0x74: {  	[tilespmem:s13], [sflag:$0x1] =	stream.indirect.gather [hbm4b:s10+s28], $0x10, s9, s28, $0xb8;
	[tilespmem:$0x15180] =	vst v63  }
0x75: {  	s9 =	simm.s32 $0x1700  }
0x76: {  	[tilespmem:s19], [sflag:$0x1] =	stream.indirect.gather [hbm4b:s10+s28], $0x10, s9, s28, $0xb8;
	[tilespmem:$0x15180] =	vst v63  }
0x77: {  	s9 =	simm.s32 $0x1780  }
0x78: {  	[tilespmem:s29], [sflag:$0x1] =	stream.indirect.gather [hbm4b:s10+s28], $0x10, s9, s28, $0xb8;
	[tilespmem:$0x15180] =	vst v63  }
0x79: {  	_ =	swait.ge [sflag:s17], $0x800  }
0x7a: {  	[sflag:s17] =	ssyncset.done $0x0  }
0x7b: {  	[sflag:s17] =	ssyncadd.s32 $0xFFFFF800  }
0x7c: {  	_ =	swait.ge [sflag:s17], $0x800  }
0x7d: {  	[sflag:s17] =	ssyncset.done $0x0  }
0x7e: {  	[sflag:s17] =	ssyncadd.s32 $0xFFFFF800  }
0x7f: {  	_ =	swait.ge [sflag:s17], $0x800  }
0x80: {  	[sflag:s17] =	ssyncset.done $0x0  }
0x81: {  	[sflag:s17] =	ssyncadd.s32 $0xFFFFF800  }
0x82: {  	_ =	swait.ge [sflag:s17], $0x800  }
0x83: {  	[sflag:s17] =	ssyncset.done $0x0  }
0x84: {  	[sflag:s17] =	ssyncadd.s32 $0xFFFFF800  }
0x85: {  	_ =	swait.ge [sflag:s17], $0x800  }
0x86: {  	[sflag:s17] =	ssyncset.done $0x0  }
0x87: {  	[sflag:s17] =	ssyncadd.s32 $0xFFFFF800  }
0x88: {  	_ =	swait.ge [sflag:s17], $0x800  }
0x89: {  	[sflag:s17] =	ssyncset.done $0x0  }
0x8a: {  	[sflag:s17] =	ssyncadd.s32 $0xFFFFF800  }
0x8b: {  	_ =	swait.ge [sflag:s17], $0x800  }
0x8c: {  	[sflag:s17] =	ssyncset.done $0x0  }
0x8d: {  	[sflag:s17] =	ssyncadd.s32 $0xFFFFF800  }
0x8e: {  	_ =	swait.ge [sflag:s17], $0x800  }
0x8f: {  	[sflag:s17] =	ssyncset.done $0x0  }
0x90: {  	[sflag:s17] =	ssyncadd.s32 $0xFFFFF800  }
0x91: {  	_ =	swait.ge [sflag:s17], $0x800  }
0x92: {  	[sflag:s17] =	ssyncset.done $0x0  }
0x93: {  	[sflag:s17] =	ssyncadd.s32 $0xFFFFF800  }
0x94: {  	_ =	swait.ge [sflag:s17], $0x800  }
0x95: {  	[sflag:s17] =	ssyncset.done $0x0  }
0x96: {  	[sflag:s17] =	ssyncadd.s32 $0xFFFFF800  }
0x97: {  	_ =	swait.ge [sflag:s17], $0x800  }
0x98: {  	[sflag:s17] =	ssyncset.done $0x0  }
0x99: {  	[sflag:s17] =	ssyncadd.s32 $0xFFFFF800  }
0x9a: {  	_ =	swait.ge [sflag:s17], $0x800  }
0x9b: {  	[sflag:s17] =	ssyncset.done $0x0  }
0x9c: {  	[sflag:s17] =	ssyncadd.s32 $0xFFFFF800  }
0x9d: {  	_ =	swait.ge [sflag:s17], $0x800  }
0x9e: {  	[sflag:s17] =	ssyncset.done $0x0  }
0x9f: {  	[sflag:s17] =	ssyncadd.s32 $0xFFFFF800  }
0xa0: {  	_ =	swait.ge [sflag:s17], $0x800  }
0xa1: {  	[sflag:s17] =	ssyncset.done $0x0  }
0xa2: {  	[sflag:s17] =	ssyncadd.s32 $0xFFFFF800  }
0xa3: {  	_ =	swait.ge [sflag:s17], $0x800  }
0xa4: {  	[sflag:s17] =	ssyncset.done $0x0  }
0xa5: {  	[sflag:s17] =	ssyncadd.s32 $0xFFFFF800  }
0xa6: {  	_ =	swait.ge [sflag:s17], $0x800  }
0xa7: {  	[sflag:s17] =	ssyncset.done $0x0  }
0xa8: {  	s30 =	simm.s32 $0x800;
	[sflag:s17] =	ssyncadd.s32 $0xFFFFF800  }
0xa9: {  	[spmem:s4] =	stream.indirect.scatter.add.f32 [tilespmem:s26], [sflag:$0x2], $0x10, s30, s28, $0xb8;
	[tilespmem:$0x15180] =	vst v63  }
0xaa: {  	_ =	swait.ge [sflag:s25], $0x800  }
0xab: {  	[sflag:s25] =	ssyncset.done $0x0  }
0xac: {  	s26 =	simm.s32 $0x880;
	[sflag:s25] =	ssyncadd.s32 $0xFFFFF800  }
0xad: {  	[spmem:s4] =	stream.indirect.scatter.add.f32 [tilespmem:s0], [sflag:$0x2], $0x10, s26, s28, $0xb8;
	[tilespmem:$0x15180] =	vst v63  }
0xae: {  	_ =	swait.ge [sflag:s25], $0x800  }
0xaf: {  	[sflag:s25] =	ssyncset.done $0x0  }
0xb0: {  	s26 =	simm.s32 $0x900;
	[sflag:s25] =	ssyncadd.s32 $0xFFFFF800  }
0xb1: {  	[spmem:s4] =	stream.indirect.scatter.add.f32 [tilespmem:s15], [sflag:$0x2], $0x10, s26, s28, $0xb8;
	[tilespmem:$0x15180] =	vst v63  }
0xb2: {  	_ =	swait.ge [sflag:s25], $0x800  }
0xb3: {  	[sflag:s25] =	ssyncset.done $0x0  }
0xb4: {  	s26 =	simm.s32 $0x980;
	[sflag:s25] =	ssyncadd.s32 $0xFFFFF800  }
0xb5: {  	[spmem:s4] =	stream.indirect.scatter.add.f32 [tilespmem:s24], [sflag:$0x2], $0x10, s26, s28, $0xb8;
	[tilespmem:$0x15180] =	vst v63  }
0xb6: {  	_ =	swait.ge [sflag:s25], $0x800  }
0xb7: {  	[sflag:s25] =	ssyncset.done $0x0  }
0xb8: {  	s26 =	simm.s32 $0xA00;
	[sflag:s25] =	ssyncadd.s32 $0xFFFFF800  }
0xb9: {  	[spmem:s4] =	stream.indirect.scatter.add.f32 [tilespmem:s20], [sflag:$0x2], $0x10, s26, s28, $0xb8;
	[tilespmem:$0x15180] =	vst v63  }
0xba: {  	_ =	swait.ge [sflag:s25], $0x800  }
0xbb: {  	[sflag:s25] =	ssyncset.done $0x0  }
0xbc: {  	s26 =	simm.s32 $0xA80;
	[sflag:s25] =	ssyncadd.s32 $0xFFFFF800  }
0xbd: {  	[spmem:s4] =	stream.indirect.scatter.add.f32 [tilespmem:s11], [sflag:$0x2], $0x10, s26, s28, $0xb8;
	[tilespmem:$0x15180] =	vst v63  }
0xbe: {  	_ =	swait.ge [sflag:s25], $0x800  }
0xbf: {  	[sflag:s25] =	ssyncset.done $0x0  }
0xc0: {  	s26 =	simm.s32 $0xB00;
	[sflag:s25] =	ssyncadd.s32 $0xFFFFF800  }
0xc1: {  	[spmem:s4] =	stream.indirect.scatter.add.f32 [tilespmem:s23], [sflag:$0x2], $0x10, s26, s28, $0xb8;
	[tilespmem:$0x15180] =	vst v63  }
0xc2: {  	_ =	swait.ge [sflag:s25], $0x800  }
0xc3: {  	[sflag:s25] =	ssyncset.done $0x0  }
0xc4: {  	s26 =	simm.s32 $0xB80;
	[sflag:s25] =	ssyncadd.s32 $0xFFFFF800  }
0xc5: {  	[spmem:s4] =	stream.indirect.scatter.add.f32 [tilespmem:s18], [sflag:$0x2], $0x10, s26, s28, $0xb8;
	[tilespmem:$0x15180] =	vst v63  }
0xc6: {  	_ =	swait.ge [sflag:s25], $0x800  }
0xc7: {  	[sflag:s25] =	ssyncset.done $0x0  }
0xc8: {  	s26 =	simm.s32 $0xC00;
	[sflag:s25] =	ssyncadd.s32 $0xFFFFF800  }
0xc9: {  	[spmem:s4] =	stream.indirect.scatter.add.f32 [tilespmem:s31], [sflag:$0x2], $0x10, s26, s28, $0xb8;
	[tilespmem:$0x15180] =	vst v63  }
0xca: {  	_ =	swait.ge [sflag:s25], $0x800  }
0xcb: {  	[sflag:s25] =	ssyncset.done $0x0  }
0xcc: {  	s26 =	simm.s32 $0xC80;
	[sflag:s25] =	ssyncadd.s32 $0xFFFFF800  }
0xcd: {  	[spmem:s4] =	stream.indirect.scatter.add.f32 [tilespmem:s16], [sflag:$0x2], $0x10, s26, s28, $0xb8;
	[tilespmem:$0x15180] =	vst v63  }
0xce: {  	_ =	swait.ge [sflag:s25], $0x800  }
0xcf: {  	[sflag:s25] =	ssyncset.done $0x0  }
0xd0: {  	s26 =	simm.s32 $0xD00;
	[sflag:s25] =	ssyncadd.s32 $0xFFFFF800  }
0xd1: {  	[spmem:s4] =	stream.indirect.scatter.add.f32 [tilespmem:s21], [sflag:$0x2], $0x10, s26, s28, $0xb8;
	[tilespmem:$0x15180] =	vst v63  }
0xd2: {  	_ =	swait.ge [sflag:s25], $0x800  }
0xd3: {  	[sflag:s25] =	ssyncset.done $0x0  }
0xd4: {  	s26 =	simm.s32 $0xD80;
	[sflag:s25] =	ssyncadd.s32 $0xFFFFF800  }
0xd5: {  	[spmem:s4] =	stream.indirect.scatter.add.f32 [tilespmem:s22], [sflag:$0x2], $0x10, s26, s28, $0xb8;
	[tilespmem:$0x15180] =	vst v63  }
0xd6: {  	_ =	swait.ge [sflag:s25], $0x800  }
0xd7: {  	[sflag:s25] =	ssyncset.done $0x0  }
0xd8: {  	s26 =	simm.s32 $0xE00;
	[sflag:s25] =	ssyncadd.s32 $0xFFFFF800  }
0xd9: {  	[spmem:s4] =	stream.indirect.scatter.add.f32 [tilespmem:s5], [sflag:$0x2], $0x10, s26, s28, $0xb8;
	[tilespmem:$0x15180] =	vst v63  }
0xda: {  	_ =	swait.ge [sflag:s25], $0x800  }
0xdb: {  	[sflag:s25] =	ssyncset.done $0x0  }
0xdc: {  	s26 =	simm.s32 $0xE80;
	[sflag:s25] =	ssyncadd.s32 $0xFFFFF800  }
0xdd: {  	[spmem:s4] =	stream.indirect.scatter.add.f32 [tilespmem:s13], [sflag:$0x2], $0x10, s26, s28, $0xb8;
	[tilespmem:$0x15180] =	vst v63  }
0xde: {  	_ =	swait.ge [sflag:s25], $0x800  }
0xdf: {  	[sflag:s25] =	ssyncset.done $0x0  }
0xe0: {  	s26 =	simm.s32 $0xF00;
	[sflag:s25] =	ssyncadd.s32 $0xFFFFF800  }
0xe1: {  	[spmem:s4] =	stream.indirect.scatter.add.f32 [tilespmem:s19], [sflag:$0x2], $0x10, s26, s28, $0xb8;
	[tilespmem:$0x15180] =	vst v63  }
0xe2: {  	_ =	swait.ge [sflag:s25], $0x800  }
0xe3: {  	[sflag:s25] =	ssyncset.done $0x0  }
0xe4: {  	s26 =	simm.s32 $0xF80;
	[sflag:s25] =	ssyncadd.s32 $0xFFFFF800  }
0xe5: {  	[spmem:s4] =	stream.indirect.scatter.add.f32 [tilespmem:s29], [sflag:$0x2], $0x10, s26, s28, $0xb8;
	[tilespmem:$0x15180] =	vst v63  }
0xe6: {  	_ =	swait.ge [sflag:s25], $0x800  }
0xe7: {  	s14 =	sadd.s32 $0x1, s14;
	s26 =	rddreg [dreg:$0xc]  }
0xe8: {  	p1 =	sne.s32 s14, s26  }
.Ltmp2:
0xe9: {  	_ = 	snop;
	(pc) =	sbr.rel @p1 .LBB2_4-.Ltmp2, $3  }
0xea: {  	_ =	sdelay $0x1  }
0xeb: {  	[sflag:s25] =	ssyncset.done $0x0  }
0xec: {  	s9 =	simm.s32 $0x0;
	[sflag:s25] =	ssyncadd.s32 $0xFFFFF800  }
0xed: {  	s12 =	simm.s32 $0x0  }
.LBB2_8:
0xee: {  	s14 =	rddreg [dreg:$0xa]  }
0xef: {  	s14 =	sadd.s32 s14, s12  }
0xf0: {  	s14 =	sshll.u32 s14, $0x8  }
0xf1: {  	s14 =	sand.u32 $0x1FFFFF00, s14  }
0xf2: {  	s26 =	rddreg [dreg:$0x7];
	s14 =	sadd.s32 $0x31000, s14  }
0xf3: {  	s26 =	sadd.s32 s26, s14  }
0xf4: {  	[tilespmem:s9], [sflag:$0x2] =	stream.linear.gather [hbm4b:s26+s9], $0x800, $0x38;
	[tilespmem:$0x15180] =	vst v63  }
0xf5: {  	_ =	swait.ge [sflag:s25], $0x800  }
0xf6: {  	[sflag:s25] =	ssyncset.done $0x0;
	s26 =	rddreg [dreg:$0x8]  }
0xf7: {  	[sflag:s25] =	ssyncadd.s32 $0xFFFFF800;
	s14 =	sadd.s32 s26, s14  }
0xf8: {  	[tilespmem:s30], [sflag:$0x2] =	stream.linear.gather [hbm4b:s14+s9], $0x800, $0x38;
	[tilespmem:$0x15180] =	vst v63  }
0xf9: {  	_ =	swait.ge [sflag:s25], $0x800  }
0xfa: {  	[sflag:s25] =	ssyncset.done $0x0  }
0xfb: {  	s26 =	simm.s32 $0x0;
	[sflag:s25] =	ssyncadd.s32 $0xFFFFF800  }
0xfc: {  	v1 =	vld [tilespmem:s26+$0x70]  }
0xfd: {  	v3 =	vld [tilespmem:s26+$0x0]  }
0xfe: {  	v7 =	vld [tilespmem:s26+$0x10]  }
0xff: {  	v5 =	vld [tilespmem:s26+$0x20]  }
0x100: {  	v4 =	vld [tilespmem:s26+$0x30]  }
0x101: {  	v2 =	vld [tilespmem:s26+$0x40];
	v6 =	vshll.u32 v1, $0x1  }
0x102: {  	v1 =	vld [tilespmem:s26+$0x50];
	v8 =	vshll.u32 v3, $0x1;
	v9 =	vor.u32 $0x1, v6  }
0x103: {  	s14 =	simm.s32 $0x80;
	s30 =	simm.s32 $0x400;
	v3 =	vld [tilespmem:s26+$0x60];
	v7 =	vshll.u32 v7, $0x1;
	v6 =	vor.u32 $0x1, v8;
	[tilespmem:s26+$0x1070] =	vst v9  }
.LBB2_9:
0x104: {  	p1 =	sne.s32 s30, $0x1E00;
	v8 =	vld [tilespmem:s14+$0x70];
	[tilespmem:s26+$0x1000] =	vst v6;
	v6 =	vor.u32 $0x1, v7;
	v5 =	vshll.u32 v5, $0x1  }
0x105: {  	v7 =	vld [tilespmem:s14+$0x0];
	[tilespmem:s26+$0x1010] =	vst v6;
	v5 =	vor.u32 $0x1, v5;
	v4 =	vshll.u32 v4, $0x1  }
0x106: {  	v9 =	vld [tilespmem:s14+$0x10];
	[tilespmem:s26+$0x1020] =	vst v5;
	v4 =	vor.u32 $0x1, v4;
	v2 =	vshll.u32 v2, $0x1  }
.Ltmp3:
0x107: {  	v5 =	vld [tilespmem:s14+$0x20];
	[tilespmem:s26+$0x1030] =	vst v4;
	v2 =	vor.u32 $0x1, v2;
	v1 =	vshll.u32 v1, $0x1;
	(pc) =	sbr.rel @p1 .LBB2_9-.Ltmp3, $4  }
0x108: {  	v4 =	vld [tilespmem:s14+$0x30];
	[tilespmem:s26+$0x1040] =	vst v2;
	v1 =	vor.u32 $0x1, v1;
	v3 =	vshll.u32 v3, $0x1  }
0x109: {  	v2 =	vld [tilespmem:s14+$0x40];
	v6 =	vshll.u32 v8, $0x1;
	[tilespmem:s26+$0x1050] =	vst v1;
	v3 =	vor.u32 $0x1, v3  }
0x10a: {  	v7 =	vshll.u32 v7, $0x1;
	v1 =	vld [tilespmem:s14+$0x50];
	v8 =	vor.u32 $0x1, v6;
	[tilespmem:s26+$0x1060] =	vst v3;
	s26 =	smov.u32 s14  }
0x10b: {  	s14 =	sshra.s32 s30, $0x2;
	s30 =	sadd.s32 $0x200, s30;
	v6 =	vor.u32 $0x1, v7;
	v7 =	vshll.u32 v9, $0x1;
	v3 =	vld [tilespmem:s26+$0x60];
	[tilespmem:s26+$0x1070] =	vst v8  }
0x10c: {  	v8 =	vld [tilespmem:s14+$0x70];
	[tilespmem:s26+$0x1000] =	vst v6;
	v61 =	vor.u32 $0x1, v7;
	v5 =	vshll.u32 v5, $0x1  }
0x10d: {  	v62 =	vld [tilespmem:s14+$0x0];
	[tilespmem:s26+$0x1010] =	vst v61;
	v5 =	vor.u32 $0x1, v5;
	v4 =	vshll.u32 v4, $0x1  }
0x10e: {  	v6 =	vld [tilespmem:s14+$0x10];
	[tilespmem:s26+$0x1020] =	vst v5;
	v4 =	vor.u32 $0x1, v4;
	v2 =	vshll.u32 v2, $0x1  }
0x10f: {  	v5 =	vld [tilespmem:s14+$0x20];
	[tilespmem:s26+$0x1030] =	vst v4;
	v2 =	vor.u32 $0x1, v2;
	v1 =	vshll.u32 v1, $0x1  }
0x110: {  	v4 =	vld [tilespmem:s14+$0x30];
	[tilespmem:s26+$0x1040] =	vst v2;
	v1 =	vor.u32 $0x1, v1;
	v3 =	vshll.u32 v3, $0x1  }
0x111: {  	v2 =	vld [tilespmem:s14+$0x40];
	[tilespmem:s26+$0x1050] =	vst v1;
	v1 =	vor.u32 $0x1, v3  }
0x112: {  	v3 =	vld [tilespmem:s14+$0x50];
	[tilespmem:s26+$0x1060] =	vst v1;
	v1 =	vshll.u32 v8, $0x1  }
0x113: {  	v7 =	vshll.u32 v62, $0x1;
	v1 =	vor.u32 $0x1, v1  }
0x114: {  	v63 =	vld [tilespmem:s14+$0x60];
	v7 =	vor.u32 $0x1, v7;
	v6 =	vshll.u32 v6, $0x1;
	[tilespmem:s14+$0x1070] =	vst v1  }
0x115: {  	[tilespmem:s14+$0x1000] =	vst v7;
	v1 =	vor.u32 $0x1, v6;
	v5 =	vshll.u32 v5, $0x1  }
0x116: {  	[tilespmem:s14+$0x1010] =	vst v1;
	v1 =	vor.u32 $0x1, v5;
	v4 =	vshll.u32 v4, $0x1  }
0x117: {  	[tilespmem:s14+$0x1020] =	vst v1;
	v1 =	vor.u32 $0x1, v4;
	v2 =	vshll.u32 v2, $0x1  }
0x118: {  	[tilespmem:s14+$0x1030] =	vst v1;
	v1 =	vor.u32 $0x1, v2;
	v2 =	vshll.u32 v3, $0x1  }
0x119: {  	[tilespmem:s14+$0x1040] =	vst v1;
	v1 =	vor.u32 $0x1, v2;
	v2 =	vshll.u32 v63, $0x1  }
0x11a: {  	[tilespmem:s14+$0x1050] =	vst v1;
	v1 =	vor.u32 $0x1, v2  }
0x11b: {  	s26 =	simm.s32 $0x1800;
	[tilespmem:s14+$0x1060] =	vst v1;
	s14 =	simm.s32 $0x1000  }
0x11c: {  	[tilespmem:s26], [sflag:$0x1] =	stream.indirect.gather [hbm4b:s10+s28], $0x10, s14, s28, $0xb8;
	[tilespmem:$0x15180] =	vst v63  }
0x11d: {  	s14 =	simm.s32 $0x1080  }
0x11e: {  	[tilespmem:s0], [sflag:$0x1] =	stream.indirect.gather [hbm4b:s10+s28], $0x10, s14, s28, $0xb8;
	[tilespmem:$0x15180] =	vst v63  }
0x11f: {  	s14 =	simm.s32 $0x1100  }
0x120: {  	[tilespmem:s15], [sflag:$0x1] =	stream.indirect.gather [hbm4b:s10+s28], $0x10, s14, s28, $0xb8;
	[tilespmem:$0x15180] =	vst v63  }
0x121: {  	s14 =	simm.s32 $0x1180  }
0x122: {  	[tilespmem:s24], [sflag:$0x1] =	stream.indirect.gather [hbm4b:s10+s28], $0x10, s14, s28, $0xb8;
	[tilespmem:$0x15180] =	vst v63  }
0x123: {  	s14 =	simm.s32 $0x1200  }
0x124: {  	[tilespmem:s20], [sflag:$0x1] =	stream.indirect.gather [hbm4b:s10+s28], $0x10, s14, s28, $0xb8;
	[tilespmem:$0x15180] =	vst v63  }
0x125: {  	s14 =	simm.s32 $0x1280  }
0x126: {  	[tilespmem:s11], [sflag:$0x1] =	stream.indirect.gather [hbm4b:s10+s28], $0x10, s14, s28, $0xb8;
	[tilespmem:$0x15180] =	vst v63  }
0x127: {  	s14 =	simm.s32 $0x1300  }
0x128: {  	[tilespmem:s23], [sflag:$0x1] =	stream.indirect.gather [hbm4b:s10+s28], $0x10, s14, s28, $0xb8;
	[tilespmem:$0x15180] =	vst v63  }
0x129: {  	s14 =	simm.s32 $0x1380  }
0x12a: {  	[tilespmem:s18], [sflag:$0x1] =	stream.indirect.gather [hbm4b:s10+s28], $0x10, s14, s28, $0xb8;
	[tilespmem:$0x15180] =	vst v63  }
0x12b: {  	s14 =	simm.s32 $0x1400  }
0x12c: {  	[tilespmem:s31], [sflag:$0x1] =	stream.indirect.gather [hbm4b:s10+s28], $0x10, s14, s28, $0xb8;
	[tilespmem:$0x15180] =	vst v63  }
0x12d: {  	s14 =	simm.s32 $0x1480  }
0x12e: {  	[tilespmem:s16], [sflag:$0x1] =	stream.indirect.gather [hbm4b:s10+s28], $0x10, s14, s28, $0xb8;
	[tilespmem:$0x15180] =	vst v63  }
0x12f: {  	s14 =	simm.s32 $0x1500  }
0x130: {  	[tilespmem:s21], [sflag:$0x1] =	stream.indirect.gather [hbm4b:s10+s28], $0x10, s14, s28, $0xb8;
	[tilespmem:$0x15180] =	vst v63  }
0x131: {  	s14 =	simm.s32 $0x1580  }
0x132: {  	[tilespmem:s22], [sflag:$0x1] =	stream.indirect.gather [hbm4b:s10+s28], $0x10, s14, s28, $0xb8;
	[tilespmem:$0x15180] =	vst v63  }
0x133: {  	s14 =	simm.s32 $0x1600  }
0x134: {  	[tilespmem:s5], [sflag:$0x1] =	stream.indirect.gather [hbm4b:s10+s28], $0x10, s14, s28, $0xb8;
	[tilespmem:$0x15180] =	vst v63  }
0x135: {  	s14 =	simm.s32 $0x1680  }
0x136: {  	[tilespmem:s13], [sflag:$0x1] =	stream.indirect.gather [hbm4b:s10+s28], $0x10, s14, s28, $0xb8;
	[tilespmem:$0x15180] =	vst v63  }
0x137: {  	s14 =	simm.s32 $0x1700  }
0x138: {  	[tilespmem:s19], [sflag:$0x1] =	stream.indirect.gather [hbm4b:s10+s28], $0x10, s14, s28, $0xb8;
	[tilespmem:$0x15180] =	vst v63  }
0x139: {  	s14 =	simm.s32 $0x1780  }
0x13a: {  	[tilespmem:s29], [sflag:$0x1] =	stream.indirect.gather [hbm4b:s10+s28], $0x10, s14, s28, $0xb8;
	[tilespmem:$0x15180] =	vst v63  }
0x13b: {  	_ =	swait.ge [sflag:s17], $0x800  }
0x13c: {  	[sflag:s17] =	ssyncset.done $0x0  }
0x13d: {  	[sflag:s17] =	ssyncadd.s32 $0xFFFFF800  }
0x13e: {  	_ =	swait.ge [sflag:s17], $0x800  }
0x13f: {  	[sflag:s17] =	ssyncset.done $0x0  }
0x140: {  	[sflag:s17] =	ssyncadd.s32 $0xFFFFF800  }
0x141: {  	_ =	swait.ge [sflag:s17], $0x800  }
0x142: {  	[sflag:s17] =	ssyncset.done $0x0  }
0x143: {  	[sflag:s17] =	ssyncadd.s32 $0xFFFFF800  }
0x144: {  	_ =	swait.ge [sflag:s17], $0x800  }
0x145: {  	[sflag:s17] =	ssyncset.done $0x0  }
0x146: {  	[sflag:s17] =	ssyncadd.s32 $0xFFFFF800  }
0x147: {  	_ =	swait.ge [sflag:s17], $0x800  }
0x148: {  	[sflag:s17] =	ssyncset.done $0x0  }
0x149: {  	[sflag:s17] =	ssyncadd.s32 $0xFFFFF800  }
0x14a: {  	_ =	swait.ge [sflag:s17], $0x800  }
0x14b: {  	[sflag:s17] =	ssyncset.done $0x0  }
0x14c: {  	[sflag:s17] =	ssyncadd.s32 $0xFFFFF800  }
0x14d: {  	_ =	swait.ge [sflag:s17], $0x800  }
0x14e: {  	[sflag:s17] =	ssyncset.done $0x0  }
0x14f: {  	[sflag:s17] =	ssyncadd.s32 $0xFFFFF800  }
0x150: {  	_ =	swait.ge [sflag:s17], $0x800  }
0x151: {  	[sflag:s17] =	ssyncset.done $0x0  }
0x152: {  	[sflag:s17] =	ssyncadd.s32 $0xFFFFF800  }
0x153: {  	_ =	swait.ge [sflag:s17], $0x800  }
0x154: {  	[sflag:s17] =	ssyncset.done $0x0  }
0x155: {  	[sflag:s17] =	ssyncadd.s32 $0xFFFFF800  }
0x156: {  	_ =	swait.ge [sflag:s17], $0x800  }
0x157: {  	[sflag:s17] =	ssyncset.done $0x0  }
0x158: {  	[sflag:s17] =	ssyncadd.s32 $0xFFFFF800  }
0x159: {  	_ =	swait.ge [sflag:s17], $0x800  }
0x15a: {  	[sflag:s17] =	ssyncset.done $0x0  }
0x15b: {  	[sflag:s17] =	ssyncadd.s32 $0xFFFFF800  }
0x15c: {  	_ =	swait.ge [sflag:s17], $0x800  }
0x15d: {  	[sflag:s17] =	ssyncset.done $0x0  }
0x15e: {  	[sflag:s17] =	ssyncadd.s32 $0xFFFFF800  }
0x15f: {  	_ =	swait.ge [sflag:s17], $0x800  }
0x160: {  	[sflag:s17] =	ssyncset.done $0x0  }
0x161: {  	[sflag:s17] =	ssyncadd.s32 $0xFFFFF800  }
0x162: {  	_ =	swait.ge [sflag:s17], $0x800  }
0x163: {  	[sflag:s17] =	ssyncset.done $0x0  }
0x164: {  	[sflag:s17] =	ssyncadd.s32 $0xFFFFF800  }
0x165: {  	_ =	swait.ge [sflag:s17], $0x800  }
0x166: {  	[sflag:s17] =	ssyncset.done $0x0  }
0x167: {  	[sflag:s17] =	ssyncadd.s32 $0xFFFFF800  }
0x168: {  	_ =	swait.ge [sflag:s17], $0x800  }
0x169: {  	[sflag:s17] =	ssyncset.done $0x0  }
0x16a: {  	s30 =	simm.s32 $0x800;
	[sflag:s17] =	ssyncadd.s32 $0xFFFFF800  }
0x16b: {  	[spmem:s6] =	stream.indirect.scatter.add.f32 [tilespmem:s26], [sflag:$0x2], $0x10, s30, s28, $0xb8;
	[tilespmem:$0x15180] =	vst v63  }
0x16c: {  	_ =	swait.ge [sflag:s25], $0x800  }
0x16d: {  	[sflag:s25] =	ssyncset.done $0x0  }
0x16e: {  	s26 =	simm.s32 $0x880;
	[sflag:s25] =	ssyncadd.s32 $0xFFFFF800  }
0x16f: {  	[spmem:s6] =	stream.indirect.scatter.add.f32 [tilespmem:s0], [sflag:$0x2], $0x10, s26, s28, $0xb8;
	[tilespmem:$0x15180] =	vst v63  }
0x170: {  	_ =	swait.ge [sflag:s25], $0x800  }
0x171: {  	[sflag:s25] =	ssyncset.done $0x0  }
0x172: {  	s26 =	simm.s32 $0x900;
	[sflag:s25] =	ssyncadd.s32 $0xFFFFF800  }
0x173: {  	[spmem:s6] =	stream.indirect.scatter.add.f32 [tilespmem:s15], [sflag:$0x2], $0x10, s26, s28, $0xb8;
	[tilespmem:$0x15180] =	vst v63  }
0x174: {  	_ =	swait.ge [sflag:s25], $0x800  }
0x175: {  	[sflag:s25] =	ssyncset.done $0x0  }
0x176: {  	s26 =	simm.s32 $0x980;
	[sflag:s25] =	ssyncadd.s32 $0xFFFFF800  }
0x177: {  	[spmem:s6] =	stream.indirect.scatter.add.f32 [tilespmem:s24], [sflag:$0x2], $0x10, s26, s28, $0xb8;
	[tilespmem:$0x15180] =	vst v63  }
0x178: {  	_ =	swait.ge [sflag:s25], $0x800  }
0x179: {  	[sflag:s25] =	ssyncset.done $0x0  }
0x17a: {  	s26 =	simm.s32 $0xA00;
	[sflag:s25] =	ssyncadd.s32 $0xFFFFF800  }
0x17b: {  	[spmem:s6] =	stream.indirect.scatter.add.f32 [tilespmem:s20], [sflag:$0x2], $0x10, s26, s28, $0xb8;
	[tilespmem:$0x15180] =	vst v63  }
0x17c: {  	_ =	swait.ge [sflag:s25], $0x800  }
0x17d: {  	[sflag:s25] =	ssyncset.done $0x0  }
0x17e: {  	s26 =	simm.s32 $0xA80;
	[sflag:s25] =	ssyncadd.s32 $0xFFFFF800  }
0x17f: {  	[spmem:s6] =	stream.indirect.scatter.add.f32 [tilespmem:s11], [sflag:$0x2], $0x10, s26, s28, $0xb8;
	[tilespmem:$0x15180] =	vst v63  }
0x180: {  	_ =	swait.ge [sflag:s25], $0x800  }
0x181: {  	[sflag:s25] =	ssyncset.done $0x0  }
0x182: {  	s26 =	simm.s32 $0xB00;
	[sflag:s25] =	ssyncadd.s32 $0xFFFFF800  }
0x183: {  	[spmem:s6] =	stream.indirect.scatter.add.f32 [tilespmem:s23], [sflag:$0x2], $0x10, s26, s28, $0xb8;
	[tilespmem:$0x15180] =	vst v63  }
0x184: {  	_ =	swait.ge [sflag:s25], $0x800  }
0x185: {  	[sflag:s25] =	ssyncset.done $0x0  }
0x186: {  	s26 =	simm.s32 $0xB80;
	[sflag:s25] =	ssyncadd.s32 $0xFFFFF800  }
0x187: {  	[spmem:s6] =	stream.indirect.scatter.add.f32 [tilespmem:s18], [sflag:$0x2], $0x10, s26, s28, $0xb8;
	[tilespmem:$0x15180] =	vst v63  }
0x188: {  	_ =	swait.ge [sflag:s25], $0x800  }
0x189: {  	[sflag:s25] =	ssyncset.done $0x0  }
0x18a: {  	s26 =	simm.s32 $0xC00;
	[sflag:s25] =	ssyncadd.s32 $0xFFFFF800  }
0x18b: {  	[spmem:s6] =	stream.indirect.scatter.add.f32 [tilespmem:s31], [sflag:$0x2], $0x10, s26, s28, $0xb8;
	[tilespmem:$0x15180] =	vst v63  }
0x18c: {  	_ =	swait.ge [sflag:s25], $0x800  }
0x18d: {  	[sflag:s25] =	ssyncset.done $0x0  }
0x18e: {  	s26 =	simm.s32 $0xC80;
	[sflag:s25] =	ssyncadd.s32 $0xFFFFF800  }
0x18f: {  	[spmem:s6] =	stream.indirect.scatter.add.f32 [tilespmem:s16], [sflag:$0x2], $0x10, s26, s28, $0xb8;
	[tilespmem:$0x15180] =	vst v63  }
0x190: {  	_ =	swait.ge [sflag:s25], $0x800  }
0x191: {  	[sflag:s25] =	ssyncset.done $0x0  }
0x192: {  	s26 =	simm.s32 $0xD00;
	[sflag:s25] =	ssyncadd.s32 $0xFFFFF800  }
0x193: {  	[spmem:s6] =	stream.indirect.scatter.add.f32 [tilespmem:s21], [sflag:$0x2], $0x10, s26, s28, $0xb8;
	[tilespmem:$0x15180] =	vst v63  }
0x194: {  	_ =	swait.ge [sflag:s25], $0x800  }
0x195: {  	[sflag:s25] =	ssyncset.done $0x0  }
0x196: {  	s26 =	simm.s32 $0xD80;
	[sflag:s25] =	ssyncadd.s32 $0xFFFFF800  }
0x197: {  	[spmem:s6] =	stream.indirect.scatter.add.f32 [tilespmem:s22], [sflag:$0x2], $0x10, s26, s28, $0xb8;
	[tilespmem:$0x15180] =	vst v63  }
0x198: {  	_ =	swait.ge [sflag:s25], $0x800  }
0x199: {  	[sflag:s25] =	ssyncset.done $0x0  }
0x19a: {  	s26 =	simm.s32 $0xE00;
	[sflag:s25] =	ssyncadd.s32 $0xFFFFF800  }
0x19b: {  	[spmem:s6] =	stream.indirect.scatter.add.f32 [tilespmem:s5], [sflag:$0x2], $0x10, s26, s28, $0xb8;
	[tilespmem:$0x15180] =	vst v63  }
0x19c: {  	_ =	swait.ge [sflag:s25], $0x800  }
0x19d: {  	[sflag:s25] =	ssyncset.done $0x0  }
0x19e: {  	s26 =	simm.s32 $0xE80;
	[sflag:s25] =	ssyncadd.s32 $0xFFFFF800  }
0x19f: {  	[spmem:s6] =	stream.indirect.scatter.add.f32 [tilespmem:s13], [sflag:$0x2], $0x10, s26, s28, $0xb8;
	[tilespmem:$0x15180] =	vst v63  }
0x1a0: {  	_ =	swait.ge [sflag:s25], $0x800  }
0x1a1: {  	[sflag:s25] =	ssyncset.done $0x0  }
0x1a2: {  	s26 =	simm.s32 $0xF00;
	[sflag:s25] =	ssyncadd.s32 $0xFFFFF800  }
0x1a3: {  	[spmem:s6] =	stream.indirect.scatter.add.f32 [tilespmem:s19], [sflag:$0x2], $0x10, s26, s28, $0xb8;
	[tilespmem:$0x15180] =	vst v63  }
0x1a4: {  	_ =	swait.ge [sflag:s25], $0x800  }
0x1a5: {  	[sflag:s25] =	ssyncset.done $0x0  }
0x1a6: {  	s26 =	simm.s32 $0xF80;
	[sflag:s25] =	ssyncadd.s32 $0xFFFFF800  }
0x1a7: {  	[spmem:s6] =	stream.indirect.scatter.add.f32 [tilespmem:s29], [sflag:$0x2], $0x10, s26, s28, $0xb8;
	[tilespmem:$0x15180] =	vst v63  }
0x1a8: {  	_ =	swait.ge [sflag:s25], $0x800  }
0x1a9: {  	s12 =	sadd.s32 $0x1, s12;
	s26 =	rddreg [dreg:$0xc]  }
0x1aa: {  	p1 =	sne.s32 s12, s26  }
.Ltmp4:
0x1ab: {  	_ = 	snop;
	(pc) =	sbr.rel @p1 .LBB2_8-.Ltmp4, $3  }
0x1ac: {  	_ =	sdelay $0x1  }
0x1ad: {  	[sflag:s25] =	ssyncset.done $0x0  }
0x1ae: {  	[sflag:s25] =	ssyncadd.s32 $0xFFFFF800  }
0x1af: {  	s9 =	stileid.u32;
	[bflag:$0x0] =	sbarrier.arrive $0xFFFF  }
0x1b0: {  	s9 =	sshll.u32 s9, $0x6;
	s12 =	rddreg [dreg:$0x9]  }
0x1b1: {  	s14 =	rddreg [dreg:$0xd];
	s9 =	sor.u32 $0x1C02, s9;
	s12 =	sshrl.u32 s12, $0x3  }
0x1b2: {  	[hbm:s14], [sflag:s9] =	dma.local [spmem:s12], $0x500  }
0x1b3: {  	_ =	swait.ge [sflag:s25], $0x500  }
0x1b4: {  	[sflag:s25] =	ssyncset.done $0x0;
	s14 =	rddreg [dreg:$0xb]  }
0x1b5: {  	s26 =	rddreg [dreg:$0xe];
	[sflag:s25] =	ssyncadd.s32 $0xFFFFFB00;
	s12 =	sshrl.u32 s14, $0x3  }
0x1b6: {  	[hbm:s26], [sflag:s9] =	dma.local [spmem:s12], $0x500  }
0x1b7: {  	_ =	swait.ge [sflag:s25], $0x500  }
0x1b8: {  	s26 =	rddreg [dreg:$0xf]  }
0x1b9: {  	p2 =	sne.s32 s26, $0x1  }
.Ltmp5:
0x1ba: {  	_ = 	snop;
	(pc) =	sbr.rel @!p2 .LBB2_12-.Ltmp5, $4  }
0x1bb: {  	_ = 	snop  }
0x1bc: {  	s30 =	simm.s32 $0xC000  }
0x1bd: {  	[sflag:s25] =	ssyncset.done $0x0;
	s12 =	sadd.s32 $0xFFFFFFFF, s26;
	s26 =	rddreg [dreg:$0x14]  }
0x1be: {  	p1 =	por $0x0, $0x0;
	[sflag:s25] =	ssyncadd.s32 $0xFFFFFB00;
	s9 =	sand.u32 $0x1FFFFFF0, s26  }
0x1bf: {  	s9 =	sadd.s32 s1, s9  }
0x1c0: {  	[tilespmem:s30], [sflag:$0x2] =	stream.linear.gather [hbm4b:s9+s7], $0x80, $0x38;
	[tilespmem:$0x15180] =	vst v63  }
0x1c1: {  	_ =	swait.ge [sflag:s25], $0x80  }
0x1c2: {  	[sflag:s25] =	ssyncset.done $0x0  }
0x1c3: {  	[sflag:s25] =	ssyncadd.s32 $0xFFFFFF80  }
0x1c4: {  	[tilespmem:s8], [sflag:$0x1] =	stream.indirect.gather [hbm4b:s2+s28], $0x80, s30, s28, $0xb8;
	[tilespmem:$0x15180] =	vst v63  }
0x1c5: {  	_ =	swait.ge [sflag:s17], $0x4000  }
0x1c6: {  	p2 =	sne.s32 s12, $0x1;
	s26 =	sadd.s32 $0x10, s26;
	s14 =	rddreg [dreg:$0x13]  }
.Ltmp6:
0x1c7: {  	[sflag:s17] =	ssyncset.done $0x0;
	s9 =	sand.u32 $0x1FFFF800, s14;
	(pc) =	sbr.rel @!p2 .LBB2_14-.Ltmp6, $4  }
0x1c8: {  	p1 =	por $0x1, $0x1;
	[sflag:s17] =	ssyncadd.s32 $0xFFFFC000;
	s9 =	sadd.s32 s3, s9  }
0x1c9: {  	[hbm4b:s9+s7] =	stream.linear.scatter [tilespmem:s8], [sflag:$0x2], $0x4000, $0x38;
	[tilespmem:$0x15180] =	vst v63  }
0x1ca: {  	s30 =	sadd.s32 $0xFFFFFFFF, s12;
	s12 =	sadd.s32 $0x800, s14;
	_ =	swait.ge [sflag:s25], $0x4000  }
0x1cb: {  	s14 =	simm.s32 $0xC000;
	s9 =	sand.u32 $0x1FFFFFF0, s26;
	[sflag:s25] =	ssyncset.done $0x0  }
.LBB2_15:
0x1cc: {  	s9 =	sadd.s32 s1, s9;
	[sflag:s25] =	ssyncadd.s32 $0xFFFFC000;
	s14 =	sadd.s32 $0x80, s14  }
0x1cd: {  	[tilespmem:s14], [sflag:$0x2] =	stream.linear.gather [hbm4b:s9+s7], $0x80, $0x38;
	[tilespmem:$0x15180] =	vst v63  }
0x1ce: {  	p2 =	sne.s32 s30, $0x1;
	s30 =	sadd.s32 $0xFFFFFFFF, s30;
	_ =	swait.ge [sflag:s25], $0x80  }
0x1cf: {  	[sflag:s25] =	ssyncset.done $0x0  }
0x1d0: {  	[sflag:s25] =	ssyncadd.s32 $0xFFFFFF80  }
0x1d1: {  	[tilespmem:s8], [sflag:$0x1] =	stream.indirect.gather [hbm4b:s2+s28], $0x80, s14, s28, $0xb8;
	[tilespmem:$0x15180] =	vst v63  }
0x1d2: {  	_ =	swait.ge [sflag:s17], $0x4000  }
.Ltmp7:
0x1d3: {  	s9 =	sand.u32 $0x1FFFF800, s12;
	[sflag:s17] =	ssyncset.done $0x0;
	(pc) =	sbr.rel @p2 .LBB2_15-.Ltmp7, $4  }
0x1d4: {  	s9 =	sadd.s32 s3, s9;
	[sflag:s17] =	ssyncadd.s32 $0xFFFFC000  }
0x1d5: {  	[hbm4b:s9+s7] =	stream.linear.scatter [tilespmem:s8], [sflag:$0x2], $0x4000, $0x38;
	[tilespmem:$0x15180] =	vst v63  }
0x1d6: {  	s26 =	sadd.s32 $0x10, s26;
	_ =	swait.ge [sflag:s25], $0x4000  }
0x1d7: {  	s12 =	sadd.s32 $0x800, s12;
	s9 =	sand.u32 $0x1FFFFFF0, s26;
	[sflag:s25] =	ssyncset.done $0x0  }
0x1d8: {  	s26 =	rddreg [dreg:$0x15];
	s30 =	simm.s32 $0xC000  }
.LBB2_17:
0x1d9: {  	s14 =	sadd.s32 @p1 $0x80, s14  }
0x1da: {  	s9 =	sadd.s32 s1, s9;
	[sflag:s25] =	ssyncadd.s32 @p1 $0xFFFFC000;
	s30 =	smov.u32 @p1 s14  }
0x1db: {  	[tilespmem:s30], [sflag:$0x2] =	stream.linear.gather [hbm4b:s9+s7], $0x80, $0x38;
	[tilespmem:$0x15180] =	vst v63  }
0x1dc: {  	_ =	swait.ge [sflag:s25], $0x80  }
0x1dd: {  	[sflag:s25] =	ssyncset.done $0x0  }
0x1de: {  	[sflag:s25] =	ssyncadd.s32 $0xFFFFFF80  }
0x1df: {  	[tilespmem:s8], [sflag:$0x1] =	stream.indirect.gather [hbm4b:s2+s28], $0x80, s30, s28, $0xb8;
	[tilespmem:$0x15180] =	vst v63  }
0x1e0: {  	_ =	swait.ge [sflag:s17], $0x4000  }
0x1e1: {  	s14 =	sand.u32 $0x1FFFF800, s12;
	[sflag:s17] =	ssyncset.done $0x0  }
0x1e2: {  	s9 =	sadd.s32 s3, s14;
	[sflag:s17] =	ssyncadd.s32 $0xFFFFC000  }
0x1e3: {  	[hbm4b:s9+s7] =	stream.linear.scatter [tilespmem:s8], [sflag:$0x2], $0x4000, $0x38;
	[tilespmem:$0x15180] =	vst v63  }
0x1e4: {  	_ =	swait.ge [sflag:s25], $0x4000  }
0x1e5: {  	[sflag:s25] =	ssyncset.done $0x0  }
0x1e6: {  	v1 =	vimm.s32 @!p0 $0x0;
	[sflag:s25] =	ssyncadd.s32 $0xFFFFC000  }
0x1e7: {  	[tilespmem:$0xC080] =	vst @!p0 v1  }
0x1e8: {  	[tilespmem:$0xC090] =	vst @!p0 v1  }
0x1e9: {  	[tilespmem:$0xC0A0] =	vst @!p0 v1  }
0x1ea: {  	[tilespmem:$0xC0B0] =	vst @!p0 v1  }
0x1eb: {  	[tilespmem:$0xC0C0] =	vst @!p0 v1  }
0x1ec: {  	[tilespmem:$0xC0D0] =	vst @!p0 v1  }
0x1ed: {  	[tilespmem:$0xC0E0] =	vst @!p0 v1  }
0x1ee: {  	s12 =	simm.s32 @!p0 $0xC080;
	s9 =	simm.s32 @!p0 $0x0;
	s14 =	rddreg [dreg:$0x10];
	[tilespmem:$0xC0F0] =	vst @!p0 v1  }
0x1ef: {  	[tilespmem:s12], [sflag:$0x2] =	stream.linear.gather @!p0 [hbm4b:s14+s9], $0x10, $0x38;
	[tilespmem:$0x15180] =	vst v63  }
0x1f0: {  	s14 =	simm.s32 @!p0 $0x2  }
0x1f1: {  	_ =	swait.ge @!p0 [sflag:s14], $0x10  }
0x1f2: {  	[sflag:s14] =	ssyncset.done @!p0 $0x0  }
0x1f3: {  	s30 =	simm.s32 @!p0 $0xC180;
	s9 =	simm.s32 @!p0 $0x80;
	[sflag:s14] =	ssyncadd.s32 @!p0 $0xFFFFFFF0  }
0x1f4: {  	[tilespmem:s30], [sflag:$0x1] =	stream.indirect.gather @!p0 [hbm4b:s2+s9], $0x80, s12, s9, $0xb8;
	[tilespmem:$0x15180] =	vst v63  }
0x1f5: {  	s12 =	simm.s32 @!p0 $0x1  }
0x1f6: {  	_ =	swait.ge @!p0 [sflag:s12], $0x4000  }
0x1f7: {  	[sflag:s12] =	ssyncset.done @!p0 $0x0  }
0x1f8: {  	s9 =	simm.s32 @!p0 $0x0;
	[sflag:s12] =	ssyncadd.s32 @!p0 $0xFFFFC000;
	s12 =	rddreg [dreg:$0x11]  }
0x1f9: {  	[hbm4b:s12+s9] =	stream.linear.scatter @!p0 [tilespmem:s30], [sflag:$0x2], $0x4000, $0x38;
	[tilespmem:$0x15180] =	vst v63  }
0x1fa: {  	_ =	swait.ge @!p0 [sflag:s14], $0x4000  }
0x1fb: {  	s26 =	sadd.s32 $0x1, s26;
	s12 =	rddreg [dreg:$0x12]  }
0x1fc: {  	p1 =	sne.s32 s26, s12  }
.Ltmp8:
0x1fd: {  	_ = 	snop;
	(pc) =	sbr.rel @p1 .LBB2_1-.Ltmp8, $4  }
.Ltmp9:
0x1fe: {  	_ = 	snop;
	(pc) =	sbr.rel @!p1 .LBB2_18-.Ltmp9, $4  }
0x1ff: {  	_ = 	snop  }
0x200: {  	[sflag:s14] =	ssyncset.done @!p0 $0x0  }
0x201: {  	s30 =	simm.s32 $0x800;
	[sflag:s14] =	ssyncadd.s32 @!p0 $0xFFFFC000  }
0x202: {  	_ = 	snop  }
.LBB2_12:
.Ltmp10:
0x203: {  	(pc) =	sbr.rel .LBB2_17-.Ltmp10, $3  }
0x204: {  	_ =	sdelay $0x1  }
0x205: {  	s12 =	rddreg [dreg:$0x13]  }
0x206: {  	s14 =	simm.s32 $0xC000;
	s26 =	rddreg [dreg:$0x15]  }
.LBB2_14:
.Ltmp11:
0x207: {  	(pc) =	sbr.rel .LBB2_17-.Ltmp11, $2  }
0x208: {  	_ =	sdelay $0x2  }
0x209: {  	s14 =	simm.s32 $0xC000;
	s26 =	rddreg [dreg:$0x15];
	s30 =	simm.s32 $0xC000  }
.LBB2_18:
0x20a: {  	_ =	sfence.sel $0x180000  }
0x20b: {  	[bflag:$0x0] =	sbarrier.arrive $0xFFFF  }
0x20c: {  	_ =	strace $0x90000047  }
0x20d: {  	s0 =	stileid.u32;
	[bflag:$0x2] =	sbarrier.arrive $0xFFFF  }
0x20e: {  	p0 =	sne.s32 s0, $0x0;
	s0 =	rddreg [dreg:$0x6]  }
0x20f: {  	s0 =	sadd.s32 @!p0 $0x100000, s0  }
0x210: {  	[sflag:s0] =	ssyncadd.tile.s32 @!p0 $0x1;
	_ =	shalt  }
.Lfunc_end2:
_tile_overlayer_lowered:
.L_overlay_start_2:
0x211: {  	(tag) =	ssettag $0x2  }
0x212: {  	s0 =	rddreg [dreg:$0x0];
	s2 =	stileid.u32  }
0x213: {  	s1 =	rddreg [dreg:$0x1];
	p0 =	sne.s32 s2, $0x0  }
0x214: {  	s3 =	rddreg [dreg:$0x2];
	[bflag:$0x3] =	sbarrier.arrive $0xFFFF;
	s2 =	simm.s32 @!p0 $0x1C02  }
0x215: {  	[timem:s3], [sflag:s2] =	dma.local @!p0 [hbm:s0], s1  }
0x216: {  	s0 =	simm.s32 @!p0 $0x2  }
0x217: {  	_ =	swait.ge @!p0 [sflag:s0], s1  }
0x218: {  	s1 =	ssub.s32 @!p0 $0x0, s1;
	[sflag:s0] =	ssyncset.done @!p0 $0x0  }
0x219: {  	[sflag:s0] =	ssyncadd.s32 @!p0 s1  }
0x21a: {  	[bflag:$0x3] =	sbarrier.arrive $0xFFFF  }
0x21b: {  	_ =	shalt  }

</sc_bundles>
